<compile_context>
chip_gen: v7x
topology: tpu7x:2x2x1
jax: 0.10.2.dev20260603
libtpu: 0.0.44.dev20260713+nightly
codegen_flags: <defaults>
</compile_context>

<pallas_src>
import functools

import jax
import jax.numpy as jnp
from jax import lax
from jax.experimental import pallas as pl
from jax.experimental.pallas import tpu as pltpu
from jax.experimental.pallas import tpu_sc as plsc

NC = 2
NS = 16
NW = NC * NS
LANES = 16
NBUF = 4
BPC = 2
EPS = 1e-12


def _fast_rsqrt(x):
    i = plsc.bitcast(x, jnp.int32)
    i = jnp.int32(0x5F3759DF) - lax.shift_right_logical(i, 1)
    y = plsc.bitcast(i, jnp.float32)
    for _ in range(2):
        y = y * (1.5 - 0.5 * x * y * y)
    return y


def _make_sc_kernel(n_batch, seq, embed):
    mesh = plsc.VectorSubcoreMesh(
        core_axis_name="c", subcore_axis_name="s", num_cores=NC, num_subcores=NS
    )
    c_rows = BPC * seq
    n_iter = n_batch // (NW * BPC)

    @functools.partial(
        pl.kernel,
        mesh=mesh,
        out_type=jax.ShapeDtypeStruct((n_batch, seq, embed), jnp.float32),
        compiler_params=pltpu.CompilerParams(
            needs_layout_passes=False, use_tc_tiling_on_sc=False
        ),
        scratch_types=[
            [pltpu.VMEM((c_rows,), jnp.int32) for _ in range(NBUF)],
            [pltpu.VMEM((c_rows, embed), jnp.float32) for _ in range(NBUF)],
            pltpu.VMEM((embed,), jnp.float32),
            pltpu.VMEM((embed,), jnp.float32),
            [pltpu.SemaphoreType.DMA for _ in range(NBUF)],
            [pltpu.SemaphoreType.DMA for _ in range(NBUF)],
            [pltpu.SemaphoreType.DMA for _ in range(NBUF)],
        ],
    )
    def body(ids_hbm, table_hbm, gamma_hbm, beta_hbm, out_hbm,
             idxbs, bufs, gv, bv, sxs, sis, sos):
        w = lax.axis_index("s") * NC + lax.axis_index("c")
        pltpu.sync_copy(gamma_hbm, gv)
        pltpu.sync_copy(beta_hbm, bv)

        lane = lax.iota(jnp.int32, LANES)
        inv_e = jnp.float32(1.0 / embed)

        perms = [lane ^ (1 << t) for t in range(4)]

        def xlsum(v):
            for p in perms:
                v = v + jnp.take_along_axis(
                    v, p, axis=0, mode="promise_in_bounds"
                )
            return v

        nq = embed // LANES

        def compute(buf):
            gvecs = [gv[pl.ds(k * LANES, LANES)] for k in range(nq)]
            bvecs = [bv[pl.ds(k * LANES, LANES)] for k in range(nq)]

            @plsc.parallel_loop(0, c_rows, unroll=4)
            def ln_row(r):
                xs = [buf[r, pl.ds(k * LANES, LANES)] for k in range(nq)]
                s = xs[0] + xs[1] + xs[2] + xs[3]
                sq = (xs[0] * xs[0] + xs[1] * xs[1]
                      + xs[2] * xs[2] + xs[3] * xs[3])
                mean = xlsum(s) * inv_e
                var = jnp.maximum(xlsum(sq) * inv_e - mean * mean, 0.0)
                rstd = _fast_rsqrt(var + EPS)
                m2 = mean * rstd
                for k in range(nq):
                    y = (xs[k] * rstd - m2) * gvecs[k] + bvecs[k]
                    buf[r, pl.ds(k * LANES, LANES)] = y

        def batch0(i):
            return (w * n_iter + i) * BPC

        def start_idx(i, b):
            pltpu.async_copy(ids_hbm.at[pl.ds(batch0(i) * seq, c_rows)],
                             idxbs[b], sxs[b])

        def wait_idx(i, b):
            pltpu.make_async_copy(
                ids_hbm.at[pl.ds(batch0(i) * seq, c_rows)], idxbs[b], sxs[b]
            ).wait()

        def start_in(b):
            pltpu.async_copy(table_hbm.at[idxbs[b]], bufs[b], sis[b])

        def wait_in(b):
            pltpu.make_async_copy(table_hbm.at[idxbs[b]], bufs[b], sis[b]).wait()

        def start_out(i, b):
            for j in range(BPC):
                pltpu.async_copy(bufs[b].at[pl.ds(j * seq, seq)],
                                 out_hbm.at[batch0(i) + j], sos[b])

        def wait_out(i, b):
            for j in range(BPC):
                pltpu.make_async_copy(
                    bufs[b].at[pl.ds(j * seq, seq)],
                    out_hbm.at[batch0(i) + j], sos[b]
                ).wait()

        start_idx(0, 0)
        start_idx(1, 1)
        start_idx(2, 2)
        wait_idx(0, 0)
        start_in(0)
        wait_idx(1, 1)
        start_in(1)

        def step(i, b):
            wait_in(b)

            b3 = (b + 3) % NBUF

            @pl.when(i + 3 < n_iter)
            def _():
                start_idx(i + 3, b3)

            compute(bufs[b])
            start_out(i, b)

            j = i + 2
            b2 = (b + 2) % NBUF

            @pl.when(j < n_iter)
            def _():
                @pl.when(j >= NBUF)
                def _():
                    wait_out(j - NBUF, b2)

                wait_idx(j, b2)
                start_in(b2)

        def outer(o, _):
            for b in range(NBUF):
                step(o * NBUF + b, b)
            return 0

        lax.fori_loop(0, n_iter // NBUF, outer, 0)
        for b in range(NBUF):
            wait_out(n_iter - NBUF + b, b)

    return body


def kernel(input_ids, table, gamma, beta):
    n_batch, seq = input_ids.shape
    vocab, embed = table.shape
    assert n_batch % (NW * BPC) == 0 and embed % LANES == 0

    sc = _make_sc_kernel(n_batch, seq, embed)
    ids = input_ids.astype(jnp.int32).reshape(-1)
    return sc(ids, table, gamma, beta)

# --- scband reference (transcript-rebuilt; emitter-appended) ---
"""Pipeline reference for scband-embedding-584115552767 (READ-ONLY COPY).

The authoritative reference and input builder live on the scoring server;
editing this copy changes nothing except your own understanding.
"""

import jax, jax.numpy as jnp
import numpy as np

VOCAB = 1000000
EMBED = 64
BATCH = 4096
SEQ = 200
PADDING_IDX = 0
EPS = 1e-12


def setup_inputs(seed: int = 0) -> dict:
    key = jax.random.key(seed)
    k1, k2 = jax.random.split(key, 2)
    input_ids = jax.random.randint(k1, (BATCH, SEQ), 0, VOCAB, dtype=jnp.int64 if jax.config.jax_enable_x64 else jnp.int32)
    table = jax.random.normal(k2, (VOCAB, EMBED), dtype=jnp.float32)
    # nn.Embedding with padding_idx initializes that row to zeros
    table = table.at[PADDING_IDX].set(0.0)
    gamma = jnp.ones((EMBED,), dtype=jnp.float32)
    beta = jnp.zeros((EMBED,), dtype=jnp.float32)
    return {"input_ids": input_ids, "table": table, "gamma": gamma, "beta": beta}


def reference(input_ids, table, gamma, beta):
    # word_embedding(input_ids): gather rows from the table
    emb = jnp.take(table, input_ids, axis=0)  # [B, S, E]
    # LayerNorm over last dim
    mean = jnp.mean(emb, axis=-1, keepdims=True)
    var = jnp.mean(jnp.square(emb - mean), axis=-1, keepdims=True)
    normed = (emb - mean) / jnp.sqrt(var + EPS)
    out = normed * gamma + beta
    # Dropout is identity in eval mode
    return out

if __name__ == "__main__":
    import jax
    _d = setup_inputs()
    print(jax.jit(kernel)(*tuple(_d.values())))

</pallas_src>

<mosaic_0001>
#map = affine_map<(d0, d1) -> (0)>
#map1 = affine_map<(d0, d1) -> (0, 0)>
#map2 = affine_map<(d0, d1) -> (0, 0, 0)>
module attributes {stable_mosaic.version = 14 : i64} {
  func.func @body(%arg0: i32, %arg1: i32, %arg2: memref<819200xi32, #tpu.memory_space<hbm>>, %arg3: memref<1000000x64xf32, #tpu.memory_space<hbm>>, %arg4: memref<64xf32, #tpu.memory_space<hbm>>, %arg5: memref<64xf32, #tpu.memory_space<hbm>>, %arg6: memref<4096x200x64xf32, #tpu.memory_space<hbm>>, %arg7: memref<400xi32, #tpu.memory_space<vmem>>, %arg8: memref<400xi32, #tpu.memory_space<vmem>>, %arg9: memref<400xi32, #tpu.memory_space<vmem>>, %arg10: memref<400xi32, #tpu.memory_space<vmem>>, %arg11: memref<400x64xf32, #tpu.memory_space<vmem>>, %arg12: memref<400x64xf32, #tpu.memory_space<vmem>>, %arg13: memref<400x64xf32, #tpu.memory_space<vmem>>, %arg14: memref<400x64xf32, #tpu.memory_space<vmem>>, %arg15: memref<64xf32, #tpu.memory_space<vmem>>, %arg16: memref<64xf32, #tpu.memory_space<vmem>>, %arg17: memref<!tpu.dma_semaphore, #tpu.memory_space<semaphore_mem>>, %arg18: memref<!tpu.dma_semaphore, #tpu.memory_space<semaphore_mem>>, %arg19: memref<!tpu.dma_semaphore, #tpu.memory_space<semaphore_mem>>, %arg20: memref<!tpu.dma_semaphore, #tpu.memory_space<semaphore_mem>>, %arg21: memref<!tpu.dma_semaphore, #tpu.memory_space<semaphore_mem>>, %arg22: memref<!tpu.dma_semaphore, #tpu.memory_space<semaphore_mem>>, %arg23: memref<!tpu.dma_semaphore, #tpu.memory_space<semaphore_mem>>, %arg24: memref<!tpu.dma_semaphore, #tpu.memory_space<semaphore_mem>>, %arg25: memref<!tpu.dma_semaphore, #tpu.memory_space<semaphore_mem>>, %arg26: memref<!tpu.dma_semaphore, #tpu.memory_space<semaphore_mem>>, %arg27: memref<!tpu.dma_semaphore, #tpu.memory_space<semaphore_mem>>, %arg28: memref<!tpu.dma_semaphore, #tpu.memory_space<semaphore_mem>>) attributes {dimension_semantics = [#tpu.dimension_semantics<core_parallel>, #tpu.dimension_semantics<subcore_parallel>], iteration_bounds = array<i64: 2, 16>, scalar_prefetch = 0 : i64, scratch_operands = 22 : i64, tpu.core_type = #tpu.core_type<sc_vector_subcore>, window_params = [{transform_indices = #map}, {transform_indices = #map1}, {transform_indices = #map}, {transform_indices = #map}, {transform_indices = #map2}]} {
    %mul3A = arith.constant 2 : i32
    %mul3A_0 = arith.muli %arg1, %mul3A : i32
    %add3A = arith.addi %mul3A_0, %arg0 : i32
    "tpu.region"() ({
      %run_scoped3A = tpu.sem_alloc : memref<!tpu.dma_semaphore, #tpu.memory_space<semaphore_mem>>
      tpu.enqueue_dma source(%arg4 : memref<64xf32, #tpu.memory_space<hbm>>) target(%arg15 : memref<64xf32, #tpu.memory_space<vmem>>) target_semaphore(%run_scoped3A : memref<!tpu.dma_semaphore, #tpu.memory_space<semaphore_mem>>)
      tpu.wait_dma2 semaphore(%run_scoped3A : memref<!tpu.dma_semaphore, #tpu.memory_space<semaphore_mem>>) src(%arg4 : memref<64xf32, #tpu.memory_space<hbm>>) dst(%arg15 : memref<64xf32, #tpu.memory_space<vmem>>)
      tpu.yield
    }) : () -> ()
    "tpu.region"() ({
      %run_scoped3A = tpu.sem_alloc : memref<!tpu.dma_semaphore, #tpu.memory_space<semaphore_mem>>
      tpu.enqueue_dma source(%arg5 : memref<64xf32, #tpu.memory_space<hbm>>) target(%arg16 : memref<64xf32, #tpu.memory_space<vmem>>) target_semaphore(%run_scoped3A : memref<!tpu.dma_semaphore, #tpu.memory_space<semaphore_mem>>)
      tpu.wait_dma2 semaphore(%run_scoped3A : memref<!tpu.dma_semaphore, #tpu.memory_space<semaphore_mem>>) src(%arg5 : memref<64xf32, #tpu.memory_space<hbm>>) dst(%arg16 : memref<64xf32, #tpu.memory_space<vmem>>)
      tpu.yield
    }) : () -> ()
    %iota3A = tpu.iota {dimensions = array<i32: 0>} : vector<16xi32>
    %xor3A = arith.constant 1 : i32
    %xor3A_1 = vector.broadcast %xor3A : i32 to vector<16xi32>
    %xor3A_2 = arith.xori %iota3A, %xor3A_1 : vector<16xi32>
    %xor3A_3 = arith.constant 2 : i32
    %xor3A_4 = vector.broadcast %xor3A_3 : i32 to vector<16xi32>
    %xor3A_5 = arith.xori %iota3A, %xor3A_4 : vector<16xi32>
    %xor3A_6 = arith.constant 4 : i32
    %xor3A_7 = vector.broadcast %xor3A_6 : i32 to vector<16xi32>
    %xor3A_8 = arith.xori %iota3A, %xor3A_7 : vector<16xi32>
    %xor3A_9 = arith.constant 8 : i32
    %xor3A_10 = vector.broadcast %xor3A_9 : i32 to vector<16xi32>
    %xor3A_11 = arith.xori %iota3A, %xor3A_10 : vector<16xi32>
    %mul3A_12 = arith.constant 64 : i32
    %mul3A_13 = arith.muli %add3A, %mul3A_12 : i32
    %add3A_14 = arith.constant 0 : i32
    %add3A_15 = arith.addi %mul3A_13, %add3A_14 : i32
    %mul3A_16 = arith.constant 2 : i32
    %mul3A_17 = arith.muli %add3A_15, %mul3A_16 : i32
    %mul3A_18 = arith.constant 200 : i32
    %mul3A_19 = arith.muli %mul3A_17, %mul3A_18 : i32
    %dma_start3A = tpu.memref_slice %arg2[%mul3A_19] : memref<819200xi32, #tpu.memory_space<hbm>> -> memref<400xi32, #tpu.memory_space<hbm>>
    %dma_start3A_20 = tpu.memref_slice %arg2[%mul3A_19] : memref<819200xi32, #tpu.memory_space<hbm>> -> memref<400xi32, #tpu.memory_space<hbm>>
    tpu.enqueue_dma source(%dma_start3A_20 : memref<400xi32, #tpu.memory_space<hbm>>) target(%arg7 : memref<400xi32, #tpu.memory_space<vmem>>) target_semaphore(%arg17 : memref<!tpu.dma_semaphore, #tpu.memory_space<semaphore_mem>>)
    %mul3A_21 = arith.constant 64 : i32
    %mul3A_22 = arith.muli %add3A, %mul3A_21 : i32
    %add3A_23 = arith.constant 1 : i32
    %add3A_24 = arith.addi %mul3A_22, %add3A_23 : i32
    %mul3A_25 = arith.constant 2 : i32
    %mul3A_26 = arith.muli %add3A_24, %mul3A_25 : i32
    %mul3A_27 = arith.constant 200 : i32
    %mul3A_28 = arith.muli %mul3A_26, %mul3A_27 : i32
    %dma_start3A_29 = tpu.memref_slice %arg2[%mul3A_28] : memref<819200xi32, #tpu.memory_space<hbm>> -> memref<400xi32, #tpu.memory_space<hbm>>
    %dma_start3A_30 = tpu.memref_slice %arg2[%mul3A_28] : memref<819200xi32, #tpu.memory_space<hbm>> -> memref<400xi32, #tpu.memory_space<hbm>>
    tpu.enqueue_dma source(%dma_start3A_30 : memref<400xi32, #tpu.memory_space<hbm>>) target(%arg8 : memref<400xi32, #tpu.memory_space<vmem>>) target_semaphore(%arg18 : memref<!tpu.dma_semaphore, #tpu.memory_space<semaphore_mem>>)
    %mul3A_31 = arith.constant 64 : i32
    %mul3A_32 = arith.muli %add3A, %mul3A_31 : i32
    %add3A_33 = arith.constant 2 : i32
    %add3A_34 = arith.addi %mul3A_32, %add3A_33 : i32
    %mul3A_35 = arith.constant 2 : i32
    %mul3A_36 = arith.muli %add3A_34, %mul3A_35 : i32
    %mul3A_37 = arith.constant 200 : i32
    %mul3A_38 = arith.muli %mul3A_36, %mul3A_37 : i32
    %dma_start3A_39 = tpu.memref_slice %arg2[%mul3A_38] : memref<819200xi32, #tpu.memory_space<hbm>> -> memref<400xi32, #tpu.memory_space<hbm>>
    %dma_start3A_40 = tpu.memref_slice %arg2[%mul3A_38] : memref<819200xi32, #tpu.memory_space<hbm>> -> memref<400xi32, #tpu.memory_space<hbm>>
    tpu.enqueue_dma source(%dma_start3A_40 : memref<400xi32, #tpu.memory_space<hbm>>) target(%arg9 : memref<400xi32, #tpu.memory_space<vmem>>) target_semaphore(%arg19 : memref<!tpu.dma_semaphore, #tpu.memory_space<semaphore_mem>>)
    %mul3A_41 = arith.constant 64 : i32
    %mul3A_42 = arith.muli %add3A, %mul3A_41 : i32
    %add3A_43 = arith.constant 0 : i32
    %add3A_44 = arith.addi %mul3A_42, %add3A_43 : i32
    %mul3A_45 = arith.constant 2 : i32
    %mul3A_46 = arith.muli %add3A_44, %mul3A_45 : i32
    %mul3A_47 = arith.constant 200 : i32
    %mul3A_48 = arith.muli %mul3A_46, %mul3A_47 : i32
    %dma_wait3A = tpu.memref_slice %arg2[%mul3A_48] : memref<819200xi32, #tpu.memory_space<hbm>> -> memref<400xi32, #tpu.memory_space<hbm>>
    %dma_wait3A_49 = tpu.memref_slice %arg2[%mul3A_48] : memref<819200xi32, #tpu.memory_space<hbm>> -> memref<400xi32, #tpu.memory_space<hbm>>
    tpu.wait_dma2 semaphore(%arg17 : memref<!tpu.dma_semaphore, #tpu.memory_space<semaphore_mem>>) src(%dma_wait3A_49 : memref<400xi32, #tpu.memory_space<hbm>>) dst(%arg7 : memref<400xi32, #tpu.memory_space<vmem>>)
    %dma_start3A_50 = arith.constant 0 : i32
    %dma_start3A_51 = arith.constant 0 : i32
    %dma_start3A_52 = tpu.memref_slice %arg3[%dma_start3A_50, %dma_start3A_51] : memref<1000000x64xf32, #tpu.memory_space<hbm>> -> memref<1000000x64xf32, #tpu.memory_space<hbm>>
    tpu.enqueue_indirect_dma source(%dma_start3A_52 : memref<1000000x64xf32, #tpu.memory_space<hbm>>) target(%arg11 : memref<400x64xf32, #tpu.memory_space<vmem>>) offsets(%arg7 : memref<400xi32, #tpu.memory_space<vmem>>) semaphore(%arg21 : memref<!tpu.dma_semaphore, #tpu.memory_space<semaphore_mem>>)
    %mul3A_53 = arith.constant 64 : i32
    %mul3A_54 = arith.muli %add3A, %mul3A_53 : i32
    %add3A_55 = arith.constant 1 : i32
    %add3A_56 = arith.addi %mul3A_54, %add3A_55 : i32
    %mul3A_57 = arith.constant 2 : i32
    %mul3A_58 = arith.muli %add3A_56, %mul3A_57 : i32
    %mul3A_59 = arith.constant 200 : i32
    %mul3A_60 = arith.muli %mul3A_58, %mul3A_59 : i32
    %dma_wait3A_61 = tpu.memref_slice %arg2[%mul3A_60] : memref<819200xi32, #tpu.memory_space<hbm>> -> memref<400xi32, #tpu.memory_space<hbm>>
    %dma_wait3A_62 = tpu.memref_slice %arg2[%mul3A_60] : memref<819200xi32, #tpu.memory_space<hbm>> -> memref<400xi32, #tpu.memory_space<hbm>>
    tpu.wait_dma2 semaphore(%arg18 : memref<!tpu.dma_semaphore, #tpu.memory_space<semaphore_mem>>) src(%dma_wait3A_62 : memref<400xi32, #tpu.memory_space<hbm>>) dst(%arg8 : memref<400xi32, #tpu.memory_space<vmem>>)
    %dma_start3A_63 = arith.constant 0 : i32
    %dma_start3A_64 = arith.constant 0 : i32
    %dma_start3A_65 = tpu.memref_slice %arg3[%dma_start3A_63, %dma_start3A_64] : memref<1000000x64xf32, #tpu.memory_space<hbm>> -> memref<1000000x64xf32, #tpu.memory_space<hbm>>
    tpu.enqueue_indirect_dma source(%dma_start3A_65 : memref<1000000x64xf32, #tpu.memory_space<hbm>>) target(%arg12 : memref<400x64xf32, #tpu.memory_space<vmem>>) offsets(%arg8 : memref<400xi32, #tpu.memory_space<vmem>>) semaphore(%arg22 : memref<!tpu.dma_semaphore, #tpu.memory_space<semaphore_mem>>)
    %scan3A = arith.constant 1.562500e-02 : f32
    %scan3A_66 = arith.constant 0 : i32
    %scan3A_67 = arith.constant 0 : i32
    %scan3A_68 = arith.constant 16 : i32
    %scan3A_69 = arith.addi %scan3A_67, %scan3A_68 : i32
    %scan3A_70 = arith.constant 1 : i32
    %scan3A_71 = scf.for %scan3A_249 = %scan3A_67 to %scan3A_69 step %scan3A_70 iter_args(%scan3A_250 = %scan3A_66) -> (i32)  : i32 {
      %mul3A_251 = arith.constant 4 : i32
      %mul3A_252 = arith.muli %scan3A_249, %mul3A_251 : i32
      %add3A_253 = arith.constant 0 : i32
      %add3A_254 = arith.addi %mul3A_252, %add3A_253 : i32
      %dma_wait3A_255 = arith.constant 0 : i32
      %dma_wait3A_256 = arith.constant 0 : i32
      %dma_wait3A_257 = tpu.memref_slice %arg3[%dma_wait3A_255, %dma_wait3A_256] : memref<1000000x64xf32, #tpu.memory_space<hbm>> -> memref<1000000x64xf32, #tpu.memory_space<hbm>>
      tpu.wait_indirect_dma semaphore(%arg21 : memref<!tpu.dma_semaphore, #tpu.memory_space<semaphore_mem>>) src(%dma_wait3A_257 : memref<1000000x64xf32, #tpu.memory_space<hbm>>) dst(%arg11 : memref<400x64xf32, #tpu.memory_space<vmem>>)
      %add3A_258 = arith.constant 3 : i32
      %add3A_259 = arith.addi %add3A_254, %add3A_258 : i32
      %lt3A = arith.constant 64 : i32
      %lt3A_260 = arith.cmpi slt, %add3A_259, %lt3A : i32
      %convert_element_type3A = arith.extui %lt3A_260 : i1 to i32
      %cond3A = arith.constant 0 : i32
      %cond3A_261 = arith.cmpi ne, %convert_element_type3A, %cond3A : i32
      scf.if %cond3A_261 {
        %add3A_575 = arith.constant 3 : i32
        %add3A_576 = arith.addi %add3A_254, %add3A_575 : i32
        %mul3A_577 = arith.constant 64 : i32
        %mul3A_578 = arith.muli %add3A, %mul3A_577 : i32
        %add3A_579 = arith.addi %mul3A_578, %add3A_576 : i32
        %mul3A_580 = arith.constant 2 : i32
        %mul3A_581 = arith.muli %add3A_579, %mul3A_580 : i32
        %mul3A_582 = arith.constant 200 : i32
        %mul3A_583 = arith.muli %mul3A_581, %mul3A_582 : i32
        %dma_start3A_584 = tpu.memref_slice %arg2[%mul3A_583] : memref<819200xi32, #tpu.memory_space<hbm>> -> memref<400xi32, #tpu.memory_space<hbm>>
        %dma_start3A_585 = tpu.memref_slice %arg2[%mul3A_583] : memref<819200xi32, #tpu.memory_space<hbm>> -> memref<400xi32, #tpu.memory_space<hbm>>
        tpu.enqueue_dma source(%dma_start3A_585 : memref<400xi32, #tpu.memory_space<hbm>>) target(%arg10 : memref<400xi32, #tpu.memory_space<vmem>>) target_semaphore(%arg20 : memref<!tpu.dma_semaphore, #tpu.memory_space<semaphore_mem>>)
      } else {
      }
      %get3A = arith.constant 0 : index
      %get3A_262 = tpu.vector_load %arg15[%get3A] {strides = array<i32>} : memref<64xf32, #tpu.memory_space<vmem>>, vector<16xf32>,
      %get3A_263 = arith.constant 16 : index
      %get3A_264 = tpu.vector_load %arg15[%get3A_263] {strides = array<i32>} : memref<64xf32, #tpu.memory_space<vmem>>, vector<16xf32>,
      %get3A_265 = arith.constant 32 : index
      %get3A_266 = tpu.vector_load %arg15[%get3A_265] {strides = array<i32>} : memref<64xf32, #tpu.memory_space<vmem>>, vector<16xf32>,
      %get3A_267 = arith.constant 48 : index
      %get3A_268 = tpu.vector_load %arg15[%get3A_267] {strides = array<i32>} : memref<64xf32, #tpu.memory_space<vmem>>, vector<16xf32>,
      %get3A_269 = arith.constant 0 : index
      %get3A_270 = tpu.vector_load %arg16[%get3A_269] {strides = array<i32>} : memref<64xf32, #tpu.memory_space<vmem>>, vector<16xf32>,
      %get3A_271 = arith.constant 16 : index
      %get3A_272 = tpu.vector_load %arg16[%get3A_271] {strides = array<i32>} : memref<64xf32, #tpu.memory_space<vmem>>, vector<16xf32>,
      %get3A_273 = arith.constant 32 : index
      %get3A_274 = tpu.vector_load %arg16[%get3A_273] {strides = array<i32>} : memref<64xf32, #tpu.memory_space<vmem>>, vector<16xf32>,
      %get3A_275 = arith.constant 48 : index
      %get3A_276 = tpu.vector_load %arg16[%get3A_275] {strides = array<i32>} : memref<64xf32, #tpu.memory_space<vmem>>, vector<16xf32>,
      %parallel_loop3A = arith.constant 0 : i32
      %parallel_loop3A_277 = arith.constant 400 : i32
      %parallel_loop3A_278 = arith.constant 1 : i32
      scf.for %parallel_loop3A_575 = %parallel_loop3A to %parallel_loop3A_277 step %parallel_loop3A_278  : i32 {
        %parallel_loop3A_576 = arith.index_cast %parallel_loop3A_575 : i32 to index
        %parallel_loop3A_577 = arith.constant 0 : index
        %parallel_loop3A_578 = tpu.vector_load %arg11[%parallel_loop3A_576, %parallel_loop3A_577] {strides = array<i32>} : memref<400x64xf32, #tpu.memory_space<vmem>>, vector<16xf32>,
        %parallel_loop3A_579 = arith.index_cast %parallel_loop3A_575 : i32 to index
        %parallel_loop3A_580 = arith.constant 16 : index
        %parallel_loop3A_581 = tpu.vector_load %arg11[%parallel_loop3A_579, %parallel_loop3A_580] {strides = array<i32>} : memref<400x64xf32, #tpu.memory_space<vmem>>, vector<16xf32>,
        %parallel_loop3A_582 = arith.index_cast %parallel_loop3A_575 : i32 to index
        %parallel_loop3A_583 = arith.constant 32 : index
        %parallel_loop3A_584 = tpu.vector_load %arg11[%parallel_loop3A_582, %parallel_loop3A_583] {strides = array<i32>} : memref<400x64xf32, #tpu.memory_space<vmem>>, vector<16xf32>,
        %parallel_loop3A_585 = arith.index_cast %parallel_loop3A_575 : i32 to index
        %parallel_loop3A_586 = arith.constant 48 : index
        %parallel_loop3A_587 = tpu.vector_load %arg11[%parallel_loop3A_585, %parallel_loop3A_586] {strides = array<i32>} : memref<400x64xf32, #tpu.memory_space<vmem>>, vector<16xf32>,
        %parallel_loop3A_588 = arith.addf %parallel_loop3A_578, %parallel_loop3A_581 : vector<16xf32>
        %parallel_loop3A_589 = arith.addf %parallel_loop3A_588, %parallel_loop3A_584 : vector<16xf32>
        %parallel_loop3A_590 = arith.addf %parallel_loop3A_589, %parallel_loop3A_587 : vector<16xf32>
        %parallel_loop3A_591 = arith.mulf %parallel_loop3A_578, %parallel_loop3A_578 : vector<16xf32>
        %parallel_loop3A_592 = arith.mulf %parallel_loop3A_581, %parallel_loop3A_581 : vector<16xf32>
        %parallel_loop3A_593 = arith.addf %parallel_loop3A_591, %parallel_loop3A_592 : vector<16xf32>
        %parallel_loop3A_594 = arith.mulf %parallel_loop3A_584, %parallel_loop3A_584 : vector<16xf32>
        %parallel_loop3A_595 = arith.addf %parallel_loop3A_593, %parallel_loop3A_594 : vector<16xf32>
        %parallel_loop3A_596 = arith.mulf %parallel_loop3A_587, %parallel_loop3A_587 : vector<16xf32>
        %parallel_loop3A_597 = arith.addf %parallel_loop3A_595, %parallel_loop3A_596 : vector<16xf32>
        %parallel_loop3A_598 = vector.shape_cast %xor3A_2 : vector<16xi32> to vector<16x1xi32>
        %parallel_loop3A_599 = vector.shape_cast %parallel_loop3A_598 : vector<16x1xi32> to vector<16xi32>
        %parallel_loop3A_600 = tpu.dynamic_gather %parallel_loop3A_590[%parallel_loop3A_599] in [0] : vector<16xf32>, vector<16xi32> -> vector<16xf32>
        %parallel_loop3A_601 = arith.addf %parallel_loop3A_590, %parallel_loop3A_600 : vector<16xf32>
        %parallel_loop3A_602 = vector.shape_cast %xor3A_5 : vector<16xi32> to vector<16x1xi32>
        %parallel_loop3A_603 = vector.shape_cast %parallel_loop3A_602 : vector<16x1xi32> to vector<16xi32>
        %parallel_loop3A_604 = tpu.dynamic_gather %parallel_loop3A_601[%parallel_loop3A_603] in [0] : vector<16xf32>, vector<16xi32> -> vector<16xf32>
        %parallel_loop3A_605 = arith.addf %parallel_loop3A_601, %parallel_loop3A_604 : vector<16xf32>
        %parallel_loop3A_606 = vector.shape_cast %xor3A_8 : vector<16xi32> to vector<16x1xi32>
        %parallel_loop3A_607 = vector.shape_cast %parallel_loop3A_606 : vector<16x1xi32> to vector<16xi32>
        %parallel_loop3A_608 = tpu.dynamic_gather %parallel_loop3A_605[%parallel_loop3A_607] in [0] : vector<16xf32>, vector<16xi32> -> vector<16xf32>
        %parallel_loop3A_609 = arith.addf %parallel_loop3A_605, %parallel_loop3A_608 : vector<16xf32>
        %parallel_loop3A_610 = vector.shape_cast %xor3A_11 : vector<16xi32> to vector<16x1xi32>
        %parallel_loop3A_611 = vector.shape_cast %parallel_loop3A_610 : vector<16x1xi32> to vector<16xi32>
        %parallel_loop3A_612 = tpu.dynamic_gather %parallel_loop3A_609[%parallel_loop3A_611] in [0] : vector<16xf32>, vector<16xi32> -> vector<16xf32>
        %parallel_loop3A_613 = arith.addf %parallel_loop3A_609, %parallel_loop3A_612 : vector<16xf32>
        %parallel_loop3A_614 = vector.broadcast %scan3A : f32 to vector<16xf32>
        %parallel_loop3A_615 = arith.mulf %parallel_loop3A_613, %parallel_loop3A_614 : vector<16xf32>
        %parallel_loop3A_616 = vector.shape_cast %xor3A_2 : vector<16xi32> to vector<16x1xi32>
        %parallel_loop3A_617 = vector.shape_cast %parallel_loop3A_616 : vector<16x1xi32> to vector<16xi32>
        %parallel_loop3A_618 = tpu.dynamic_gather %parallel_loop3A_597[%parallel_loop3A_617] in [0] : vector<16xf32>, vector<16xi32> -> vector<16xf32>
        %parallel_loop3A_619 = arith.addf %parallel_loop3A_597, %parallel_loop3A_618 : vector<16xf32>
        %parallel_loop3A_620 = vector.shape_cast %xor3A_5 : vector<16xi32> to vector<16x1xi32>
        %parallel_loop3A_621 = vector.shape_cast %parallel_loop3A_620 : vector<16x1xi32> to vector<16xi32>
        %parallel_loop3A_622 = tpu.dynamic_gather %parallel_loop3A_619[%parallel_loop3A_621] in [0] : vector<16xf32>, vector<16xi32> -> vector<16xf32>
        %parallel_loop3A_623 = arith.addf %parallel_loop3A_619, %parallel_loop3A_622 : vector<16xf32>
        %parallel_loop3A_624 = vector.shape_cast %xor3A_8 : vector<16xi32> to vector<16x1xi32>
        %parallel_loop3A_625 = vector.shape_cast %parallel_loop3A_624 : vector<16x1xi32> to vector<16xi32>
        %parallel_loop3A_626 = tpu.dynamic_gather %parallel_loop3A_623[%parallel_loop3A_625] in [0] : vector<16xf32>, vector<16xi32> -> vector<16xf32>
        %parallel_loop3A_627 = arith.addf %parallel_loop3A_623, %parallel_loop3A_626 : vector<16xf32>
        %parallel_loop3A_628 = vector.shape_cast %xor3A_11 : vector<16xi32> to vector<16x1xi32>
        %parallel_loop3A_629 = vector.shape_cast %parallel_loop3A_628 : vector<16x1xi32> to vector<16xi32>
        %parallel_loop3A_630 = tpu.dynamic_gather %parallel_loop3A_627[%parallel_loop3A_629] in [0] : vector<16xf32>, vector<16xi32> -> vector<16xf32>
        %parallel_loop3A_631 = arith.addf %parallel_loop3A_627, %parallel_loop3A_630 : vector<16xf32>
        %parallel_loop3A_632 = vector.broadcast %scan3A : f32 to vector<16xf32>
        %parallel_loop3A_633 = arith.mulf %parallel_loop3A_631, %parallel_loop3A_632 : vector<16xf32>
        %parallel_loop3A_634 = arith.mulf %parallel_loop3A_615, %parallel_loop3A_615 : vector<16xf32>
        %parallel_loop3A_635 = arith.subf %parallel_loop3A_633, %parallel_loop3A_634 : vector<16xf32>
        %parallel_loop3A_636 = arith.constant 0.000000e+00 : f32
        %parallel_loop3A_637 = vector.broadcast %parallel_loop3A_636 : f32 to vector<16xf32>
        %parallel_loop3A_638 = arith.maximumf %parallel_loop3A_635, %parallel_loop3A_637 : vector<16xf32>
        %parallel_loop3A_639 = arith.constant 9.99999996E-13 : f32
        %parallel_loop3A_640 = vector.broadcast %parallel_loop3A_639 : f32 to vector<16xf32>
        %parallel_loop3A_641 = arith.addf %parallel_loop3A_638, %parallel_loop3A_640 : vector<16xf32>
        %parallel_loop3A_642 = vector.bitcast %parallel_loop3A_641 : vector<16xf32> to vector<16xi32>
        %parallel_loop3A_643 = arith.constant 1 : i32
        %parallel_loop3A_644 = vector.broadcast %parallel_loop3A_643 : i32 to vector<16xi32>
        %parallel_loop3A_645 = arith.shrui %parallel_loop3A_642, %parallel_loop3A_644 : vector<16xi32>
        %parallel_loop3A_646 = arith.constant 1597463007 : i32
        %parallel_loop3A_647 = vector.broadcast %parallel_loop3A_646 : i32 to vector<16xi32>
        %parallel_loop3A_648 = arith.subi %parallel_loop3A_647, %parallel_loop3A_645 : vector<16xi32>
        %parallel_loop3A_649 = vector.bitcast %parallel_loop3A_648 : vector<16xi32> to vector<16xf32>
        %parallel_loop3A_650 = arith.constant 5.000000e-01 : f32
        %parallel_loop3A_651 = vector.broadcast %parallel_loop3A_650 : f32 to vector<16xf32>
        %parallel_loop3A_652 = arith.mulf %parallel_loop3A_651, %parallel_loop3A_641 : vector<16xf32>
        %parallel_loop3A_653 = arith.mulf %parallel_loop3A_652, %parallel_loop3A_649 : vector<16xf32>
        %parallel_loop3A_654 = arith.mulf %parallel_loop3A_653, %parallel_loop3A_649 : vector<16xf32>
        %parallel_loop3A_655 = arith.constant 1.500000e+00 : f32
        %parallel_loop3A_656 = vector.broadcast %parallel_loop3A_655 : f32 to vector<16xf32>
        %parallel_loop3A_657 = arith.subf %parallel_loop3A_656, %parallel_loop3A_654 : vector<16xf32>
        %parallel_loop3A_658 = arith.mulf %parallel_loop3A_649, %parallel_loop3A_657 : vector<16xf32>
        %parallel_loop3A_659 = arith.constant 5.000000e-01 : f32
        %parallel_loop3A_660 = vector.broadcast %parallel_loop3A_659 : f32 to vector<16xf32>
        %parallel_loop3A_661 = arith.mulf %parallel_loop3A_660, %parallel_loop3A_641 : vector<16xf32>
        %parallel_loop3A_662 = arith.mulf %parallel_loop3A_661, %parallel_loop3A_658 : vector<16xf32>
        %parallel_loop3A_663 = arith.mulf %parallel_loop3A_662, %parallel_loop3A_658 : vector<16xf32>
        %parallel_loop3A_664 = arith.constant 1.500000e+00 : f32
        %parallel_loop3A_665 = vector.broadcast %parallel_loop3A_664 : f32 to vector<16xf32>
        %parallel_loop3A_666 = arith.subf %parallel_loop3A_665, %parallel_loop3A_663 : vector<16xf32>
        %parallel_loop3A_667 = arith.mulf %parallel_loop3A_658, %parallel_loop3A_666 : vector<16xf32>
        %parallel_loop3A_668 = arith.mulf %parallel_loop3A_615, %parallel_loop3A_667 : vector<16xf32>
        %parallel_loop3A_669 = arith.mulf %parallel_loop3A_578, %parallel_loop3A_667 : vector<16xf32>
        %parallel_loop3A_670 = arith.subf %parallel_loop3A_669, %parallel_loop3A_668 : vector<16xf32>
        %parallel_loop3A_671 = arith.mulf %parallel_loop3A_670, %get3A_262 : vector<16xf32>
        %parallel_loop3A_672 = arith.addf %parallel_loop3A_671, %get3A_270 : vector<16xf32>
        %parallel_loop3A_673 = arith.index_cast %parallel_loop3A_575 : i32 to index
        %parallel_loop3A_674 = arith.constant 0 : index
        %parallel_loop3A_675 = tpu.vector_load %arg11[%parallel_loop3A_673, %parallel_loop3A_674] {strides = array<i32>} : memref<400x64xf32, #tpu.memory_space<vmem>>, vector<16xf32>,
        tpu.vector_store %arg11[%parallel_loop3A_673, %parallel_loop3A_674], %parallel_loop3A_672 {strides = array<i32>} : memref<400x64xf32, #tpu.memory_space<vmem>>, vector<16xf32>,
        %parallel_loop3A_676 = arith.mulf %parallel_loop3A_581, %parallel_loop3A_667 : vector<16xf32>
        %parallel_loop3A_677 = arith.subf %parallel_loop3A_676, %parallel_loop3A_668 : vector<16xf32>
        %parallel_loop3A_678 = arith.mulf %parallel_loop3A_677, %get3A_264 : vector<16xf32>
        %parallel_loop3A_679 = arith.addf %parallel_loop3A_678, %get3A_272 : vector<16xf32>
        %parallel_loop3A_680 = arith.index_cast %parallel_loop3A_575 : i32 to index
        %parallel_loop3A_681 = arith.constant 16 : index
        %parallel_loop3A_682 = tpu.vector_load %arg11[%parallel_loop3A_680, %parallel_loop3A_681] {strides = array<i32>} : memref<400x64xf32, #tpu.memory_space<vmem>>, vector<16xf32>,
        tpu.vector_store %arg11[%parallel_loop3A_680, %parallel_loop3A_681], %parallel_loop3A_679 {strides = array<i32>} : memref<400x64xf32, #tpu.memory_space<vmem>>, vector<16xf32>,
        %parallel_loop3A_683 = arith.mulf %parallel_loop3A_584, %parallel_loop3A_667 : vector<16xf32>
        %parallel_loop3A_684 = arith.subf %parallel_loop3A_683, %parallel_loop3A_668 : vector<16xf32>
        %parallel_loop3A_685 = arith.mulf %parallel_loop3A_684, %get3A_266 : vector<16xf32>
        %parallel_loop3A_686 = arith.addf %parallel_loop3A_685, %get3A_274 : vector<16xf32>
        %parallel_loop3A_687 = arith.index_cast %parallel_loop3A_575 : i32 to index
        %parallel_loop3A_688 = arith.constant 32 : index
        %parallel_loop3A_689 = tpu.vector_load %arg11[%parallel_loop3A_687, %parallel_loop3A_688] {strides = array<i32>} : memref<400x64xf32, #tpu.memory_space<vmem>>, vector<16xf32>,
        tpu.vector_store %arg11[%parallel_loop3A_687, %parallel_loop3A_688], %parallel_loop3A_686 {strides = array<i32>} : memref<400x64xf32, #tpu.memory_space<vmem>>, vector<16xf32>,
        %parallel_loop3A_690 = arith.mulf %parallel_loop3A_587, %parallel_loop3A_667 : vector<16xf32>
        %parallel_loop3A_691 = arith.subf %parallel_loop3A_690, %parallel_loop3A_668 : vector<16xf32>
        %parallel_loop3A_692 = arith.mulf %parallel_loop3A_691, %get3A_268 : vector<16xf32>
        %parallel_loop3A_693 = arith.addf %parallel_loop3A_692, %get3A_276 : vector<16xf32>
        %parallel_loop3A_694 = arith.index_cast %parallel_loop3A_575 : i32 to index
        %parallel_loop3A_695 = arith.constant 48 : index
        %parallel_loop3A_696 = tpu.vector_load %arg11[%parallel_loop3A_694, %parallel_loop3A_695] {strides = array<i32>} : memref<400x64xf32, #tpu.memory_space<vmem>>, vector<16xf32>,
        tpu.vector_store %arg11[%parallel_loop3A_694, %parallel_loop3A_695], %parallel_loop3A_693 {strides = array<i32>} : memref<400x64xf32, #tpu.memory_space<vmem>>, vector<16xf32>,
      } {sc.loop_unroll_factor = 4 : i64, sc.parallel_access}
      %mul3A_279 = arith.constant 64 : i32
      %mul3A_280 = arith.muli %add3A, %mul3A_279 : i32
      %add3A_281 = arith.addi %mul3A_280, %add3A_254 : i32
      %mul3A_282 = arith.constant 2 : i32
      %mul3A_283 = arith.muli %add3A_281, %mul3A_282 : i32
      %add3A_284 = arith.constant 0 : i32
      %add3A_285 = arith.addi %mul3A_283, %add3A_284 : i32
      %dma_start3A_286 = arith.constant 0 : i32
      %dma_start3A_287 = arith.constant 0 : i32
      %dma_start3A_288 = tpu.memref_slice %arg11[%dma_start3A_286, %dma_start3A_287] : memref<400x64xf32, #tpu.memory_space<vmem>> -> memref<200x64xf32, #tpu.memory_space<vmem>>
      %dma_start3A_289 = arith.constant 0 : i32
      %dma_start3A_290 = arith.constant 0 : i32
      %dma_start3A_291 = tpu.memref_slice %arg6[%add3A_285, %dma_start3A_289, %dma_start3A_290] : memref<4096x200x64xf32, #tpu.memory_space<hbm>> -> memref<1x200x64xf32, #tpu.memory_space<hbm>>
      %dma_start3A_292 = tpu.memref_squeeze %dma_start3A_291 : memref<1x200x64xf32, #tpu.memory_space<hbm>> -> memref<200x64xf32, #tpu.memory_space<hbm>>
      %dma_start3A_293 = arith.constant 0 : i32
      %dma_start3A_294 = arith.constant 0 : i32
      %dma_start3A_295 = tpu.memref_slice %arg6[%add3A_285, %dma_start3A_293, %dma_start3A_294] : memref<4096x200x64xf32, #tpu.memory_space<hbm>> -> memref<1x200x64xf32, #tpu.memory_space<hbm>>
      %dma_start3A_296 = tpu.memref_squeeze %dma_start3A_295 : memref<1x200x64xf32, #tpu.memory_space<hbm>> -> memref<200x64xf32, #tpu.memory_space<hbm>>
      %dma_start3A_297 = arith.constant 0 : i32
      %dma_start3A_298 = arith.constant 0 : i32
      %dma_start3A_299 = tpu.memref_slice %arg11[%dma_start3A_297, %dma_start3A_298] : memref<400x64xf32, #tpu.memory_space<vmem>> -> memref<200x64xf32, #tpu.memory_space<vmem>>
      tpu.enqueue_dma source(%dma_start3A_299 : memref<200x64xf32, #tpu.memory_space<vmem>>) target(%dma_start3A_296 : memref<200x64xf32, #tpu.memory_space<hbm>>) target_semaphore(%arg25 : memref<!tpu.dma_semaphore, #tpu.memory_space<semaphore_mem>>)
      %mul3A_300 = arith.constant 64 : i32
      %mul3A_301 = arith.muli %add3A, %mul3A_300 : i32
      %add3A_302 = arith.addi %mul3A_301, %add3A_254 : i32
      %mul3A_303 = arith.constant 2 : i32
      %mul3A_304 = arith.muli %add3A_302, %mul3A_303 : i32
      %add3A_305 = arith.constant 1 : i32
      %add3A_306 = arith.addi %mul3A_304, %add3A_305 : i32
      %dma_start3A_307 = arith.constant 200 : i32
      %dma_start3A_308 = arith.constant 0 : i32
      %dma_start3A_309 = tpu.memref_slice %arg11[%dma_start3A_307, %dma_start3A_308] : memref<400x64xf32, #tpu.memory_space<vmem>> -> memref<200x64xf32, #tpu.memory_space<vmem>>
      %dma_start3A_310 = arith.constant 0 : i32
      %dma_start3A_311 = arith.constant 0 : i32
      %dma_start3A_312 = tpu.memref_slice %arg6[%add3A_306, %dma_start3A_310, %dma_start3A_311] : memref<4096x200x64xf32, #tpu.memory_space<hbm>> -> memref<1x200x64xf32, #tpu.memory_space<hbm>>
      %dma_start3A_313 = tpu.memref_squeeze %dma_start3A_312 : memref<1x200x64xf32, #tpu.memory_space<hbm>> -> memref<200x64xf32, #tpu.memory_space<hbm>>
      %dma_start3A_314 = arith.constant 0 : i32
      %dma_start3A_315 = arith.constant 0 : i32
      %dma_start3A_316 = tpu.memref_slice %arg6[%add3A_306, %dma_start3A_314, %dma_start3A_315] : memref<4096x200x64xf32, #tpu.memory_space<hbm>> -> memref<1x200x64xf32, #tpu.memory_space<hbm>>
      %dma_start3A_317 = tpu.memref_squeeze %dma_start3A_316 : memref<1x200x64xf32, #tpu.memory_space<hbm>> -> memref<200x64xf32, #tpu.memory_space<hbm>>
      %dma_start3A_318 = arith.constant 200 : i32
      %dma_start3A_319 = arith.constant 0 : i32
      %dma_start3A_320 = tpu.memref_slice %arg11[%dma_start3A_318, %dma_start3A_319] : memref<400x64xf32, #tpu.memory_space<vmem>> -> memref<200x64xf32, #tpu.memory_space<vmem>>
      tpu.enqueue_dma source(%dma_start3A_320 : memref<200x64xf32, #tpu.memory_space<vmem>>) target(%dma_start3A_317 : memref<200x64xf32, #tpu.memory_space<hbm>>) target_semaphore(%arg25 : memref<!tpu.dma_semaphore, #tpu.memory_space<semaphore_mem>>)
      %add3A_321 = arith.constant 2 : i32
      %add3A_322 = arith.addi %add3A_254, %add3A_321 : i32
      %lt3A_323 = arith.constant 64 : i32
      %lt3A_324 = arith.cmpi slt, %add3A_322, %lt3A_323 : i32
      %convert_element_type3A_325 = arith.extui %lt3A_324 : i1 to i32
      %cond3A_326 = arith.constant 0 : i32
      %cond3A_327 = arith.cmpi ne, %convert_element_type3A_325, %cond3A_326 : i32
      scf.if %cond3A_327 {
        %ge3A = arith.constant 4 : i32
        %ge3A_575 = arith.cmpi sge, %add3A_322, %ge3A : i32
        %convert_element_type3A_576 = arith.extui %ge3A_575 : i1 to i32
        %cond3A_577 = arith.constant 0 : i32
        %cond3A_578 = arith.cmpi ne, %convert_element_type3A_576, %cond3A_577 : i32
        scf.if %cond3A_578 {
          %sub3A = arith.constant 4 : i32
          %sub3A_591 = arith.subi %add3A_322, %sub3A : i32
          %mul3A_592 = arith.constant 64 : i32
          %mul3A_593 = arith.muli %add3A, %mul3A_592 : i32
          %add3A_594 = arith.addi %mul3A_593, %sub3A_591 : i32
          %mul3A_595 = arith.constant 2 : i32
          %mul3A_596 = arith.muli %add3A_594, %mul3A_595 : i32
          %add3A_597 = arith.constant 0 : i32
          %add3A_598 = arith.addi %mul3A_596, %add3A_597 : i32
          %dma_wait3A_599 = arith.constant 0 : i32
          %dma_wait3A_600 = arith.constant 0 : i32
          %dma_wait3A_601 = tpu.memref_slice %arg13[%dma_wait3A_599, %dma_wait3A_600] : memref<400x64xf32, #tpu.memory_space<vmem>> -> memref<200x64xf32, #tpu.memory_space<vmem>>
          %dma_wait3A_602 = arith.constant 0 : i32
          %dma_wait3A_603 = arith.constant 0 : i32
          %dma_wait3A_604 = tpu.memref_slice %arg6[%add3A_598, %dma_wait3A_602, %dma_wait3A_603] : memref<4096x200x64xf32, #tpu.memory_space<hbm>> -> memref<1x200x64xf32, #tpu.memory_space<hbm>>
          %dma_wait3A_605 = tpu.memref_squeeze %dma_wait3A_604 : memref<1x200x64xf32, #tpu.memory_space<hbm>> -> memref<200x64xf32, #tpu.memory_space<hbm>>
          %dma_wait3A_606 = arith.constant 0 : i32
          %dma_wait3A_607 = arith.constant 0 : i32
          %dma_wait3A_608 = tpu.memref_slice %arg6[%add3A_598, %dma_wait3A_606, %dma_wait3A_607] : memref<4096x200x64xf32, #tpu.memory_space<hbm>> -> memref<1x200x64xf32, #tpu.memory_space<hbm>>
          %dma_wait3A_609 = tpu.memref_squeeze %dma_wait3A_608 : memref<1x200x64xf32, #tpu.memory_space<hbm>> -> memref<200x64xf32, #tpu.memory_space<hbm>>
          %dma_wait3A_610 = arith.constant 0 : i32
          %dma_wait3A_611 = arith.constant 0 : i32
          %dma_wait3A_612 = tpu.memref_slice %arg13[%dma_wait3A_610, %dma_wait3A_611] : memref<400x64xf32, #tpu.memory_space<vmem>> -> memref<200x64xf32, #tpu.memory_space<vmem>>
          tpu.wait_dma2 semaphore(%arg27 : memref<!tpu.dma_semaphore, #tpu.memory_space<semaphore_mem>>) src(%dma_wait3A_612 : memref<200x64xf32, #tpu.memory_space<vmem>>) dst(%dma_wait3A_609 : memref<200x64xf32, #tpu.memory_space<hbm>>)
          %mul3A_613 = arith.constant 64 : i32
          %mul3A_614 = arith.muli %add3A, %mul3A_613 : i32
          %add3A_615 = arith.addi %mul3A_614, %sub3A_591 : i32
          %mul3A_616 = arith.constant 2 : i32
          %mul3A_617 = arith.muli %add3A_615, %mul3A_616 : i32
          %add3A_618 = arith.constant 1 : i32
          %add3A_619 = arith.addi %mul3A_617, %add3A_618 : i32
          %dma_wait3A_620 = arith.constant 200 : i32
          %dma_wait3A_621 = arith.constant 0 : i32
          %dma_wait3A_622 = tpu.memref_slice %arg13[%dma_wait3A_620, %dma_wait3A_621] : memref<400x64xf32, #tpu.memory_space<vmem>> -> memref<200x64xf32, #tpu.memory_space<vmem>>
          %dma_wait3A_623 = arith.constant 0 : i32
          %dma_wait3A_624 = arith.constant 0 : i32
          %dma_wait3A_625 = tpu.memref_slice %arg6[%add3A_619, %dma_wait3A_623, %dma_wait3A_624] : memref<4096x200x64xf32, #tpu.memory_space<hbm>> -> memref<1x200x64xf32, #tpu.memory_space<hbm>>
          %dma_wait3A_626 = tpu.memref_squeeze %dma_wait3A_625 : memref<1x200x64xf32, #tpu.memory_space<hbm>> -> memref<200x64xf32, #tpu.memory_space<hbm>>
          %dma_wait3A_627 = arith.constant 0 : i32
          %dma_wait3A_628 = arith.constant 0 : i32
          %dma_wait3A_629 = tpu.memref_slice %arg6[%add3A_619, %dma_wait3A_627, %dma_wait3A_628] : memref<4096x200x64xf32, #tpu.memory_space<hbm>> -> memref<1x200x64xf32, #tpu.memory_space<hbm>>
          %dma_wait3A_630 = tpu.memref_squeeze %dma_wait3A_629 : memref<1x200x64xf32, #tpu.memory_space<hbm>> -> memref<200x64xf32, #tpu.memory_space<hbm>>
          %dma_wait3A_631 = arith.constant 200 : i32
          %dma_wait3A_632 = arith.constant 0 : i32
          %dma_wait3A_633 = tpu.memref_slice %arg13[%dma_wait3A_631, %dma_wait3A_632] : memref<400x64xf32, #tpu.memory_space<vmem>> -> memref<200x64xf32, #tpu.memory_space<vmem>>
          tpu.wait_dma2 semaphore(%arg27 : memref<!tpu.dma_semaphore, #tpu.memory_space<semaphore_mem>>) src(%dma_wait3A_633 : memref<200x64xf32, #tpu.memory_space<vmem>>) dst(%dma_wait3A_630 : memref<200x64xf32, #tpu.memory_space<hbm>>)
        } else {
        }
        %mul3A_579 = arith.constant 64 : i32
        %mul3A_580 = arith.muli %add3A, %mul3A_579 : i32
        %add3A_581 = arith.addi %mul3A_580, %add3A_322 : i32
        %mul3A_582 = arith.constant 2 : i32
        %mul3A_583 = arith.muli %add3A_581, %mul3A_582 : i32
        %mul3A_584 = arith.constant 200 : i32
        %mul3A_585 = arith.muli %mul3A_583, %mul3A_584 : i32
        %dma_wait3A_586 = tpu.memref_slice %arg2[%mul3A_585] : memref<819200xi32, #tpu.memory_space<hbm>> -> memref<400xi32, #tpu.memory_space<hbm>>
        %dma_wait3A_587 = tpu.memref_slice %arg2[%mul3A_585] : memref<819200xi32, #tpu.memory_space<hbm>> -> memref<400xi32, #tpu.memory_space<hbm>>
        tpu.wait_dma2 semaphore(%arg19 : memref<!tpu.dma_semaphore, #tpu.memory_space<semaphore_mem>>) src(%dma_wait3A_587 : memref<400xi32, #tpu.memory_space<hbm>>) dst(%arg9 : memref<400xi32, #tpu.memory_space<vmem>>)
        %dma_start3A_588 = arith.constant 0 : i32
        %dma_start3A_589 = arith.constant 0 : i32
        %dma_start3A_590 = tpu.memref_slice %arg3[%dma_start3A_588, %dma_start3A_589] : memref<1000000x64xf32, #tpu.memory_space<hbm>> -> memref<1000000x64xf32, #tpu.memory_space<hbm>>
        tpu.enqueue_indirect_dma source(%dma_start3A_590 : memref<1000000x64xf32, #tpu.memory_space<hbm>>) target(%arg13 : memref<400x64xf32, #tpu.memory_space<vmem>>) offsets(%arg9 : memref<400xi32, #tpu.memory_space<vmem>>) semaphore(%arg23 : memref<!tpu.dma_semaphore, #tpu.memory_space<semaphore_mem>>)
      } else {
      }
      %mul3A_328 = arith.constant 4 : i32
      %mul3A_329 = arith.muli %scan3A_249, %mul3A_328 : i32
      %add3A_330 = arith.constant 1 : i32
      %add3A_331 = arith.addi %mul3A_329, %add3A_330 : i32
      %dma_wait3A_332 = arith.constant 0 : i32
      %dma_wait3A_333 = arith.constant 0 : i32
      %dma_wait3A_334 = tpu.memref_slice %arg3[%dma_wait3A_332, %dma_wait3A_333] : memref<1000000x64xf32, #tpu.memory_space<hbm>> -> memref<1000000x64xf32, #tpu.memory_space<hbm>>
      tpu.wait_indirect_dma semaphore(%arg22 : memref<!tpu.dma_semaphore, #tpu.memory_space<semaphore_mem>>) src(%dma_wait3A_334 : memref<1000000x64xf32, #tpu.memory_space<hbm>>) dst(%arg12 : memref<400x64xf32, #tpu.memory_space<vmem>>)
      %add3A_335 = arith.constant 3 : i32
      %add3A_336 = arith.addi %add3A_331, %add3A_335 : i32
      %lt3A_337 = arith.constant 64 : i32
      %lt3A_338 = arith.cmpi slt, %add3A_336, %lt3A_337 : i32
      %convert_element_type3A_339 = arith.extui %lt3A_338 : i1 to i32
      %cond3A_340 = arith.constant 0 : i32
      %cond3A_341 = arith.cmpi ne, %convert_element_type3A_339, %cond3A_340 : i32
      scf.if %cond3A_341 {
        %add3A_575 = arith.constant 3 : i32
        %add3A_576 = arith.addi %add3A_331, %add3A_575 : i32
        %mul3A_577 = arith.constant 64 : i32
        %mul3A_578 = arith.muli %add3A, %mul3A_577 : i32
        %add3A_579 = arith.addi %mul3A_578, %add3A_576 : i32
        %mul3A_580 = arith.constant 2 : i32
        %mul3A_581 = arith.muli %add3A_579, %mul3A_580 : i32
        %mul3A_582 = arith.constant 200 : i32
        %mul3A_583 = arith.muli %mul3A_581, %mul3A_582 : i32
        %dma_start3A_584 = tpu.memref_slice %arg2[%mul3A_583] : memref<819200xi32, #tpu.memory_space<hbm>> -> memref<400xi32, #tpu.memory_space<hbm>>
        %dma_start3A_585 = tpu.memref_slice %arg2[%mul3A_583] : memref<819200xi32, #tpu.memory_space<hbm>> -> memref<400xi32, #tpu.memory_space<hbm>>
        tpu.enqueue_dma source(%dma_start3A_585 : memref<400xi32, #tpu.memory_space<hbm>>) target(%arg7 : memref<400xi32, #tpu.memory_space<vmem>>) target_semaphore(%arg17 : memref<!tpu.dma_semaphore, #tpu.memory_space<semaphore_mem>>)
      } else {
      }
      %get3A_342 = arith.constant 0 : index
      %get3A_343 = tpu.vector_load %arg15[%get3A_342] {strides = array<i32>} : memref<64xf32, #tpu.memory_space<vmem>>, vector<16xf32>,
      %get3A_344 = arith.constant 16 : index
      %get3A_345 = tpu.vector_load %arg15[%get3A_344] {strides = array<i32>} : memref<64xf32, #tpu.memory_space<vmem>>, vector<16xf32>,
      %get3A_346 = arith.constant 32 : index
      %get3A_347 = tpu.vector_load %arg15[%get3A_346] {strides = array<i32>} : memref<64xf32, #tpu.memory_space<vmem>>, vector<16xf32>,
      %get3A_348 = arith.constant 48 : index
      %get3A_349 = tpu.vector_load %arg15[%get3A_348] {strides = array<i32>} : memref<64xf32, #tpu.memory_space<vmem>>, vector<16xf32>,
      %get3A_350 = arith.constant 0 : index
      %get3A_351 = tpu.vector_load %arg16[%get3A_350] {strides = array<i32>} : memref<64xf32, #tpu.memory_space<vmem>>, vector<16xf32>,
      %get3A_352 = arith.constant 16 : index
      %get3A_353 = tpu.vector_load %arg16[%get3A_352] {strides = array<i32>} : memref<64xf32, #tpu.memory_space<vmem>>, vector<16xf32>,
      %get3A_354 = arith.constant 32 : index
      %get3A_355 = tpu.vector_load %arg16[%get3A_354] {strides = array<i32>} : memref<64xf32, #tpu.memory_space<vmem>>, vector<16xf32>,
      %get3A_356 = arith.constant 48 : index
      %get3A_357 = tpu.vector_load %arg16[%get3A_356] {strides = array<i32>} : memref<64xf32, #tpu.memory_space<vmem>>, vector<16xf32>,
      %parallel_loop3A_358 = arith.constant 0 : i32
      %parallel_loop3A_359 = arith.constant 400 : i32
      %parallel_loop3A_360 = arith.constant 1 : i32
      scf.for %parallel_loop3A_575 = %parallel_loop3A_358 to %parallel_loop3A_359 step %parallel_loop3A_360  : i32 {
        %parallel_loop3A_576 = arith.index_cast %parallel_loop3A_575 : i32 to index
        %parallel_loop3A_577 = arith.constant 0 : index
        %parallel_loop3A_578 = tpu.vector_load %arg12[%parallel_loop3A_576, %parallel_loop3A_577] {strides = array<i32>} : memref<400x64xf32, #tpu.memory_space<vmem>>, vector<16xf32>,
        %parallel_loop3A_579 = arith.index_cast %parallel_loop3A_575 : i32 to index
        %parallel_loop3A_580 = arith.constant 16 : index
        %parallel_loop3A_581 = tpu.vector_load %arg12[%parallel_loop3A_579, %parallel_loop3A_580] {strides = array<i32>} : memref<400x64xf32, #tpu.memory_space<vmem>>, vector<16xf32>,
        %parallel_loop3A_582 = arith.index_cast %parallel_loop3A_575 : i32 to index
        %parallel_loop3A_583 = arith.constant 32 : index
        %parallel_loop3A_584 = tpu.vector_load %arg12[%parallel_loop3A_582, %parallel_loop3A_583] {strides = array<i32>} : memref<400x64xf32, #tpu.memory_space<vmem>>, vector<16xf32>,
        %parallel_loop3A_585 = arith.index_cast %parallel_loop3A_575 : i32 to index
        %parallel_loop3A_586 = arith.constant 48 : index
        %parallel_loop3A_587 = tpu.vector_load %arg12[%parallel_loop3A_585, %parallel_loop3A_586] {strides = array<i32>} : memref<400x64xf32, #tpu.memory_space<vmem>>, vector<16xf32>,
        %parallel_loop3A_588 = arith.addf %parallel_loop3A_578, %parallel_loop3A_581 : vector<16xf32>
        %parallel_loop3A_589 = arith.addf %parallel_loop3A_588, %parallel_loop3A_584 : vector<16xf32>
        %parallel_loop3A_590 = arith.addf %parallel_loop3A_589, %parallel_loop3A_587 : vector<16xf32>
        %parallel_loop3A_591 = arith.mulf %parallel_loop3A_578, %parallel_loop3A_578 : vector<16xf32>
        %parallel_loop3A_592 = arith.mulf %parallel_loop3A_581, %parallel_loop3A_581 : vector<16xf32>
        %parallel_loop3A_593 = arith.addf %parallel_loop3A_591, %parallel_loop3A_592 : vector<16xf32>
        %parallel_loop3A_594 = arith.mulf %parallel_loop3A_584, %parallel_loop3A_584 : vector<16xf32>
        %parallel_loop3A_595 = arith.addf %parallel_loop3A_593, %parallel_loop3A_594 : vector<16xf32>
        %parallel_loop3A_596 = arith.mulf %parallel_loop3A_587, %parallel_loop3A_587 : vector<16xf32>
        %parallel_loop3A_597 = arith.addf %parallel_loop3A_595, %parallel_loop3A_596 : vector<16xf32>
        %parallel_loop3A_598 = vector.shape_cast %xor3A_2 : vector<16xi32> to vector<16x1xi32>
        %parallel_loop3A_599 = vector.shape_cast %parallel_loop3A_598 : vector<16x1xi32> to vector<16xi32>
        %parallel_loop3A_600 = tpu.dynamic_gather %parallel_loop3A_590[%parallel_loop3A_599] in [0] : vector<16xf32>, vector<16xi32> -> vector<16xf32>
        %parallel_loop3A_601 = arith.addf %parallel_loop3A_590, %parallel_loop3A_600 : vector<16xf32>
        %parallel_loop3A_602 = vector.shape_cast %xor3A_5 : vector<16xi32> to vector<16x1xi32>
        %parallel_loop3A_603 = vector.shape_cast %parallel_loop3A_602 : vector<16x1xi32> to vector<16xi32>
        %parallel_loop3A_604 = tpu.dynamic_gather %parallel_loop3A_601[%parallel_loop3A_603] in [0] : vector<16xf32>, vector<16xi32> -> vector<16xf32>
        %parallel_loop3A_605 = arith.addf %parallel_loop3A_601, %parallel_loop3A_604 : vector<16xf32>
        %parallel_loop3A_606 = vector.shape_cast %xor3A_8 : vector<16xi32> to vector<16x1xi32>
        %parallel_loop3A_607 = vector.shape_cast %parallel_loop3A_606 : vector<16x1xi32> to vector<16xi32>
        %parallel_loop3A_608 = tpu.dynamic_gather %parallel_loop3A_605[%parallel_loop3A_607] in [0] : vector<16xf32>, vector<16xi32> -> vector<16xf32>
        %parallel_loop3A_609 = arith.addf %parallel_loop3A_605, %parallel_loop3A_608 : vector<16xf32>
        %parallel_loop3A_610 = vector.shape_cast %xor3A_11 : vector<16xi32> to vector<16x1xi32>
        %parallel_loop3A_611 = vector.shape_cast %parallel_loop3A_610 : vector<16x1xi32> to vector<16xi32>
        %parallel_loop3A_612 = tpu.dynamic_gather %parallel_loop3A_609[%parallel_loop3A_611] in [0] : vector<16xf32>, vector<16xi32> -> vector<16xf32>
        %parallel_loop3A_613 = arith.addf %parallel_loop3A_609, %parallel_loop3A_612 : vector<16xf32>
        %parallel_loop3A_614 = vector.broadcast %scan3A : f32 to vector<16xf32>
        %parallel_loop3A_615 = arith.mulf %parallel_loop3A_613, %parallel_loop3A_614 : vector<16xf32>
        %parallel_loop3A_616 = vector.shape_cast %xor3A_2 : vector<16xi32> to vector<16x1xi32>
        %parallel_loop3A_617 = vector.shape_cast %parallel_loop3A_616 : vector<16x1xi32> to vector<16xi32>
        %parallel_loop3A_618 = tpu.dynamic_gather %parallel_loop3A_597[%parallel_loop3A_617] in [0] : vector<16xf32>, vector<16xi32> -> vector<16xf32>
        %parallel_loop3A_619 = arith.addf %parallel_loop3A_597, %parallel_loop3A_618 : vector<16xf32>
        %parallel_loop3A_620 = vector.shape_cast %xor3A_5 : vector<16xi32> to vector<16x1xi32>
        %parallel_loop3A_621 = vector.shape_cast %parallel_loop3A_620 : vector<16x1xi32> to vector<16xi32>
        %parallel_loop3A_622 = tpu.dynamic_gather %parallel_loop3A_619[%parallel_loop3A_621] in [0] : vector<16xf32>, vector<16xi32> -> vector<16xf32>
        %parallel_loop3A_623 = arith.addf %parallel_loop3A_619, %parallel_loop3A_622 : vector<16xf32>
        %parallel_loop3A_624 = vector.shape_cast %xor3A_8 : vector<16xi32> to vector<16x1xi32>
        %parallel_loop3A_625 = vector.shape_cast %parallel_loop3A_624 : vector<16x1xi32> to vector<16xi32>
        %parallel_loop3A_626 = tpu.dynamic_gather %parallel_loop3A_623[%parallel_loop3A_625] in [0] : vector<16xf32>, vector<16xi32> -> vector<16xf32>
        %parallel_loop3A_627 = arith.addf %parallel_loop3A_623, %parallel_loop3A_626 : vector<16xf32>
        %parallel_loop3A_628 = vector.shape_cast %xor3A_11 : vector<16xi32> to vector<16x1xi32>
        %parallel_loop3A_629 = vector.shape_cast %parallel_loop3A_628 : vector<16x1xi32> to vector<16xi32>
        %parallel_loop3A_630 = tpu.dynamic_gather %parallel_loop3A_627[%parallel_loop3A_629] in [0] : vector<16xf32>, vector<16xi32> -> vector<16xf32>
        %parallel_loop3A_631 = arith.addf %parallel_loop3A_627, %parallel_loop3A_630 : vector<16xf32>
        %parallel_loop3A_632 = vector.broadcast %scan3A : f32 to vector<16xf32>
        %parallel_loop3A_633 = arith.mulf %parallel_loop3A_631, %parallel_loop3A_632 : vector<16xf32>
        %parallel_loop3A_634 = arith.mulf %parallel_loop3A_615, %parallel_loop3A_615 : vector<16xf32>
        %parallel_loop3A_635 = arith.subf %parallel_loop3A_633, %parallel_loop3A_634 : vector<16xf32>
        %parallel_loop3A_636 = arith.constant 0.000000e+00 : f32
        %parallel_loop3A_637 = vector.broadcast %parallel_loop3A_636 : f32 to vector<16xf32>
        %parallel_loop3A_638 = arith.maximumf %parallel_loop3A_635, %parallel_loop3A_637 : vector<16xf32>
        %parallel_loop3A_639 = arith.constant 9.99999996E-13 : f32
        %parallel_loop3A_640 = vector.broadcast %parallel_loop3A_639 : f32 to vector<16xf32>
        %parallel_loop3A_641 = arith.addf %parallel_loop3A_638, %parallel_loop3A_640 : vector<16xf32>
        %parallel_loop3A_642 = vector.bitcast %parallel_loop3A_641 : vector<16xf32> to vector<16xi32>
        %parallel_loop3A_643 = arith.constant 1 : i32
        %parallel_loop3A_644 = vector.broadcast %parallel_loop3A_643 : i32 to vector<16xi32>
        %parallel_loop3A_645 = arith.shrui %parallel_loop3A_642, %parallel_loop3A_644 : vector<16xi32>
        %parallel_loop3A_646 = arith.constant 1597463007 : i32
        %parallel_loop3A_647 = vector.broadcast %parallel_loop3A_646 : i32 to vector<16xi32>
        %parallel_loop3A_648 = arith.subi %parallel_loop3A_647, %parallel_loop3A_645 : vector<16xi32>
        %parallel_loop3A_649 = vector.bitcast %parallel_loop3A_648 : vector<16xi32> to vector<16xf32>
        %parallel_loop3A_650 = arith.constant 5.000000e-01 : f32
        %parallel_loop3A_651 = vector.broadcast %parallel_loop3A_650 : f32 to vector<16xf32>
        %parallel_loop3A_652 = arith.mulf %parallel_loop3A_651, %parallel_loop3A_641 : vector<16xf32>
        %parallel_loop3A_653 = arith.mulf %parallel_loop3A_652, %parallel_loop3A_649 : vector<16xf32>
        %parallel_loop3A_654 = arith.mulf %parallel_loop3A_653, %parallel_loop3A_649 : vector<16xf32>
        %parallel_loop3A_655 = arith.constant 1.500000e+00 : f32
        %parallel_loop3A_656 = vector.broadcast %parallel_loop3A_655 : f32 to vector<16xf32>
        %parallel_loop3A_657 = arith.subf %parallel_loop3A_656, %parallel_loop3A_654 : vector<16xf32>
        %parallel_loop3A_658 = arith.mulf %parallel_loop3A_649, %parallel_loop3A_657 : vector<16xf32>
        %parallel_loop3A_659 = arith.constant 5.000000e-01 : f32
        %parallel_loop3A_660 = vector.broadcast %parallel_loop3A_659 : f32 to vector<16xf32>
        %parallel_loop3A_661 = arith.mulf %parallel_loop3A_660, %parallel_loop3A_641 : vector<16xf32>
        %parallel_loop3A_662 = arith.mulf %parallel_loop3A_661, %parallel_loop3A_658 : vector<16xf32>
        %parallel_loop3A_663 = arith.mulf %parallel_loop3A_662, %parallel_loop3A_658 : vector<16xf32>
        %parallel_loop3A_664 = arith.constant 1.500000e+00 : f32
        %parallel_loop3A_665 = vector.broadcast %parallel_loop3A_664 : f32 to vector<16xf32>
        %parallel_loop3A_666 = arith.subf %parallel_loop3A_665, %parallel_loop3A_663 : vector<16xf32>
        %parallel_loop3A_667 = arith.mulf %parallel_loop3A_658, %parallel_loop3A_666 : vector<16xf32>
        %parallel_loop3A_668 = arith.mulf %parallel_loop3A_615, %parallel_loop3A_667 : vector<16xf32>
        %parallel_loop3A_669 = arith.mulf %parallel_loop3A_578, %parallel_loop3A_667 : vector<16xf32>
        %parallel_loop3A_670 = arith.subf %parallel_loop3A_669, %parallel_loop3A_668 : vector<16xf32>
        %parallel_loop3A_671 = arith.mulf %parallel_loop3A_670, %get3A_343 : vector<16xf32>
        %parallel_loop3A_672 = arith.addf %parallel_loop3A_671, %get3A_351 : vector<16xf32>
        %parallel_loop3A_673 = arith.index_cast %parallel_loop3A_575 : i32 to index
        %parallel_loop3A_674 = arith.constant 0 : index
        %parallel_loop3A_675 = tpu.vector_load %arg12[%parallel_loop3A_673, %parallel_loop3A_674] {strides = array<i32>} : memref<400x64xf32, #tpu.memory_space<vmem>>, vector<16xf32>,
        tpu.vector_store %arg12[%parallel_loop3A_673, %parallel_loop3A_674], %parallel_loop3A_672 {strides = array<i32>} : memref<400x64xf32, #tpu.memory_space<vmem>>, vector<16xf32>,
        %parallel_loop3A_676 = arith.mulf %parallel_loop3A_581, %parallel_loop3A_667 : vector<16xf32>
        %parallel_loop3A_677 = arith.subf %parallel_loop3A_676, %parallel_loop3A_668 : vector<16xf32>
        %parallel_loop3A_678 = arith.mulf %parallel_loop3A_677, %get3A_345 : vector<16xf32>
        %parallel_loop3A_679 = arith.addf %parallel_loop3A_678, %get3A_353 : vector<16xf32>
        %parallel_loop3A_680 = arith.index_cast %parallel_loop3A_575 : i32 to index
        %parallel_loop3A_681 = arith.constant 16 : index
        %parallel_loop3A_682 = tpu.vector_load %arg12[%parallel_loop3A_680, %parallel_loop3A_681] {strides = array<i32>} : memref<400x64xf32, #tpu.memory_space<vmem>>, vector<16xf32>,
        tpu.vector_store %arg12[%parallel_loop3A_680, %parallel_loop3A_681], %parallel_loop3A_679 {strides = array<i32>} : memref<400x64xf32, #tpu.memory_space<vmem>>, vector<16xf32>,
        %parallel_loop3A_683 = arith.mulf %parallel_loop3A_584, %parallel_loop3A_667 : vector<16xf32>
        %parallel_loop3A_684 = arith.subf %parallel_loop3A_683, %parallel_loop3A_668 : vector<16xf32>
        %parallel_loop3A_685 = arith.mulf %parallel_loop3A_684, %get3A_347 : vector<16xf32>
        %parallel_loop3A_686 = arith.addf %parallel_loop3A_685, %get3A_355 : vector<16xf32>
        %parallel_loop3A_687 = arith.index_cast %parallel_loop3A_575 : i32 to index
        %parallel_loop3A_688 = arith.constant 32 : index
        %parallel_loop3A_689 = tpu.vector_load %arg12[%parallel_loop3A_687, %parallel_loop3A_688] {strides = array<i32>} : memref<400x64xf32, #tpu.memory_space<vmem>>, vector<16xf32>,
        tpu.vector_store %arg12[%parallel_loop3A_687, %parallel_loop3A_688], %parallel_loop3A_686 {strides = array<i32>} : memref<400x64xf32, #tpu.memory_space<vmem>>, vector<16xf32>,
        %parallel_loop3A_690 = arith.mulf %parallel_loop3A_587, %parallel_loop3A_667 : vector<16xf32>
        %parallel_loop3A_691 = arith.subf %parallel_loop3A_690, %parallel_loop3A_668 : vector<16xf32>
        %parallel_loop3A_692 = arith.mulf %parallel_loop3A_691, %get3A_349 : vector<16xf32>
        %parallel_loop3A_693 = arith.addf %parallel_loop3A_692, %get3A_357 : vector<16xf32>
        %parallel_loop3A_694 = arith.index_cast %parallel_loop3A_575 : i32 to index
        %parallel_loop3A_695 = arith.constant 48 : index
        %parallel_loop3A_696 = tpu.vector_load %arg12[%parallel_loop3A_694, %parallel_loop3A_695] {strides = array<i32>} : memref<400x64xf32, #tpu.memory_space<vmem>>, vector<16xf32>,
        tpu.vector_store %arg12[%parallel_loop3A_694, %parallel_loop3A_695], %parallel_loop3A_693 {strides = array<i32>} : memref<400x64xf32, #tpu.memory_space<vmem>>, vector<16xf32>,
      } {sc.loop_unroll_factor = 4 : i64, sc.parallel_access}
      %mul3A_361 = arith.constant 64 : i32
      %mul3A_362 = arith.muli %add3A, %mul3A_361 : i32
      %add3A_363 = arith.addi %mul3A_362, %add3A_331 : i32
      %mul3A_364 = arith.constant 2 : i32
      %mul3A_365 = arith.muli %add3A_363, %mul3A_364 : i32
      %add3A_366 = arith.constant 0 : i32
      %add3A_367 = arith.addi %mul3A_365, %add3A_366 : i32
      %dma_start3A_368 = arith.constant 0 : i32
      %dma_start3A_369 = arith.constant 0 : i32
      %dma_start3A_370 = tpu.memref_slice %arg12[%dma_start3A_368, %dma_start3A_369] : memref<400x64xf32, #tpu.memory_space<vmem>> -> memref<200x64xf32, #tpu.memory_space<vmem>>
      %dma_start3A_371 = arith.constant 0 : i32
      %dma_start3A_372 = arith.constant 0 : i32
      %dma_start3A_373 = tpu.memref_slice %arg6[%add3A_367, %dma_start3A_371, %dma_start3A_372] : memref<4096x200x64xf32, #tpu.memory_space<hbm>> -> memref<1x200x64xf32, #tpu.memory_space<hbm>>
      %dma_start3A_374 = tpu.memref_squeeze %dma_start3A_373 : memref<1x200x64xf32, #tpu.memory_space<hbm>> -> memref<200x64xf32, #tpu.memory_space<hbm>>
      %dma_start3A_375 = arith.constant 0 : i32
      %dma_start3A_376 = arith.constant 0 : i32
      %dma_start3A_377 = tpu.memref_slice %arg6[%add3A_367, %dma_start3A_375, %dma_start3A_376] : memref<4096x200x64xf32, #tpu.memory_space<hbm>> -> memref<1x200x64xf32, #tpu.memory_space<hbm>>
      %dma_start3A_378 = tpu.memref_squeeze %dma_start3A_377 : memref<1x200x64xf32, #tpu.memory_space<hbm>> -> memref<200x64xf32, #tpu.memory_space<hbm>>
      %dma_start3A_379 = arith.constant 0 : i32
      %dma_start3A_380 = arith.constant 0 : i32
      %dma_start3A_381 = tpu.memref_slice %arg12[%dma_start3A_379, %dma_start3A_380] : memref<400x64xf32, #tpu.memory_space<vmem>> -> memref<200x64xf32, #tpu.memory_space<vmem>>
      tpu.enqueue_dma source(%dma_start3A_381 : memref<200x64xf32, #tpu.memory_space<vmem>>) target(%dma_start3A_378 : memref<200x64xf32, #tpu.memory_space<hbm>>) target_semaphore(%arg26 : memref<!tpu.dma_semaphore, #tpu.memory_space<semaphore_mem>>)
      %mul3A_382 = arith.constant 64 : i32
      %mul3A_383 = arith.muli %add3A, %mul3A_382 : i32
      %add3A_384 = arith.addi %mul3A_383, %add3A_331 : i32
      %mul3A_385 = arith.constant 2 : i32
      %mul3A_386 = arith.muli %add3A_384, %mul3A_385 : i32
      %add3A_387 = arith.constant 1 : i32
      %add3A_388 = arith.addi %mul3A_386, %add3A_387 : i32
      %dma_start3A_389 = arith.constant 200 : i32
      %dma_start3A_390 = arith.constant 0 : i32
      %dma_start3A_391 = tpu.memref_slice %arg12[%dma_start3A_389, %dma_start3A_390] : memref<400x64xf32, #tpu.memory_space<vmem>> -> memref<200x64xf32, #tpu.memory_space<vmem>>
      %dma_start3A_392 = arith.constant 0 : i32
      %dma_start3A_393 = arith.constant 0 : i32
      %dma_start3A_394 = tpu.memref_slice %arg6[%add3A_388, %dma_start3A_392, %dma_start3A_393] : memref<4096x200x64xf32, #tpu.memory_space<hbm>> -> memref<1x200x64xf32, #tpu.memory_space<hbm>>
      %dma_start3A_395 = tpu.memref_squeeze %dma_start3A_394 : memref<1x200x64xf32, #tpu.memory_space<hbm>> -> memref<200x64xf32, #tpu.memory_space<hbm>>
      %dma_start3A_396 = arith.constant 0 : i32
      %dma_start3A_397 = arith.constant 0 : i32
      %dma_start3A_398 = tpu.memref_slice %arg6[%add3A_388, %dma_start3A_396, %dma_start3A_397] : memref<4096x200x64xf32, #tpu.memory_space<hbm>> -> memref<1x200x64xf32, #tpu.memory_space<hbm>>
      %dma_start3A_399 = tpu.memref_squeeze %dma_start3A_398 : memref<1x200x64xf32, #tpu.memory_space<hbm>> -> memref<200x64xf32, #tpu.memory_space<hbm>>
      %dma_start3A_400 = arith.constant 200 : i32
      %dma_start3A_401 = arith.constant 0 : i32
      %dma_start3A_402 = tpu.memref_slice %arg12[%dma_start3A_400, %dma_start3A_401] : memref<400x64xf32, #tpu.memory_space<vmem>> -> memref<200x64xf32, #tpu.memory_space<vmem>>
      tpu.enqueue_dma source(%dma_start3A_402 : memref<200x64xf32, #tpu.memory_space<vmem>>) target(%dma_start3A_399 : memref<200x64xf32, #tpu.memory_space<hbm>>) target_semaphore(%arg26 : memref<!tpu.dma_semaphore, #tpu.memory_space<semaphore_mem>>)
      %add3A_403 = arith.constant 2 : i32
      %add3A_404 = arith.addi %add3A_331, %add3A_403 : i32
      %lt3A_405 = arith.constant 64 : i32
      %lt3A_406 = arith.cmpi slt, %add3A_404, %lt3A_405 : i32
      %convert_element_type3A_407 = arith.extui %lt3A_406 : i1 to i32
      %cond3A_408 = arith.constant 0 : i32
      %cond3A_409 = arith.cmpi ne, %convert_element_type3A_407, %cond3A_408 : i32
      scf.if %cond3A_409 {
        %ge3A = arith.constant 4 : i32
        %ge3A_575 = arith.cmpi sge, %add3A_404, %ge3A : i32
        %convert_element_type3A_576 = arith.extui %ge3A_575 : i1 to i32
        %cond3A_577 = arith.constant 0 : i32
        %cond3A_578 = arith.cmpi ne, %convert_element_type3A_576, %cond3A_577 : i32
        scf.if %cond3A_578 {
          %sub3A = arith.constant 4 : i32
          %sub3A_591 = arith.subi %add3A_404, %sub3A : i32
          %mul3A_592 = arith.constant 64 : i32
          %mul3A_593 = arith.muli %add3A, %mul3A_592 : i32
          %add3A_594 = arith.addi %mul3A_593, %sub3A_591 : i32
          %mul3A_595 = arith.constant 2 : i32
          %mul3A_596 = arith.muli %add3A_594, %mul3A_595 : i32
          %add3A_597 = arith.constant 0 : i32
          %add3A_598 = arith.addi %mul3A_596, %add3A_597 : i32
          %dma_wait3A_599 = arith.constant 0 : i32
          %dma_wait3A_600 = arith.constant 0 : i32
          %dma_wait3A_601 = tpu.memref_slice %arg14[%dma_wait3A_599, %dma_wait3A_600] : memref<400x64xf32, #tpu.memory_space<vmem>> -> memref<200x64xf32, #tpu.memory_space<vmem>>
          %dma_wait3A_602 = arith.constant 0 : i32
          %dma_wait3A_603 = arith.constant 0 : i32
          %dma_wait3A_604 = tpu.memref_slice %arg6[%add3A_598, %dma_wait3A_602, %dma_wait3A_603] : memref<4096x200x64xf32, #tpu.memory_space<hbm>> -> memref<1x200x64xf32, #tpu.memory_space<hbm>>
          %dma_wait3A_605 = tpu.memref_squeeze %dma_wait3A_604 : memref<1x200x64xf32, #tpu.memory_space<hbm>> -> memref<200x64xf32, #tpu.memory_space<hbm>>
          %dma_wait3A_606 = arith.constant 0 : i32
          %dma_wait3A_607 = arith.constant 0 : i32
          %dma_wait3A_608 = tpu.memref_slice %arg6[%add3A_598, %dma_wait3A_606, %dma_wait3A_607] : memref<4096x200x64xf32, #tpu.memory_space<hbm>> -> memref<1x200x64xf32, #tpu.memory_space<hbm>>
          %dma_wait3A_609 = tpu.memref_squeeze %dma_wait3A_608 : memref<1x200x64xf32, #tpu.memory_space<hbm>> -> memref<200x64xf32, #tpu.memory_space<hbm>>
          %dma_wait3A_610 = arith.constant 0 : i32
          %dma_wait3A_611 = arith.constant 0 : i32
          %dma_wait3A_612 = tpu.memref_slice %arg14[%dma_wait3A_610, %dma_wait3A_611] : memref<400x64xf32, #tpu.memory_space<vmem>> -> memref<200x64xf32, #tpu.memory_space<vmem>>
          tpu.wait_dma2 semaphore(%arg28 : memref<!tpu.dma_semaphore, #tpu.memory_space<semaphore_mem>>) src(%dma_wait3A_612 : memref<200x64xf32, #tpu.memory_space<vmem>>) dst(%dma_wait3A_609 : memref<200x64xf32, #tpu.memory_space<hbm>>)
          %mul3A_613 = arith.constant 64 : i32
          %mul3A_614 = arith.muli %add3A, %mul3A_613 : i32
          %add3A_615 = arith.addi %mul3A_614, %sub3A_591 : i32
          %mul3A_616 = arith.constant 2 : i32
          %mul3A_617 = arith.muli %add3A_615, %mul3A_616 : i32
          %add3A_618 = arith.constant 1 : i32
          %add3A_619 = arith.addi %mul3A_617, %add3A_618 : i32
          %dma_wait3A_620 = arith.constant 200 : i32
          %dma_wait3A_621 = arith.constant 0 : i32
          %dma_wait3A_622 = tpu.memref_slice %arg14[%dma_wait3A_620, %dma_wait3A_621] : memref<400x64xf32, #tpu.memory_space<vmem>> -> memref<200x64xf32, #tpu.memory_space<vmem>>
          %dma_wait3A_623 = arith.constant 0 : i32
          %dma_wait3A_624 = arith.constant 0 : i32
          %dma_wait3A_625 = tpu.memref_slice %arg6[%add3A_619, %dma_wait3A_623, %dma_wait3A_624] : memref<4096x200x64xf32, #tpu.memory_space<hbm>> -> memref<1x200x64xf32, #tpu.memory_space<hbm>>
          %dma_wait3A_626 = tpu.memref_squeeze %dma_wait3A_625 : memref<1x200x64xf32, #tpu.memory_space<hbm>> -> memref<200x64xf32, #tpu.memory_space<hbm>>
          %dma_wait3A_627 = arith.constant 0 : i32
          %dma_wait3A_628 = arith.constant 0 : i32
          %dma_wait3A_629 = tpu.memref_slice %arg6[%add3A_619, %dma_wait3A_627, %dma_wait3A_628] : memref<4096x200x64xf32, #tpu.memory_space<hbm>> -> memref<1x200x64xf32, #tpu.memory_space<hbm>>
          %dma_wait3A_630 = tpu.memref_squeeze %dma_wait3A_629 : memref<1x200x64xf32, #tpu.memory_space<hbm>> -> memref<200x64xf32, #tpu.memory_space<hbm>>
          %dma_wait3A_631 = arith.constant 200 : i32
          %dma_wait3A_632 = arith.constant 0 : i32
          %dma_wait3A_633 = tpu.memref_slice %arg14[%dma_wait3A_631, %dma_wait3A_632] : memref<400x64xf32, #tpu.memory_space<vmem>> -> memref<200x64xf32, #tpu.memory_space<vmem>>
          tpu.wait_dma2 semaphore(%arg28 : memref<!tpu.dma_semaphore, #tpu.memory_space<semaphore_mem>>) src(%dma_wait3A_633 : memref<200x64xf32, #tpu.memory_space<vmem>>) dst(%dma_wait3A_630 : memref<200x64xf32, #tpu.memory_space<hbm>>)
        } else {
        }
        %mul3A_579 = arith.constant 64 : i32
        %mul3A_580 = arith.muli %add3A, %mul3A_579 : i32
        %add3A_581 = arith.addi %mul3A_580, %add3A_404 : i32
        %mul3A_582 = arith.constant 2 : i32
        %mul3A_583 = arith.muli %add3A_581, %mul3A_582 : i32
        %mul3A_584 = arith.constant 200 : i32
        %mul3A_585 = arith.muli %mul3A_583, %mul3A_584 : i32
        %dma_wait3A_586 = tpu.memref_slice %arg2[%mul3A_585] : memref<819200xi32, #tpu.memory_space<hbm>> -> memref<400xi32, #tpu.memory_space<hbm>>
        %dma_wait3A_587 = tpu.memref_slice %arg2[%mul3A_585] : memref<819200xi32, #tpu.memory_space<hbm>> -> memref<400xi32, #tpu.memory_space<hbm>>
        tpu.wait_dma2 semaphore(%arg20 : memref<!tpu.dma_semaphore, #tpu.memory_space<semaphore_mem>>) src(%dma_wait3A_587 : memref<400xi32, #tpu.memory_space<hbm>>) dst(%arg10 : memref<400xi32, #tpu.memory_space<vmem>>)
        %dma_start3A_588 = arith.constant 0 : i32
        %dma_start3A_589 = arith.constant 0 : i32
        %dma_start3A_590 = tpu.memref_slice %arg3[%dma_start3A_588, %dma_start3A_589] : memref<1000000x64xf32, #tpu.memory_space<hbm>> -> memref<1000000x64xf32, #tpu.memory_space<hbm>>
        tpu.enqueue_indirect_dma source(%dma_start3A_590 : memref<1000000x64xf32, #tpu.memory_space<hbm>>) target(%arg14 : memref<400x64xf32, #tpu.memory_space<vmem>>) offsets(%arg10 : memref<400xi32, #tpu.memory_space<vmem>>) semaphore(%arg24 : memref<!tpu.dma_semaphore, #tpu.memory_space<semaphore_mem>>)
      } else {
      }
      %mul3A_410 = arith.constant 4 : i32
      %mul3A_411 = arith.muli %scan3A_249, %mul3A_410 : i32
      %add3A_412 = arith.constant 2 : i32
      %add3A_413 = arith.addi %mul3A_411, %add3A_412 : i32
      %dma_wait3A_414 = arith.constant 0 : i32
      %dma_wait3A_415 = arith.constant 0 : i32
      %dma_wait3A_416 = tpu.memref_slice %arg3[%dma_wait3A_414, %dma_wait3A_415] : memref<1000000x64xf32, #tpu.memory_space<hbm>> -> memref<1000000x64xf32, #tpu.memory_space<hbm>>
      tpu.wait_indirect_dma semaphore(%arg23 : memref<!tpu.dma_semaphore, #tpu.memory_space<semaphore_mem>>) src(%dma_wait3A_416 : memref<1000000x64xf32, #tpu.memory_space<hbm>>) dst(%arg13 : memref<400x64xf32, #tpu.memory_space<vmem>>)
      %add3A_417 = arith.constant 3 : i32
      %add3A_418 = arith.addi %add3A_413, %add3A_417 : i32
      %lt3A_419 = arith.constant 64 : i32
      %lt3A_420 = arith.cmpi slt, %add3A_418, %lt3A_419 : i32
      %convert_element_type3A_421 = arith.extui %lt3A_420 : i1 to i32
      %cond3A_422 = arith.constant 0 : i32
      %cond3A_423 = arith.cmpi ne, %convert_element_type3A_421, %cond3A_422 : i32
      scf.if %cond3A_423 {
        %add3A_575 = arith.constant 3 : i32
        %add3A_576 = arith.addi %add3A_413, %add3A_575 : i32
        %mul3A_577 = arith.constant 64 : i32
        %mul3A_578 = arith.muli %add3A, %mul3A_577 : i32
        %add3A_579 = arith.addi %mul3A_578, %add3A_576 : i32
        %mul3A_580 = arith.constant 2 : i32
        %mul3A_581 = arith.muli %add3A_579, %mul3A_580 : i32
        %mul3A_582 = arith.constant 200 : i32
        %mul3A_583 = arith.muli %mul3A_581, %mul3A_582 : i32
        %dma_start3A_584 = tpu.memref_slice %arg2[%mul3A_583] : memref<819200xi32, #tpu.memory_space<hbm>> -> memref<400xi32, #tpu.memory_space<hbm>>
        %dma_start3A_585 = tpu.memref_slice %arg2[%mul3A_583] : memref<819200xi32, #tpu.memory_space<hbm>> -> memref<400xi32, #tpu.memory_space<hbm>>
        tpu.enqueue_dma source(%dma_start3A_585 : memref<400xi32, #tpu.memory_space<hbm>>) target(%arg8 : memref<400xi32, #tpu.memory_space<vmem>>) target_semaphore(%arg18 : memref<!tpu.dma_semaphore, #tpu.memory_space<semaphore_mem>>)
      } else {
      }
      %get3A_424 = arith.constant 0 : index
      %get3A_425 = tpu.vector_load %arg15[%get3A_424] {strides = array<i32>} : memref<64xf32, #tpu.memory_space<vmem>>, vector<16xf32>,
      %get3A_426 = arith.constant 16 : index
      %get3A_427 = tpu.vector_load %arg15[%get3A_426] {strides = array<i32>} : memref<64xf32, #tpu.memory_space<vmem>>, vector<16xf32>,
      %get3A_428 = arith.constant 32 : index
      %get3A_429 = tpu.vector_load %arg15[%get3A_428] {strides = array<i32>} : memref<64xf32, #tpu.memory_space<vmem>>, vector<16xf32>,
      %get3A_430 = arith.constant 48 : index
      %get3A_431 = tpu.vector_load %arg15[%get3A_430] {strides = array<i32>} : memref<64xf32, #tpu.memory_space<vmem>>, vector<16xf32>,
      %get3A_432 = arith.constant 0 : index
      %get3A_433 = tpu.vector_load %arg16[%get3A_432] {strides = array<i32>} : memref<64xf32, #tpu.memory_space<vmem>>, vector<16xf32>,
      %get3A_434 = arith.constant 16 : index
      %get3A_435 = tpu.vector_load %arg16[%get3A_434] {strides = array<i32>} : memref<64xf32, #tpu.memory_space<vmem>>, vector<16xf32>,
      %get3A_436 = arith.constant 32 : index
      %get3A_437 = tpu.vector_load %arg16[%get3A_436] {strides = array<i32>} : memref<64xf32, #tpu.memory_space<vmem>>, vector<16xf32>,
      %get3A_438 = arith.constant 48 : index
      %get3A_439 = tpu.vector_load %arg16[%get3A_438] {strides = array<i32>} : memref<64xf32, #tpu.memory_space<vmem>>, vector<16xf32>,
      %parallel_loop3A_440 = arith.constant 0 : i32
      %parallel_loop3A_441 = arith.constant 400 : i32
      %parallel_loop3A_442 = arith.constant 1 : i32
      scf.for %parallel_loop3A_575 = %parallel_loop3A_440 to %parallel_loop3A_441 step %parallel_loop3A_442  : i32 {
        %parallel_loop3A_576 = arith.index_cast %parallel_loop3A_575 : i32 to index
        %parallel_loop3A_577 = arith.constant 0 : index
        %parallel_loop3A_578 = tpu.vector_load %arg13[%parallel_loop3A_576, %parallel_loop3A_577] {strides = array<i32>} : memref<400x64xf32, #tpu.memory_space<vmem>>, vector<16xf32>,
        %parallel_loop3A_579 = arith.index_cast %parallel_loop3A_575 : i32 to index
        %parallel_loop3A_580 = arith.constant 16 : index
        %parallel_loop3A_581 = tpu.vector_load %arg13[%parallel_loop3A_579, %parallel_loop3A_580] {strides = array<i32>} : memref<400x64xf32, #tpu.memory_space<vmem>>, vector<16xf32>,
        %parallel_loop3A_582 = arith.index_cast %parallel_loop3A_575 : i32 to index
        %parallel_loop3A_583 = arith.constant 32 : index
        %parallel_loop3A_584 = tpu.vector_load %arg13[%parallel_loop3A_582, %parallel_loop3A_583] {strides = array<i32>} : memref<400x64xf32, #tpu.memory_space<vmem>>, vector<16xf32>,
        %parallel_loop3A_585 = arith.index_cast %parallel_loop3A_575 : i32 to index
        %parallel_loop3A_586 = arith.constant 48 : index
        %parallel_loop3A_587 = tpu.vector_load %arg13[%parallel_loop3A_585, %parallel_loop3A_586] {strides = array<i32>} : memref<400x64xf32, #tpu.memory_space<vmem>>, vector<16xf32>,
        %parallel_loop3A_588 = arith.addf %parallel_loop3A_578, %parallel_loop3A_581 : vector<16xf32>
        %parallel_loop3A_589 = arith.addf %parallel_loop3A_588, %parallel_loop3A_584 : vector<16xf32>
        %parallel_loop3A_590 = arith.addf %parallel_loop3A_589, %parallel_loop3A_587 : vector<16xf32>
        %parallel_loop3A_591 = arith.mulf %parallel_loop3A_578, %parallel_loop3A_578 : vector<16xf32>
        %parallel_loop3A_592 = arith.mulf %parallel_loop3A_581, %parallel_loop3A_581 : vector<16xf32>
        %parallel_loop3A_593 = arith.addf %parallel_loop3A_591, %parallel_loop3A_592 : vector<16xf32>
        %parallel_loop3A_594 = arith.mulf %parallel_loop3A_584, %parallel_loop3A_584 : vector<16xf32>
        %parallel_loop3A_595 = arith.addf %parallel_loop3A_593, %parallel_loop3A_594 : vector<16xf32>
        %parallel_loop3A_596 = arith.mulf %parallel_loop3A_587, %parallel_loop3A_587 : vector<16xf32>
        %parallel_loop3A_597 = arith.addf %parallel_loop3A_595, %parallel_loop3A_596 : vector<16xf32>
        %parallel_loop3A_598 = vector.shape_cast %xor3A_2 : vector<16xi32> to vector<16x1xi32>
        %parallel_loop3A_599 = vector.shape_cast %parallel_loop3A_598 : vector<16x1xi32> to vector<16xi32>
        %parallel_loop3A_600 = tpu.dynamic_gather %parallel_loop3A_590[%parallel_loop3A_599] in [0] : vector<16xf32>, vector<16xi32> -> vector<16xf32>
        %parallel_loop3A_601 = arith.addf %parallel_loop3A_590, %parallel_loop3A_600 : vector<16xf32>
        %parallel_loop3A_602 = vector.shape_cast %xor3A_5 : vector<16xi32> to vector<16x1xi32>
        %parallel_loop3A_603 = vector.shape_cast %parallel_loop3A_602 : vector<16x1xi32> to vector<16xi32>
        %parallel_loop3A_604 = tpu.dynamic_gather %parallel_loop3A_601[%parallel_loop3A_603] in [0] : vector<16xf32>, vector<16xi32> -> vector<16xf32>
        %parallel_loop3A_605 = arith.addf %parallel_loop3A_601, %parallel_loop3A_604 : vector<16xf32>
        %parallel_loop3A_606 = vector.shape_cast %xor3A_8 : vector<16xi32> to vector<16x1xi32>
        %parallel_loop3A_607 = vector.shape_cast %parallel_loop3A_606 : vector<16x1xi32> to vector<16xi32>
        %parallel_loop3A_608 = tpu.dynamic_gather %parallel_loop3A_605[%parallel_loop3A_607] in [0] : vector<16xf32>, vector<16xi32> -> vector<16xf32>
        %parallel_loop3A_609 = arith.addf %parallel_loop3A_605, %parallel_loop3A_608 : vector<16xf32>
        %parallel_loop3A_610 = vector.shape_cast %xor3A_11 : vector<16xi32> to vector<16x1xi32>
        %parallel_loop3A_611 = vector.shape_cast %parallel_loop3A_610 : vector<16x1xi32> to vector<16xi32>
        %parallel_loop3A_612 = tpu.dynamic_gather %parallel_loop3A_609[%parallel_loop3A_611] in [0] : vector<16xf32>, vector<16xi32> -> vector<16xf32>
        %parallel_loop3A_613 = arith.addf %parallel_loop3A_609, %parallel_loop3A_612 : vector<16xf32>
        %parallel_loop3A_614 = vector.broadcast %scan3A : f32 to vector<16xf32>
        %parallel_loop3A_615 = arith.mulf %parallel_loop3A_613, %parallel_loop3A_614 : vector<16xf32>
        %parallel_loop3A_616 = vector.shape_cast %xor3A_2 : vector<16xi32> to vector<16x1xi32>
        %parallel_loop3A_617 = vector.shape_cast %parallel_loop3A_616 : vector<16x1xi32> to vector<16xi32>
        %parallel_loop3A_618 = tpu.dynamic_gather %parallel_loop3A_597[%parallel_loop3A_617] in [0] : vector<16xf32>, vector<16xi32> -> vector<16xf32>
        %parallel_loop3A_619 = arith.addf %parallel_loop3A_597, %parallel_loop3A_618 : vector<16xf32>
        %parallel_loop3A_620 = vector.shape_cast %xor3A_5 : vector<16xi32> to vector<16x1xi32>
        %parallel_loop3A_621 = vector.shape_cast %parallel_loop3A_620 : vector<16x1xi32> to vector<16xi32>
        %parallel_loop3A_622 = tpu.dynamic_gather %parallel_loop3A_619[%parallel_loop3A_621] in [0] : vector<16xf32>, vector<16xi32> -> vector<16xf32>
        %parallel_loop3A_623 = arith.addf %parallel_loop3A_619, %parallel_loop3A_622 : vector<16xf32>
        %parallel_loop3A_624 = vector.shape_cast %xor3A_8 : vector<16xi32> to vector<16x1xi32>
        %parallel_loop3A_625 = vector.shape_cast %parallel_loop3A_624 : vector<16x1xi32> to vector<16xi32>
        %parallel_loop3A_626 = tpu.dynamic_gather %parallel_loop3A_623[%parallel_loop3A_625] in [0] : vector<16xf32>, vector<16xi32> -> vector<16xf32>
        %parallel_loop3A_627 = arith.addf %parallel_loop3A_623, %parallel_loop3A_626 : vector<16xf32>
        %parallel_loop3A_628 = vector.shape_cast %xor3A_11 : vector<16xi32> to vector<16x1xi32>
        %parallel_loop3A_629 = vector.shape_cast %parallel_loop3A_628 : vector<16x1xi32> to vector<16xi32>
        %parallel_loop3A_630 = tpu.dynamic_gather %parallel_loop3A_627[%parallel_loop3A_629] in [0] : vector<16xf32>, vector<16xi32> -> vector<16xf32>
        %parallel_loop3A_631 = arith.addf %parallel_loop3A_627, %parallel_loop3A_630 : vector<16xf32>
        %parallel_loop3A_632 = vector.broadcast %scan3A : f32 to vector<16xf32>
        %parallel_loop3A_633 = arith.mulf %parallel_loop3A_631, %parallel_loop3A_632 : vector<16xf32>
        %parallel_loop3A_634 = arith.mulf %parallel_loop3A_615, %parallel_loop3A_615 : vector<16xf32>
        %parallel_loop3A_635 = arith.subf %parallel_loop3A_633, %parallel_loop3A_634 : vector<16xf32>
        %parallel_loop3A_636 = arith.constant 0.000000e+00 : f32
        %parallel_loop3A_637 = vector.broadcast %parallel_loop3A_636 : f32 to vector<16xf32>
        %parallel_loop3A_638 = arith.maximumf %parallel_loop3A_635, %parallel_loop3A_637 : vector<16xf32>
        %parallel_loop3A_639 = arith.constant 9.99999996E-13 : f32
        %parallel_loop3A_640 = vector.broadcast %parallel_loop3A_639 : f32 to vector<16xf32>
        %parallel_loop3A_641 = arith.addf %parallel_loop3A_638, %parallel_loop3A_640 : vector<16xf32>
        %parallel_loop3A_642 = vector.bitcast %parallel_loop3A_641 : vector<16xf32> to vector<16xi32>
        %parallel_loop3A_643 = arith.constant 1 : i32
        %parallel_loop3A_644 = vector.broadcast %parallel_loop3A_643 : i32 to vector<16xi32>
        %parallel_loop3A_645 = arith.shrui %parallel_loop3A_642, %parallel_loop3A_644 : vector<16xi32>
        %parallel_loop3A_646 = arith.constant 1597463007 : i32
        %parallel_loop3A_647 = vector.broadcast %parallel_loop3A_646 : i32 to vector<16xi32>
        %parallel_loop3A_648 = arith.subi %parallel_loop3A_647, %parallel_loop3A_645 : vector<16xi32>
        %parallel_loop3A_649 = vector.bitcast %parallel_loop3A_648 : vector<16xi32> to vector<16xf32>
        %parallel_loop3A_650 = arith.constant 5.000000e-01 : f32
        %parallel_loop3A_651 = vector.broadcast %parallel_loop3A_650 : f32 to vector<16xf32>
        %parallel_loop3A_652 = arith.mulf %parallel_loop3A_651, %parallel_loop3A_641 : vector<16xf32>
        %parallel_loop3A_653 = arith.mulf %parallel_loop3A_652, %parallel_loop3A_649 : vector<16xf32>
        %parallel_loop3A_654 = arith.mulf %parallel_loop3A_653, %parallel_loop3A_649 : vector<16xf32>
        %parallel_loop3A_655 = arith.constant 1.500000e+00 : f32
        %parallel_loop3A_656 = vector.broadcast %parallel_loop3A_655 : f32 to vector<16xf32>
        %parallel_loop3A_657 = arith.subf %parallel_loop3A_656, %parallel_loop3A_654 : vector<16xf32>
        %parallel_loop3A_658 = arith.mulf %parallel_loop3A_649, %parallel_loop3A_657 : vector<16xf32>
        %parallel_loop3A_659 = arith.constant 5.000000e-01 : f32
        %parallel_loop3A_660 = vector.broadcast %parallel_loop3A_659 : f32 to vector<16xf32>
        %parallel_loop3A_661 = arith.mulf %parallel_loop3A_660, %parallel_loop3A_641 : vector<16xf32>
        %parallel_loop3A_662 = arith.mulf %parallel_loop3A_661, %parallel_loop3A_658 : vector<16xf32>
        %parallel_loop3A_663 = arith.mulf %parallel_loop3A_662, %parallel_loop3A_658 : vector<16xf32>
        %parallel_loop3A_664 = arith.constant 1.500000e+00 : f32
        %parallel_loop3A_665 = vector.broadcast %parallel_loop3A_664 : f32 to vector<16xf32>
        %parallel_loop3A_666 = arith.subf %parallel_loop3A_665, %parallel_loop3A_663 : vector<16xf32>
        %parallel_loop3A_667 = arith.mulf %parallel_loop3A_658, %parallel_loop3A_666 : vector<16xf32>
        %parallel_loop3A_668 = arith.mulf %parallel_loop3A_615, %parallel_loop3A_667 : vector<16xf32>
        %parallel_loop3A_669 = arith.mulf %parallel_loop3A_578, %parallel_loop3A_667 : vector<16xf32>
        %parallel_loop3A_670 = arith.subf %parallel_loop3A_669, %parallel_loop3A_668 : vector<16xf32>
        %parallel_loop3A_671 = arith.mulf %parallel_loop3A_670, %get3A_425 : vector<16xf32>
        %parallel_loop3A_672 = arith.addf %parallel_loop3A_671, %get3A_433 : vector<16xf32>
        %parallel_loop3A_673 = arith.index_cast %parallel_loop3A_575 : i32 to index
        %parallel_loop3A_674 = arith.constant 0 : index
        %parallel_loop3A_675 = tpu.vector_load %arg13[%parallel_loop3A_673, %parallel_loop3A_674] {strides = array<i32>} : memref<400x64xf32, #tpu.memory_space<vmem>>, vector<16xf32>,
        tpu.vector_store %arg13[%parallel_loop3A_673, %parallel_loop3A_674], %parallel_loop3A_672 {strides = array<i32>} : memref<400x64xf32, #tpu.memory_space<vmem>>, vector<16xf32>,
        %parallel_loop3A_676 = arith.mulf %parallel_loop3A_581, %parallel_loop3A_667 : vector<16xf32>
        %parallel_loop3A_677 = arith.subf %parallel_loop3A_676, %parallel_loop3A_668 : vector<16xf32>
        %parallel_loop3A_678 = arith.mulf %parallel_loop3A_677, %get3A_427 : vector<16xf32>
        %parallel_loop3A_679 = arith.addf %parallel_loop3A_678, %get3A_435 : vector<16xf32>
        %parallel_loop3A_680 = arith.index_cast %parallel_loop3A_575 : i32 to index
        %parallel_loop3A_681 = arith.constant 16 : index
        %parallel_loop3A_682 = tpu.vector_load %arg13[%parallel_loop3A_680, %parallel_loop3A_681] {strides = array<i32>} : memref<400x64xf32, #tpu.memory_space<vmem>>, vector<16xf32>,
        tpu.vector_store %arg13[%parallel_loop3A_680, %parallel_loop3A_681], %parallel_loop3A_679 {strides = array<i32>} : memref<400x64xf32, #tpu.memory_space<vmem>>, vector<16xf32>,
        %parallel_loop3A_683 = arith.mulf %parallel_loop3A_584, %parallel_loop3A_667 : vector<16xf32>
        %parallel_loop3A_684 = arith.subf %parallel_loop3A_683, %parallel_loop3A_668 : vector<16xf32>
        %parallel_loop3A_685 = arith.mulf %parallel_loop3A_684, %get3A_429 : vector<16xf32>
        %parallel_loop3A_686 = arith.addf %parallel_loop3A_685, %get3A_437 : vector<16xf32>
        %parallel_loop3A_687 = arith.index_cast %parallel_loop3A_575 : i32 to index
        %parallel_loop3A_688 = arith.constant 32 : index
        %parallel_loop3A_689 = tpu.vector_load %arg13[%parallel_loop3A_687, %parallel_loop3A_688] {strides = array<i32>} : memref<400x64xf32, #tpu.memory_space<vmem>>, vector<16xf32>,
        tpu.vector_store %arg13[%parallel_loop3A_687, %parallel_loop3A_688], %parallel_loop3A_686 {strides = array<i32>} : memref<400x64xf32, #tpu.memory_space<vmem>>, vector<16xf32>,
        %parallel_loop3A_690 = arith.mulf %parallel_loop3A_587, %parallel_loop3A_667 : vector<16xf32>
        %parallel_loop3A_691 = arith.subf %parallel_loop3A_690, %parallel_loop3A_668 : vector<16xf32>
        %parallel_loop3A_692 = arith.mulf %parallel_loop3A_691, %get3A_431 : vector<16xf32>
        %parallel_loop3A_693 = arith.addf %parallel_loop3A_692, %get3A_439 : vector<16xf32>
        %parallel_loop3A_694 = arith.index_cast %parallel_loop3A_575 : i32 to index
        %parallel_loop3A_695 = arith.constant 48 : index
        %parallel_loop3A_696 = tpu.vector_load %arg13[%parallel_loop3A_694, %parallel_loop3A_695] {strides = array<i32>} : memref<400x64xf32, #tpu.memory_space<vmem>>, vector<16xf32>,
        tpu.vector_store %arg13[%parallel_loop3A_694, %parallel_loop3A_695], %parallel_loop3A_693 {strides = array<i32>} : memref<400x64xf32, #tpu.memory_space<vmem>>, vector<16xf32>,
      } {sc.loop_unroll_factor = 4 : i64, sc.parallel_access}
      %mul3A_443 = arith.constant 64 : i32
      %mul3A_444 = arith.muli %add3A, %mul3A_443 : i32
      %add3A_445 = arith.addi %mul3A_444, %add3A_413 : i32
      %mul3A_446 = arith.constant 2 : i32
      %mul3A_447 = arith.muli %add3A_445, %mul3A_446 : i32
      %add3A_448 = arith.constant 0 : i32
      %add3A_449 = arith.addi %mul3A_447, %add3A_448 : i32
      %dma_start3A_450 = arith.constant 0 : i32
      %dma_start3A_451 = arith.constant 0 : i32
      %dma_start3A_452 = tpu.memref_slice %arg13[%dma_start3A_450, %dma_start3A_451] : memref<400x64xf32, #tpu.memory_space<vmem>> -> memref<200x64xf32, #tpu.memory_space<vmem>>
      %dma_start3A_453 = arith.constant 0 : i32
      %dma_start3A_454 = arith.constant 0 : i32
      %dma_start3A_455 = tpu.memref_slice %arg6[%add3A_449, %dma_start3A_453, %dma_start3A_454] : memref<4096x200x64xf32, #tpu.memory_space<hbm>> -> memref<1x200x64xf32, #tpu.memory_space<hbm>>
      %dma_start3A_456 = tpu.memref_squeeze %dma_start3A_455 : memref<1x200x64xf32, #tpu.memory_space<hbm>> -> memref<200x64xf32, #tpu.memory_space<hbm>>
      %dma_start3A_457 = arith.constant 0 : i32
      %dma_start3A_458 = arith.constant 0 : i32
      %dma_start3A_459 = tpu.memref_slice %arg6[%add3A_449, %dma_start3A_457, %dma_start3A_458] : memref<4096x200x64xf32, #tpu.memory_space<hbm>> -> memref<1x200x64xf32, #tpu.memory_space<hbm>>
      %dma_start3A_460 = tpu.memref_squeeze %dma_start3A_459 : memref<1x200x64xf32, #tpu.memory_space<hbm>> -> memref<200x64xf32, #tpu.memory_space<hbm>>
      %dma_start3A_461 = arith.constant 0 : i32
      %dma_start3A_462 = arith.constant 0 : i32
      %dma_start3A_463 = tpu.memref_slice %arg13[%dma_start3A_461, %dma_start3A_462] : memref<400x64xf32, #tpu.memory_space<vmem>> -> memref<200x64xf32, #tpu.memory_space<vmem>>
      tpu.enqueue_dma source(%dma_start3A_463 : memref<200x64xf32, #tpu.memory_space<vmem>>) target(%dma_start3A_460 : memref<200x64xf32, #tpu.memory_space<hbm>>) target_semaphore(%arg27 : memref<!tpu.dma_semaphore, #tpu.memory_space<semaphore_mem>>)
      %mul3A_464 = arith.constant 64 : i32
      %mul3A_465 = arith.muli %add3A, %mul3A_464 : i32
      %add3A_466 = arith.addi %mul3A_465, %add3A_413 : i32
      %mul3A_467 = arith.constant 2 : i32
      %mul3A_468 = arith.muli %add3A_466, %mul3A_467 : i32
      %add3A_469 = arith.constant 1 : i32
      %add3A_470 = arith.addi %mul3A_468, %add3A_469 : i32
      %dma_start3A_471 = arith.constant 200 : i32
      %dma_start3A_472 = arith.constant 0 : i32
      %dma_start3A_473 = tpu.memref_slice %arg13[%dma_start3A_471, %dma_start3A_472] : memref<400x64xf32, #tpu.memory_space<vmem>> -> memref<200x64xf32, #tpu.memory_space<vmem>>
      %dma_start3A_474 = arith.constant 0 : i32
      %dma_start3A_475 = arith.constant 0 : i32
      %dma_start3A_476 = tpu.memref_slice %arg6[%add3A_470, %dma_start3A_474, %dma_start3A_475] : memref<4096x200x64xf32, #tpu.memory_space<hbm>> -> memref<1x200x64xf32, #tpu.memory_space<hbm>>
      %dma_start3A_477 = tpu.memref_squeeze %dma_start3A_476 : memref<1x200x64xf32, #tpu.memory_space<hbm>> -> memref<200x64xf32, #tpu.memory_space<hbm>>
      %dma_start3A_478 = arith.constant 0 : i32
      %dma_start3A_479 = arith.constant 0 : i32
      %dma_start3A_480 = tpu.memref_slice %arg6[%add3A_470, %dma_start3A_478, %dma_start3A_479] : memref<4096x200x64xf32, #tpu.memory_space<hbm>> -> memref<1x200x64xf32, #tpu.memory_space<hbm>>
      %dma_start3A_481 = tpu.memref_squeeze %dma_start3A_480 : memref<1x200x64xf32, #tpu.memory_space<hbm>> -> memref<200x64xf32, #tpu.memory_space<hbm>>
      %dma_start3A_482 = arith.constant 200 : i32
      %dma_start3A_483 = arith.constant 0 : i32
      %dma_start3A_484 = tpu.memref_slice %arg13[%dma_start3A_482, %dma_start3A_483] : memref<400x64xf32, #tpu.memory_space<vmem>> -> memref<200x64xf32, #tpu.memory_space<vmem>>
      tpu.enqueue_dma source(%dma_start3A_484 : memref<200x64xf32, #tpu.memory_space<vmem>>) target(%dma_start3A_481 : memref<200x64xf32, #tpu.memory_space<hbm>>) target_semaphore(%arg27 : memref<!tpu.dma_semaphore, #tpu.memory_space<semaphore_mem>>)
      %add3A_485 = arith.constant 2 : i32
      %add3A_486 = arith.addi %add3A_413, %add3A_485 : i32
      %lt3A_487 = arith.constant 64 : i32
      %lt3A_488 = arith.cmpi slt, %add3A_486, %lt3A_487 : i32
      %convert_element_type3A_489 = arith.extui %lt3A_488 : i1 to i32
      %cond3A_490 = arith.constant 0 : i32
      %cond3A_491 = arith.cmpi ne, %convert_element_type3A_489, %cond3A_490 : i32
      scf.if %cond3A_491 {
        %ge3A = arith.constant 4 : i32
        %ge3A_575 = arith.cmpi sge, %add3A_486, %ge3A : i32
        %convert_element_type3A_576 = arith.extui %ge3A_575 : i1 to i32
        %cond3A_577 = arith.constant 0 : i32
        %cond3A_578 = arith.cmpi ne, %convert_element_type3A_576, %cond3A_577 : i32
        scf.if %cond3A_578 {
          %sub3A = arith.constant 4 : i32
          %sub3A_591 = arith.subi %add3A_486, %sub3A : i32
          %mul3A_592 = arith.constant 64 : i32
          %mul3A_593 = arith.muli %add3A, %mul3A_592 : i32
          %add3A_594 = arith.addi %mul3A_593, %sub3A_591 : i32
          %mul3A_595 = arith.constant 2 : i32
          %mul3A_596 = arith.muli %add3A_594, %mul3A_595 : i32
          %add3A_597 = arith.constant 0 : i32
          %add3A_598 = arith.addi %mul3A_596, %add3A_597 : i32
          %dma_wait3A_599 = arith.constant 0 : i32
          %dma_wait3A_600 = arith.constant 0 : i32
          %dma_wait3A_601 = tpu.memref_slice %arg11[%dma_wait3A_599, %dma_wait3A_600] : memref<400x64xf32, #tpu.memory_space<vmem>> -> memref<200x64xf32, #tpu.memory_space<vmem>>
          %dma_wait3A_602 = arith.constant 0 : i32
          %dma_wait3A_603 = arith.constant 0 : i32
          %dma_wait3A_604 = tpu.memref_slice %arg6[%add3A_598, %dma_wait3A_602, %dma_wait3A_603] : memref<4096x200x64xf32, #tpu.memory_space<hbm>> -> memref<1x200x64xf32, #tpu.memory_space<hbm>>
          %dma_wait3A_605 = tpu.memref_squeeze %dma_wait3A_604 : memref<1x200x64xf32, #tpu.memory_space<hbm>> -> memref<200x64xf32, #tpu.memory_space<hbm>>
          %dma_wait3A_606 = arith.constant 0 : i32
          %dma_wait3A_607 = arith.constant 0 : i32
          %dma_wait3A_608 = tpu.memref_slice %arg6[%add3A_598, %dma_wait3A_606, %dma_wait3A_607] : memref<4096x200x64xf32, #tpu.memory_space<hbm>> -> memref<1x200x64xf32, #tpu.memory_space<hbm>>
          %dma_wait3A_609 = tpu.memref_squeeze %dma_wait3A_608 : memref<1x200x64xf32, #tpu.memory_space<hbm>> -> memref<200x64xf32, #tpu.memory_space<hbm>>
          %dma_wait3A_610 = arith.constant 0 : i32
          %dma_wait3A_611 = arith.constant 0 : i32
          %dma_wait3A_612 = tpu.memref_slice %arg11[%dma_wait3A_610, %dma_wait3A_611] : memref<400x64xf32, #tpu.memory_space<vmem>> -> memref<200x64xf32, #tpu.memory_space<vmem>>
          tpu.wait_dma2 semaphore(%arg25 : memref<!tpu.dma_semaphore, #tpu.memory_space<semaphore_mem>>) src(%dma_wait3A_612 : memref<200x64xf32, #tpu.memory_space<vmem>>) dst(%dma_wait3A_609 : memref<200x64xf32, #tpu.memory_space<hbm>>)
          %mul3A_613 = arith.constant 64 : i32
          %mul3A_614 = arith.muli %add3A, %mul3A_613 : i32
          %add3A_615 = arith.addi %mul3A_614, %sub3A_591 : i32
          %mul3A_616 = arith.constant 2 : i32
          %mul3A_617 = arith.muli %add3A_615, %mul3A_616 : i32
          %add3A_618 = arith.constant 1 : i32
          %add3A_619 = arith.addi %mul3A_617, %add3A_618 : i32
          %dma_wait3A_620 = arith.constant 200 : i32
          %dma_wait3A_621 = arith.constant 0 : i32
          %dma_wait3A_622 = tpu.memref_slice %arg11[%dma_wait3A_620, %dma_wait3A_621] : memref<400x64xf32, #tpu.memory_space<vmem>> -> memref<200x64xf32, #tpu.memory_space<vmem>>
          %dma_wait3A_623 = arith.constant 0 : i32
          %dma_wait3A_624 = arith.constant 0 : i32
          %dma_wait3A_625 = tpu.memref_slice %arg6[%add3A_619, %dma_wait3A_623, %dma_wait3A_624] : memref<4096x200x64xf32, #tpu.memory_space<hbm>> -> memref<1x200x64xf32, #tpu.memory_space<hbm>>
          %dma_wait3A_626 = tpu.memref_squeeze %dma_wait3A_625 : memref<1x200x64xf32, #tpu.memory_space<hbm>> -> memref<200x64xf32, #tpu.memory_space<hbm>>
          %dma_wait3A_627 = arith.constant 0 : i32
          %dma_wait3A_628 = arith.constant 0 : i32
          %dma_wait3A_629 = tpu.memref_slice %arg6[%add3A_619, %dma_wait3A_627, %dma_wait3A_628] : memref<4096x200x64xf32, #tpu.memory_space<hbm>> -> memref<1x200x64xf32, #tpu.memory_space<hbm>>
          %dma_wait3A_630 = tpu.memref_squeeze %dma_wait3A_629 : memref<1x200x64xf32, #tpu.memory_space<hbm>> -> memref<200x64xf32, #tpu.memory_space<hbm>>
          %dma_wait3A_631 = arith.constant 200 : i32
          %dma_wait3A_632 = arith.constant 0 : i32
          %dma_wait3A_633 = tpu.memref_slice %arg11[%dma_wait3A_631, %dma_wait3A_632] : memref<400x64xf32, #tpu.memory_space<vmem>> -> memref<200x64xf32, #tpu.memory_space<vmem>>
          tpu.wait_dma2 semaphore(%arg25 : memref<!tpu.dma_semaphore, #tpu.memory_space<semaphore_mem>>) src(%dma_wait3A_633 : memref<200x64xf32, #tpu.memory_space<vmem>>) dst(%dma_wait3A_630 : memref<200x64xf32, #tpu.memory_space<hbm>>)
        } else {
        }
        %mul3A_579 = arith.constant 64 : i32
        %mul3A_580 = arith.muli %add3A, %mul3A_579 : i32
        %add3A_581 = arith.addi %mul3A_580, %add3A_486 : i32
        %mul3A_582 = arith.constant 2 : i32
        %mul3A_583 = arith.muli %add3A_581, %mul3A_582 : i32
        %mul3A_584 = arith.constant 200 : i32
        %mul3A_585 = arith.muli %mul3A_583, %mul3A_584 : i32
        %dma_wait3A_586 = tpu.memref_slice %arg2[%mul3A_585] : memref<819200xi32, #tpu.memory_space<hbm>> -> memref<400xi32, #tpu.memory_space<hbm>>
        %dma_wait3A_587 = tpu.memref_slice %arg2[%mul3A_585] : memref<819200xi32, #tpu.memory_space<hbm>> -> memref<400xi32, #tpu.memory_space<hbm>>
        tpu.wait_dma2 semaphore(%arg17 : memref<!tpu.dma_semaphore, #tpu.memory_space<semaphore_mem>>) src(%dma_wait3A_587 : memref<400xi32, #tpu.memory_space<hbm>>) dst(%arg7 : memref<400xi32, #tpu.memory_space<vmem>>)
        %dma_start3A_588 = arith.constant 0 : i32
        %dma_start3A_589 = arith.constant 0 : i32
        %dma_start3A_590 = tpu.memref_slice %arg3[%dma_start3A_588, %dma_start3A_589] : memref<1000000x64xf32, #tpu.memory_space<hbm>> -> memref<1000000x64xf32, #tpu.memory_space<hbm>>
        tpu.enqueue_indirect_dma source(%dma_start3A_590 : memref<1000000x64xf32, #tpu.memory_space<hbm>>) target(%arg11 : memref<400x64xf32, #tpu.memory_space<vmem>>) offsets(%arg7 : memref<400xi32, #tpu.memory_space<vmem>>) semaphore(%arg21 : memref<!tpu.dma_semaphore, #tpu.memory_space<semaphore_mem>>)
      } else {
      }
      %mul3A_492 = arith.constant 4 : i32
      %mul3A_493 = arith.muli %scan3A_249, %mul3A_492 : i32
      %add3A_494 = arith.constant 3 : i32
      %add3A_495 = arith.addi %mul3A_493, %add3A_494 : i32
      %dma_wait3A_496 = arith.constant 0 : i32
      %dma_wait3A_497 = arith.constant 0 : i32
      %dma_wait3A_498 = tpu.memref_slice %arg3[%dma_wait3A_496, %dma_wait3A_497] : memref<1000000x64xf32, #tpu.memory_space<hbm>> -> memref<1000000x64xf32, #tpu.memory_space<hbm>>
      tpu.wait_indirect_dma semaphore(%arg24 : memref<!tpu.dma_semaphore, #tpu.memory_space<semaphore_mem>>) src(%dma_wait3A_498 : memref<1000000x64xf32, #tpu.memory_space<hbm>>) dst(%arg14 : memref<400x64xf32, #tpu.memory_space<vmem>>)
      %add3A_499 = arith.constant 3 : i32
      %add3A_500 = arith.addi %add3A_495, %add3A_499 : i32
      %lt3A_501 = arith.constant 64 : i32
      %lt3A_502 = arith.cmpi slt, %add3A_500, %lt3A_501 : i32
      %convert_element_type3A_503 = arith.extui %lt3A_502 : i1 to i32
      %cond3A_504 = arith.constant 0 : i32
      %cond3A_505 = arith.cmpi ne, %convert_element_type3A_503, %cond3A_504 : i32
      scf.if %cond3A_505 {
        %add3A_575 = arith.constant 3 : i32
        %add3A_576 = arith.addi %add3A_495, %add3A_575 : i32
        %mul3A_577 = arith.constant 64 : i32
        %mul3A_578 = arith.muli %add3A, %mul3A_577 : i32
        %add3A_579 = arith.addi %mul3A_578, %add3A_576 : i32
        %mul3A_580 = arith.constant 2 : i32
        %mul3A_581 = arith.muli %add3A_579, %mul3A_580 : i32
        %mul3A_582 = arith.constant 200 : i32
        %mul3A_583 = arith.muli %mul3A_581, %mul3A_582 : i32
        %dma_start3A_584 = tpu.memref_slice %arg2[%mul3A_583] : memref<819200xi32, #tpu.memory_space<hbm>> -> memref<400xi32, #tpu.memory_space<hbm>>
        %dma_start3A_585 = tpu.memref_slice %arg2[%mul3A_583] : memref<819200xi32, #tpu.memory_space<hbm>> -> memref<400xi32, #tpu.memory_space<hbm>>
        tpu.enqueue_dma source(%dma_start3A_585 : memref<400xi32, #tpu.memory_space<hbm>>) target(%arg9 : memref<400xi32, #tpu.memory_space<vmem>>) target_semaphore(%arg19 : memref<!tpu.dma_semaphore, #tpu.memory_space<semaphore_mem>>)
      } else {
      }
      %get3A_506 = arith.constant 0 : index
      %get3A_507 = tpu.vector_load %arg15[%get3A_506] {strides = array<i32>} : memref<64xf32, #tpu.memory_space<vmem>>, vector<16xf32>,
      %get3A_508 = arith.constant 16 : index
      %get3A_509 = tpu.vector_load %arg15[%get3A_508] {strides = array<i32>} : memref<64xf32, #tpu.memory_space<vmem>>, vector<16xf32>,
      %get3A_510 = arith.constant 32 : index
      %get3A_511 = tpu.vector_load %arg15[%get3A_510] {strides = array<i32>} : memref<64xf32, #tpu.memory_space<vmem>>, vector<16xf32>,
      %get3A_512 = arith.constant 48 : index
      %get3A_513 = tpu.vector_load %arg15[%get3A_512] {strides = array<i32>} : memref<64xf32, #tpu.memory_space<vmem>>, vector<16xf32>,
      %get3A_514 = arith.constant 0 : index
      %get3A_515 = tpu.vector_load %arg16[%get3A_514] {strides = array<i32>} : memref<64xf32, #tpu.memory_space<vmem>>, vector<16xf32>,
      %get3A_516 = arith.constant 16 : index
      %get3A_517 = tpu.vector_load %arg16[%get3A_516] {strides = array<i32>} : memref<64xf32, #tpu.memory_space<vmem>>, vector<16xf32>,
      %get3A_518 = arith.constant 32 : index
      %get3A_519 = tpu.vector_load %arg16[%get3A_518] {strides = array<i32>} : memref<64xf32, #tpu.memory_space<vmem>>, vector<16xf32>,
      %get3A_520 = arith.constant 48 : index
      %get3A_521 = tpu.vector_load %arg16[%get3A_520] {strides = array<i32>} : memref<64xf32, #tpu.memory_space<vmem>>, vector<16xf32>,
      %parallel_loop3A_522 = arith.constant 0 : i32
      %parallel_loop3A_523 = arith.constant 400 : i32
      %parallel_loop3A_524 = arith.constant 1 : i32
      scf.for %parallel_loop3A_575 = %parallel_loop3A_522 to %parallel_loop3A_523 step %parallel_loop3A_524  : i32 {
        %parallel_loop3A_576 = arith.index_cast %parallel_loop3A_575 : i32 to index
        %parallel_loop3A_577 = arith.constant 0 : index
        %parallel_loop3A_578 = tpu.vector_load %arg14[%parallel_loop3A_576, %parallel_loop3A_577] {strides = array<i32>} : memref<400x64xf32, #tpu.memory_space<vmem>>, vector<16xf32>,
        %parallel_loop3A_579 = arith.index_cast %parallel_loop3A_575 : i32 to index
        %parallel_loop3A_580 = arith.constant 16 : index
        %parallel_loop3A_581 = tpu.vector_load %arg14[%parallel_loop3A_579, %parallel_loop3A_580] {strides = array<i32>} : memref<400x64xf32, #tpu.memory_space<vmem>>, vector<16xf32>,
        %parallel_loop3A_582 = arith.index_cast %parallel_loop3A_575 : i32 to index
        %parallel_loop3A_583 = arith.constant 32 : index
        %parallel_loop3A_584 = tpu.vector_load %arg14[%parallel_loop3A_582, %parallel_loop3A_583] {strides = array<i32>} : memref<400x64xf32, #tpu.memory_space<vmem>>, vector<16xf32>,
        %parallel_loop3A_585 = arith.index_cast %parallel_loop3A_575 : i32 to index
        %parallel_loop3A_586 = arith.constant 48 : index
        %parallel_loop3A_587 = tpu.vector_load %arg14[%parallel_loop3A_585, %parallel_loop3A_586] {strides = array<i32>} : memref<400x64xf32, #tpu.memory_space<vmem>>, vector<16xf32>,
        %parallel_loop3A_588 = arith.addf %parallel_loop3A_578, %parallel_loop3A_581 : vector<16xf32>
        %parallel_loop3A_589 = arith.addf %parallel_loop3A_588, %parallel_loop3A_584 : vector<16xf32>
        %parallel_loop3A_590 = arith.addf %parallel_loop3A_589, %parallel_loop3A_587 : vector<16xf32>
        %parallel_loop3A_591 = arith.mulf %parallel_loop3A_578, %parallel_loop3A_578 : vector<16xf32>
        %parallel_loop3A_592 = arith.mulf %parallel_loop3A_581, %parallel_loop3A_581 : vector<16xf32>
        %parallel_loop3A_593 = arith.addf %parallel_loop3A_591, %parallel_loop3A_592 : vector<16xf32>
        %parallel_loop3A_594 = arith.mulf %parallel_loop3A_584, %parallel_loop3A_584 : vector<16xf32>
        %parallel_loop3A_595 = arith.addf %parallel_loop3A_593, %parallel_loop3A_594 : vector<16xf32>
        %parallel_loop3A_596 = arith.mulf %parallel_loop3A_587, %parallel_loop3A_587 : vector<16xf32>
        %parallel_loop3A_597 = arith.addf %parallel_loop3A_595, %parallel_loop3A_596 : vector<16xf32>
        %parallel_loop3A_598 = vector.shape_cast %xor3A_2 : vector<16xi32> to vector<16x1xi32>
        %parallel_loop3A_599 = vector.shape_cast %parallel_loop3A_598 : vector<16x1xi32> to vector<16xi32>
        %parallel_loop3A_600 = tpu.dynamic_gather %parallel_loop3A_590[%parallel_loop3A_599] in [0] : vector<16xf32>, vector<16xi32> -> vector<16xf32>
        %parallel_loop3A_601 = arith.addf %parallel_loop3A_590, %parallel_loop3A_600 : vector<16xf32>
        %parallel_loop3A_602 = vector.shape_cast %xor3A_5 : vector<16xi32> to vector<16x1xi32>
        %parallel_loop3A_603 = vector.shape_cast %parallel_loop3A_602 : vector<16x1xi32> to vector<16xi32>
        %parallel_loop3A_604 = tpu.dynamic_gather %parallel_loop3A_601[%parallel_loop3A_603] in [0] : vector<16xf32>, vector<16xi32> -> vector<16xf32>
        %parallel_loop3A_605 = arith.addf %parallel_loop3A_601, %parallel_loop3A_604 : vector<16xf32>
        %parallel_loop3A_606 = vector.shape_cast %xor3A_8 : vector<16xi32> to vector<16x1xi32>
        %parallel_loop3A_607 = vector.shape_cast %parallel_loop3A_606 : vector<16x1xi32> to vector<16xi32>
        %parallel_loop3A_608 = tpu.dynamic_gather %parallel_loop3A_605[%parallel_loop3A_607] in [0] : vector<16xf32>, vector<16xi32> -> vector<16xf32>
        %parallel_loop3A_609 = arith.addf %parallel_loop3A_605, %parallel_loop3A_608 : vector<16xf32>
        %parallel_loop3A_610 = vector.shape_cast %xor3A_11 : vector<16xi32> to vector<16x1xi32>
        %parallel_loop3A_611 = vector.shape_cast %parallel_loop3A_610 : vector<16x1xi32> to vector<16xi32>
        %parallel_loop3A_612 = tpu.dynamic_gather %parallel_loop3A_609[%parallel_loop3A_611] in [0] : vector<16xf32>, vector<16xi32> -> vector<16xf32>
        %parallel_loop3A_613 = arith.addf %parallel_loop3A_609, %parallel_loop3A_612 : vector<16xf32>
        %parallel_loop3A_614 = vector.broadcast %scan3A : f32 to vector<16xf32>
        %parallel_loop3A_615 = arith.mulf %parallel_loop3A_613, %parallel_loop3A_614 : vector<16xf32>
        %parallel_loop3A_616 = vector.shape_cast %xor3A_2 : vector<16xi32> to vector<16x1xi32>
        %parallel_loop3A_617 = vector.shape_cast %parallel_loop3A_616 : vector<16x1xi32> to vector<16xi32>
        %parallel_loop3A_618 = tpu.dynamic_gather %parallel_loop3A_597[%parallel_loop3A_617] in [0] : vector<16xf32>, vector<16xi32> -> vector<16xf32>
        %parallel_loop3A_619 = arith.addf %parallel_loop3A_597, %parallel_loop3A_618 : vector<16xf32>
        %parallel_loop3A_620 = vector.shape_cast %xor3A_5 : vector<16xi32> to vector<16x1xi32>
        %parallel_loop3A_621 = vector.shape_cast %parallel_loop3A_620 : vector<16x1xi32> to vector<16xi32>
        %parallel_loop3A_622 = tpu.dynamic_gather %parallel_loop3A_619[%parallel_loop3A_621] in [0] : vector<16xf32>, vector<16xi32> -> vector<16xf32>
        %parallel_loop3A_623 = arith.addf %parallel_loop3A_619, %parallel_loop3A_622 : vector<16xf32>
        %parallel_loop3A_624 = vector.shape_cast %xor3A_8 : vector<16xi32> to vector<16x1xi32>
        %parallel_loop3A_625 = vector.shape_cast %parallel_loop3A_624 : vector<16x1xi32> to vector<16xi32>
        %parallel_loop3A_626 = tpu.dynamic_gather %parallel_loop3A_623[%parallel_loop3A_625] in [0] : vector<16xf32>, vector<16xi32> -> vector<16xf32>
        %parallel_loop3A_627 = arith.addf %parallel_loop3A_623, %parallel_loop3A_626 : vector<16xf32>
        %parallel_loop3A_628 = vector.shape_cast %xor3A_11 : vector<16xi32> to vector<16x1xi32>
        %parallel_loop3A_629 = vector.shape_cast %parallel_loop3A_628 : vector<16x1xi32> to vector<16xi32>
        %parallel_loop3A_630 = tpu.dynamic_gather %parallel_loop3A_627[%parallel_loop3A_629] in [0] : vector<16xf32>, vector<16xi32> -> vector<16xf32>
        %parallel_loop3A_631 = arith.addf %parallel_loop3A_627, %parallel_loop3A_630 : vector<16xf32>
        %parallel_loop3A_632 = vector.broadcast %scan3A : f32 to vector<16xf32>
        %parallel_loop3A_633 = arith.mulf %parallel_loop3A_631, %parallel_loop3A_632 : vector<16xf32>
        %parallel_loop3A_634 = arith.mulf %parallel_loop3A_615, %parallel_loop3A_615 : vector<16xf32>
        %parallel_loop3A_635 = arith.subf %parallel_loop3A_633, %parallel_loop3A_634 : vector<16xf32>
        %parallel_loop3A_636 = arith.constant 0.000000e+00 : f32
        %parallel_loop3A_637 = vector.broadcast %parallel_loop3A_636 : f32 to vector<16xf32>
        %parallel_loop3A_638 = arith.maximumf %parallel_loop3A_635, %parallel_loop3A_637 : vector<16xf32>
        %parallel_loop3A_639 = arith.constant 9.99999996E-13 : f32
        %parallel_loop3A_640 = vector.broadcast %parallel_loop3A_639 : f32 to vector<16xf32>
        %parallel_loop3A_641 = arith.addf %parallel_loop3A_638, %parallel_loop3A_640 : vector<16xf32>
        %parallel_loop3A_642 = vector.bitcast %parallel_loop3A_641 : vector<16xf32> to vector<16xi32>
        %parallel_loop3A_643 = arith.constant 1 : i32
        %parallel_loop3A_644 = vector.broadcast %parallel_loop3A_643 : i32 to vector<16xi32>
        %parallel_loop3A_645 = arith.shrui %parallel_loop3A_642, %parallel_loop3A_644 : vector<16xi32>
        %parallel_loop3A_646 = arith.constant 1597463007 : i32
        %parallel_loop3A_647 = vector.broadcast %parallel_loop3A_646 : i32 to vector<16xi32>
        %parallel_loop3A_648 = arith.subi %parallel_loop3A_647, %parallel_loop3A_645 : vector<16xi32>
        %parallel_loop3A_649 = vector.bitcast %parallel_loop3A_648 : vector<16xi32> to vector<16xf32>
        %parallel_loop3A_650 = arith.constant 5.000000e-01 : f32
        %parallel_loop3A_651 = vector.broadcast %parallel_loop3A_650 : f32 to vector<16xf32>
        %parallel_loop3A_652 = arith.mulf %parallel_loop3A_651, %parallel_loop3A_641 : vector<16xf32>
        %parallel_loop3A_653 = arith.mulf %parallel_loop3A_652, %parallel_loop3A_649 : vector<16xf32>
        %parallel_loop3A_654 = arith.mulf %parallel_loop3A_653, %parallel_loop3A_649 : vector<16xf32>
        %parallel_loop3A_655 = arith.constant 1.500000e+00 : f32
        %parallel_loop3A_656 = vector.broadcast %parallel_loop3A_655 : f32 to vector<16xf32>
        %parallel_loop3A_657 = arith.subf %parallel_loop3A_656, %parallel_loop3A_654 : vector<16xf32>
        %parallel_loop3A_658 = arith.mulf %parallel_loop3A_649, %parallel_loop3A_657 : vector<16xf32>
        %parallel_loop3A_659 = arith.constant 5.000000e-01 : f32
        %parallel_loop3A_660 = vector.broadcast %parallel_loop3A_659 : f32 to vector<16xf32>
        %parallel_loop3A_661 = arith.mulf %parallel_loop3A_660, %parallel_loop3A_641 : vector<16xf32>
        %parallel_loop3A_662 = arith.mulf %parallel_loop3A_661, %parallel_loop3A_658 : vector<16xf32>
        %parallel_loop3A_663 = arith.mulf %parallel_loop3A_662, %parallel_loop3A_658 : vector<16xf32>
        %parallel_loop3A_664 = arith.constant 1.500000e+00 : f32
        %parallel_loop3A_665 = vector.broadcast %parallel_loop3A_664 : f32 to vector<16xf32>
        %parallel_loop3A_666 = arith.subf %parallel_loop3A_665, %parallel_loop3A_663 : vector<16xf32>
        %parallel_loop3A_667 = arith.mulf %parallel_loop3A_658, %parallel_loop3A_666 : vector<16xf32>
        %parallel_loop3A_668 = arith.mulf %parallel_loop3A_615, %parallel_loop3A_667 : vector<16xf32>
        %parallel_loop3A_669 = arith.mulf %parallel_loop3A_578, %parallel_loop3A_667 : vector<16xf32>
        %parallel_loop3A_670 = arith.subf %parallel_loop3A_669, %parallel_loop3A_668 : vector<16xf32>
        %parallel_loop3A_671 = arith.mulf %parallel_loop3A_670, %get3A_507 : vector<16xf32>
        %parallel_loop3A_672 = arith.addf %parallel_loop3A_671, %get3A_515 : vector<16xf32>
        %parallel_loop3A_673 = arith.index_cast %parallel_loop3A_575 : i32 to index
        %parallel_loop3A_674 = arith.constant 0 : index
        %parallel_loop3A_675 = tpu.vector_load %arg14[%parallel_loop3A_673, %parallel_loop3A_674] {strides = array<i32>} : memref<400x64xf32, #tpu.memory_space<vmem>>, vector<16xf32>,
        tpu.vector_store %arg14[%parallel_loop3A_673, %parallel_loop3A_674], %parallel_loop3A_672 {strides = array<i32>} : memref<400x64xf32, #tpu.memory_space<vmem>>, vector<16xf32>,
        %parallel_loop3A_676 = arith.mulf %parallel_loop3A_581, %parallel_loop3A_667 : vector<16xf32>
        %parallel_loop3A_677 = arith.subf %parallel_loop3A_676, %parallel_loop3A_668 : vector<16xf32>
        %parallel_loop3A_678 = arith.mulf %parallel_loop3A_677, %get3A_509 : vector<16xf32>
        %parallel_loop3A_679 = arith.addf %parallel_loop3A_678, %get3A_517 : vector<16xf32>
        %parallel_loop3A_680 = arith.index_cast %parallel_loop3A_575 : i32 to index
        %parallel_loop3A_681 = arith.constant 16 : index
        %parallel_loop3A_682 = tpu.vector_load %arg14[%parallel_loop3A_680, %parallel_loop3A_681] {strides = array<i32>} : memref<400x64xf32, #tpu.memory_space<vmem>>, vector<16xf32>,
        tpu.vector_store %arg14[%parallel_loop3A_680, %parallel_loop3A_681], %parallel_loop3A_679 {strides = array<i32>} : memref<400x64xf32, #tpu.memory_space<vmem>>, vector<16xf32>,
        %parallel_loop3A_683 = arith.mulf %parallel_loop3A_584, %parallel_loop3A_667 : vector<16xf32>
        %parallel_loop3A_684 = arith.subf %parallel_loop3A_683, %parallel_loop3A_668 : vector<16xf32>
        %parallel_loop3A_685 = arith.mulf %parallel_loop3A_684, %get3A_511 : vector<16xf32>
        %parallel_loop3A_686 = arith.addf %parallel_loop3A_685, %get3A_519 : vector<16xf32>
        %parallel_loop3A_687 = arith.index_cast %parallel_loop3A_575 : i32 to index
        %parallel_loop3A_688 = arith.constant 32 : index
        %parallel_loop3A_689 = tpu.vector_load %arg14[%parallel_loop3A_687, %parallel_loop3A_688] {strides = array<i32>} : memref<400x64xf32, #tpu.memory_space<vmem>>, vector<16xf32>,
        tpu.vector_store %arg14[%parallel_loop3A_687, %parallel_loop3A_688], %parallel_loop3A_686 {strides = array<i32>} : memref<400x64xf32, #tpu.memory_space<vmem>>, vector<16xf32>,
        %parallel_loop3A_690 = arith.mulf %parallel_loop3A_587, %parallel_loop3A_667 : vector<16xf32>
        %parallel_loop3A_691 = arith.subf %parallel_loop3A_690, %parallel_loop3A_668 : vector<16xf32>
        %parallel_loop3A_692 = arith.mulf %parallel_loop3A_691, %get3A_513 : vector<16xf32>
        %parallel_loop3A_693 = arith.addf %parallel_loop3A_692, %get3A_521 : vector<16xf32>
        %parallel_loop3A_694 = arith.index_cast %parallel_loop3A_575 : i32 to index
        %parallel_loop3A_695 = arith.constant 48 : index
        %parallel_loop3A_696 = tpu.vector_load %arg14[%parallel_loop3A_694, %parallel_loop3A_695] {strides = array<i32>} : memref<400x64xf32, #tpu.memory_space<vmem>>, vector<16xf32>,
        tpu.vector_store %arg14[%parallel_loop3A_694, %parallel_loop3A_695], %parallel_loop3A_693 {strides = array<i32>} : memref<400x64xf32, #tpu.memory_space<vmem>>, vector<16xf32>,
      } {sc.loop_unroll_factor = 4 : i64, sc.parallel_access}
      %mul3A_525 = arith.constant 64 : i32
      %mul3A_526 = arith.muli %add3A, %mul3A_525 : i32
      %add3A_527 = arith.addi %mul3A_526, %add3A_495 : i32
      %mul3A_528 = arith.constant 2 : i32
      %mul3A_529 = arith.muli %add3A_527, %mul3A_528 : i32
      %add3A_530 = arith.constant 0 : i32
      %add3A_531 = arith.addi %mul3A_529, %add3A_530 : i32
      %dma_start3A_532 = arith.constant 0 : i32
      %dma_start3A_533 = arith.constant 0 : i32
      %dma_start3A_534 = tpu.memref_slice %arg14[%dma_start3A_532, %dma_start3A_533] : memref<400x64xf32, #tpu.memory_space<vmem>> -> memref<200x64xf32, #tpu.memory_space<vmem>>
      %dma_start3A_535 = arith.constant 0 : i32
      %dma_start3A_536 = arith.constant 0 : i32
      %dma_start3A_537 = tpu.memref_slice %arg6[%add3A_531, %dma_start3A_535, %dma_start3A_536] : memref<4096x200x64xf32, #tpu.memory_space<hbm>> -> memref<1x200x64xf32, #tpu.memory_space<hbm>>
      %dma_start3A_538 = tpu.memref_squeeze %dma_start3A_537 : memref<1x200x64xf32, #tpu.memory_space<hbm>> -> memref<200x64xf32, #tpu.memory_space<hbm>>
      %dma_start3A_539 = arith.constant 0 : i32
      %dma_start3A_540 = arith.constant 0 : i32
      %dma_start3A_541 = tpu.memref_slice %arg6[%add3A_531, %dma_start3A_539, %dma_start3A_540] : memref<4096x200x64xf32, #tpu.memory_space<hbm>> -> memref<1x200x64xf32, #tpu.memory_space<hbm>>
      %dma_start3A_542 = tpu.memref_squeeze %dma_start3A_541 : memref<1x200x64xf32, #tpu.memory_space<hbm>> -> memref<200x64xf32, #tpu.memory_space<hbm>>
      %dma_start3A_543 = arith.constant 0 : i32
      %dma_start3A_544 = arith.constant 0 : i32
      %dma_start3A_545 = tpu.memref_slice %arg14[%dma_start3A_543, %dma_start3A_544] : memref<400x64xf32, #tpu.memory_space<vmem>> -> memref<200x64xf32, #tpu.memory_space<vmem>>
      tpu.enqueue_dma source(%dma_start3A_545 : memref<200x64xf32, #tpu.memory_space<vmem>>) target(%dma_start3A_542 : memref<200x64xf32, #tpu.memory_space<hbm>>) target_semaphore(%arg28 : memref<!tpu.dma_semaphore, #tpu.memory_space<semaphore_mem>>)
      %mul3A_546 = arith.constant 64 : i32
      %mul3A_547 = arith.muli %add3A, %mul3A_546 : i32
      %add3A_548 = arith.addi %mul3A_547, %add3A_495 : i32
      %mul3A_549 = arith.constant 2 : i32
      %mul3A_550 = arith.muli %add3A_548, %mul3A_549 : i32
      %add3A_551 = arith.constant 1 : i32
      %add3A_552 = arith.addi %mul3A_550, %add3A_551 : i32
      %dma_start3A_553 = arith.constant 200 : i32
      %dma_start3A_554 = arith.constant 0 : i32
      %dma_start3A_555 = tpu.memref_slice %arg14[%dma_start3A_553, %dma_start3A_554] : memref<400x64xf32, #tpu.memory_space<vmem>> -> memref<200x64xf32, #tpu.memory_space<vmem>>
      %dma_start3A_556 = arith.constant 0 : i32
      %dma_start3A_557 = arith.constant 0 : i32
      %dma_start3A_558 = tpu.memref_slice %arg6[%add3A_552, %dma_start3A_556, %dma_start3A_557] : memref<4096x200x64xf32, #tpu.memory_space<hbm>> -> memref<1x200x64xf32, #tpu.memory_space<hbm>>
      %dma_start3A_559 = tpu.memref_squeeze %dma_start3A_558 : memref<1x200x64xf32, #tpu.memory_space<hbm>> -> memref<200x64xf32, #tpu.memory_space<hbm>>
      %dma_start3A_560 = arith.constant 0 : i32
      %dma_start3A_561 = arith.constant 0 : i32
      %dma_start3A_562 = tpu.memref_slice %arg6[%add3A_552, %dma_start3A_560, %dma_start3A_561] : memref<4096x200x64xf32, #tpu.memory_space<hbm>> -> memref<1x200x64xf32, #tpu.memory_space<hbm>>
      %dma_start3A_563 = tpu.memref_squeeze %dma_start3A_562 : memref<1x200x64xf32, #tpu.memory_space<hbm>> -> memref<200x64xf32, #tpu.memory_space<hbm>>
      %dma_start3A_564 = arith.constant 200 : i32
      %dma_start3A_565 = arith.constant 0 : i32
      %dma_start3A_566 = tpu.memref_slice %arg14[%dma_start3A_564, %dma_start3A_565] : memref<400x64xf32, #tpu.memory_space<vmem>> -> memref<200x64xf32, #tpu.memory_space<vmem>>
      tpu.enqueue_dma source(%dma_start3A_566 : memref<200x64xf32, #tpu.memory_space<vmem>>) target(%dma_start3A_563 : memref<200x64xf32, #tpu.memory_space<hbm>>) target_semaphore(%arg28 : memref<!tpu.dma_semaphore, #tpu.memory_space<semaphore_mem>>)
      %add3A_567 = arith.constant 2 : i32
      %add3A_568 = arith.addi %add3A_495, %add3A_567 : i32
      %lt3A_569 = arith.constant 64 : i32
      %lt3A_570 = arith.cmpi slt, %add3A_568, %lt3A_569 : i32
      %convert_element_type3A_571 = arith.extui %lt3A_570 : i1 to i32
      %cond3A_572 = arith.constant 0 : i32
      %cond3A_573 = arith.cmpi ne, %convert_element_type3A_571, %cond3A_572 : i32
      scf.if %cond3A_573 {
        %ge3A = arith.constant 4 : i32
        %ge3A_575 = arith.cmpi sge, %add3A_568, %ge3A : i32
        %convert_element_type3A_576 = arith.extui %ge3A_575 : i1 to i32
        %cond3A_577 = arith.constant 0 : i32
        %cond3A_578 = arith.cmpi ne, %convert_element_type3A_576, %cond3A_577 : i32
        scf.if %cond3A_578 {
          %sub3A = arith.constant 4 : i32
          %sub3A_591 = arith.subi %add3A_568, %sub3A : i32
          %mul3A_592 = arith.constant 64 : i32
          %mul3A_593 = arith.muli %add3A, %mul3A_592 : i32
          %add3A_594 = arith.addi %mul3A_593, %sub3A_591 : i32
          %mul3A_595 = arith.constant 2 : i32
          %mul3A_596 = arith.muli %add3A_594, %mul3A_595 : i32
          %add3A_597 = arith.constant 0 : i32
          %add3A_598 = arith.addi %mul3A_596, %add3A_597 : i32
          %dma_wait3A_599 = arith.constant 0 : i32
          %dma_wait3A_600 = arith.constant 0 : i32
          %dma_wait3A_601 = tpu.memref_slice %arg12[%dma_wait3A_599, %dma_wait3A_600] : memref<400x64xf32, #tpu.memory_space<vmem>> -> memref<200x64xf32, #tpu.memory_space<vmem>>
          %dma_wait3A_602 = arith.constant 0 : i32
          %dma_wait3A_603 = arith.constant 0 : i32
          %dma_wait3A_604 = tpu.memref_slice %arg6[%add3A_598, %dma_wait3A_602, %dma_wait3A_603] : memref<4096x200x64xf32, #tpu.memory_space<hbm>> -> memref<1x200x64xf32, #tpu.memory_space<hbm>>
          %dma_wait3A_605 = tpu.memref_squeeze %dma_wait3A_604 : memref<1x200x64xf32, #tpu.memory_space<hbm>> -> memref<200x64xf32, #tpu.memory_space<hbm>>
          %dma_wait3A_606 = arith.constant 0 : i32
          %dma_wait3A_607 = arith.constant 0 : i32
          %dma_wait3A_608 = tpu.memref_slice %arg6[%add3A_598, %dma_wait3A_606, %dma_wait3A_607] : memref<4096x200x64xf32, #tpu.memory_space<hbm>> -> memref<1x200x64xf32, #tpu.memory_space<hbm>>
          %dma_wait3A_609 = tpu.memref_squeeze %dma_wait3A_608 : memref<1x200x64xf32, #tpu.memory_space<hbm>> -> memref<200x64xf32, #tpu.memory_space<hbm>>
          %dma_wait3A_610 = arith.constant 0 : i32
          %dma_wait3A_611 = arith.constant 0 : i32
          %dma_wait3A_612 = tpu.memref_slice %arg12[%dma_wait3A_610, %dma_wait3A_611] : memref<400x64xf32, #tpu.memory_space<vmem>> -> memref<200x64xf32, #tpu.memory_space<vmem>>
          tpu.wait_dma2 semaphore(%arg26 : memref<!tpu.dma_semaphore, #tpu.memory_space<semaphore_mem>>) src(%dma_wait3A_612 : memref<200x64xf32, #tpu.memory_space<vmem>>) dst(%dma_wait3A_609 : memref<200x64xf32, #tpu.memory_space<hbm>>)
          %mul3A_613 = arith.constant 64 : i32
          %mul3A_614 = arith.muli %add3A, %mul3A_613 : i32
          %add3A_615 = arith.addi %mul3A_614, %sub3A_591 : i32
          %mul3A_616 = arith.constant 2 : i32
          %mul3A_617 = arith.muli %add3A_615, %mul3A_616 : i32
          %add3A_618 = arith.constant 1 : i32
          %add3A_619 = arith.addi %mul3A_617, %add3A_618 : i32
          %dma_wait3A_620 = arith.constant 200 : i32
          %dma_wait3A_621 = arith.constant 0 : i32
          %dma_wait3A_622 = tpu.memref_slice %arg12[%dma_wait3A_620, %dma_wait3A_621] : memref<400x64xf32, #tpu.memory_space<vmem>> -> memref<200x64xf32, #tpu.memory_space<vmem>>
          %dma_wait3A_623 = arith.constant 0 : i32
          %dma_wait3A_624 = arith.constant 0 : i32
          %dma_wait3A_625 = tpu.memref_slice %arg6[%add3A_619, %dma_wait3A_623, %dma_wait3A_624] : memref<4096x200x64xf32, #tpu.memory_space<hbm>> -> memref<1x200x64xf32, #tpu.memory_space<hbm>>
          %dma_wait3A_626 = tpu.memref_squeeze %dma_wait3A_625 : memref<1x200x64xf32, #tpu.memory_space<hbm>> -> memref<200x64xf32, #tpu.memory_space<hbm>>
          %dma_wait3A_627 = arith.constant 0 : i32
          %dma_wait3A_628 = arith.constant 0 : i32
          %dma_wait3A_629 = tpu.memref_slice %arg6[%add3A_619, %dma_wait3A_627, %dma_wait3A_628] : memref<4096x200x64xf32, #tpu.memory_space<hbm>> -> memref<1x200x64xf32, #tpu.memory_space<hbm>>
          %dma_wait3A_630 = tpu.memref_squeeze %dma_wait3A_629 : memref<1x200x64xf32, #tpu.memory_space<hbm>> -> memref<200x64xf32, #tpu.memory_space<hbm>>
          %dma_wait3A_631 = arith.constant 200 : i32
          %dma_wait3A_632 = arith.constant 0 : i32
          %dma_wait3A_633 = tpu.memref_slice %arg12[%dma_wait3A_631, %dma_wait3A_632] : memref<400x64xf32, #tpu.memory_space<vmem>> -> memref<200x64xf32, #tpu.memory_space<vmem>>
          tpu.wait_dma2 semaphore(%arg26 : memref<!tpu.dma_semaphore, #tpu.memory_space<semaphore_mem>>) src(%dma_wait3A_633 : memref<200x64xf32, #tpu.memory_space<vmem>>) dst(%dma_wait3A_630 : memref<200x64xf32, #tpu.memory_space<hbm>>)
        } else {
        }
        %mul3A_579 = arith.constant 64 : i32
        %mul3A_580 = arith.muli %add3A, %mul3A_579 : i32
        %add3A_581 = arith.addi %mul3A_580, %add3A_568 : i32
        %mul3A_582 = arith.constant 2 : i32
        %mul3A_583 = arith.muli %add3A_581, %mul3A_582 : i32
        %mul3A_584 = arith.constant 200 : i32
        %mul3A_585 = arith.muli %mul3A_583, %mul3A_584 : i32
        %dma_wait3A_586 = tpu.memref_slice %arg2[%mul3A_585] : memref<819200xi32, #tpu.memory_space<hbm>> -> memref<400xi32, #tpu.memory_space<hbm>>
        %dma_wait3A_587 = tpu.memref_slice %arg2[%mul3A_585] : memref<819200xi32, #tpu.memory_space<hbm>> -> memref<400xi32, #tpu.memory_space<hbm>>
        tpu.wait_dma2 semaphore(%arg18 : memref<!tpu.dma_semaphore, #tpu.memory_space<semaphore_mem>>) src(%dma_wait3A_587 : memref<400xi32, #tpu.memory_space<hbm>>) dst(%arg8 : memref<400xi32, #tpu.memory_space<vmem>>)
        %dma_start3A_588 = arith.constant 0 : i32
        %dma_start3A_589 = arith.constant 0 : i32
        %dma_start3A_590 = tpu.memref_slice %arg3[%dma_start3A_588, %dma_start3A_589] : memref<1000000x64xf32, #tpu.memory_space<hbm>> -> memref<1000000x64xf32, #tpu.memory_space<hbm>>
        tpu.enqueue_indirect_dma source(%dma_start3A_590 : memref<1000000x64xf32, #tpu.memory_space<hbm>>) target(%arg12 : memref<400x64xf32, #tpu.memory_space<vmem>>) offsets(%arg8 : memref<400xi32, #tpu.memory_space<vmem>>) semaphore(%arg22 : memref<!tpu.dma_semaphore, #tpu.memory_space<semaphore_mem>>)
      } else {
      }
      %scan3A_574 = arith.constant 0 : i32
      scf.yield %scan3A_574 : i32
    }
    %scan3A_72 = arith.constant 16 : i32
    %mul3A_73 = arith.constant 64 : i32
    %mul3A_74 = arith.muli %add3A, %mul3A_73 : i32
    %add3A_75 = arith.constant 60 : i32
    %add3A_76 = arith.addi %mul3A_74, %add3A_75 : i32
    %mul3A_77 = arith.constant 2 : i32
    %mul3A_78 = arith.muli %add3A_76, %mul3A_77 : i32
    %add3A_79 = arith.constant 0 : i32
    %add3A_80 = arith.addi %mul3A_78, %add3A_79 : i32
    %dma_wait3A_81 = arith.constant 0 : i32
    %dma_wait3A_82 = arith.constant 0 : i32
    %dma_wait3A_83 = tpu.memref_slice %arg11[%dma_wait3A_81, %dma_wait3A_82] : memref<400x64xf32, #tpu.memory_space<vmem>> -> memref<200x64xf32, #tpu.memory_space<vmem>>
    %dma_wait3A_84 = arith.constant 0 : i32
    %dma_wait3A_85 = arith.constant 0 : i32
    %dma_wait3A_86 = tpu.memref_slice %arg6[%add3A_80, %dma_wait3A_84, %dma_wait3A_85] : memref<4096x200x64xf32, #tpu.memory_space<hbm>> -> memref<1x200x64xf32, #tpu.memory_space<hbm>>
    %dma_wait3A_87 = tpu.memref_squeeze %dma_wait3A_86 : memref<1x200x64xf32, #tpu.memory_space<hbm>> -> memref<200x64xf32, #tpu.memory_space<hbm>>
    %dma_wait3A_88 = arith.constant 0 : i32
    %dma_wait3A_89 = arith.constant 0 : i32
    %dma_wait3A_90 = tpu.memref_slice %arg6[%add3A_80, %dma_wait3A_88, %dma_wait3A_89] : memref<4096x200x64xf32, #tpu.memory_space<hbm>> -> memref<1x200x64xf32, #tpu.memory_space<hbm>>
    %dma_wait3A_91 = tpu.memref_squeeze %dma_wait3A_90 : memref<1x200x64xf32, #tpu.memory_space<hbm>> -> memref<200x64xf32, #tpu.memory_space<hbm>>
    %dma_wait3A_92 = arith.constant 0 : i32
    %dma_wait3A_93 = arith.constant 0 : i32
    %dma_wait3A_94 = tpu.memref_slice %arg11[%dma_wait3A_92, %dma_wait3A_93] : memref<400x64xf32, #tpu.memory_space<vmem>> -> memref<200x64xf32, #tpu.memory_space<vmem>>
    tpu.wait_dma2 semaphore(%arg25 : memref<!tpu.dma_semaphore, #tpu.memory_space<semaphore_mem>>) src(%dma_wait3A_94 : memref<200x64xf32, #tpu.memory_space<vmem>>) dst(%dma_wait3A_91 : memref<200x64xf32, #tpu.memory_space<hbm>>)
    %mul3A_95 = arith.constant 64 : i32
    %mul3A_96 = arith.muli %add3A, %mul3A_95 : i32
    %add3A_97 = arith.constant 60 : i32
    %add3A_98 = arith.addi %mul3A_96, %add3A_97 : i32
    %mul3A_99 = arith.constant 2 : i32
    %mul3A_100 = arith.muli %add3A_98, %mul3A_99 : i32
    %add3A_101 = arith.constant 1 : i32
    %add3A_102 = arith.addi %mul3A_100, %add3A_101 : i32
    %dma_wait3A_103 = arith.constant 200 : i32
    %dma_wait3A_104 = arith.constant 0 : i32
    %dma_wait3A_105 = tpu.memref_slice %arg11[%dma_wait3A_103, %dma_wait3A_104] : memref<400x64xf32, #tpu.memory_space<vmem>> -> memref<200x64xf32, #tpu.memory_space<vmem>>
    %dma_wait3A_106 = arith.constant 0 : i32
    %dma_wait3A_107 = arith.constant 0 : i32
    %dma_wait3A_108 = tpu.memref_slice %arg6[%add3A_102, %dma_wait3A_106, %dma_wait3A_107] : memref<4096x200x64xf32, #tpu.memory_space<hbm>> -> memref<1x200x64xf32, #tpu.memory_space<hbm>>
    %dma_wait3A_109 = tpu.memref_squeeze %dma_wait3A_108 : memref<1x200x64xf32, #tpu.memory_space<hbm>> -> memref<200x64xf32, #tpu.memory_space<hbm>>
    %dma_wait3A_110 = arith.constant 0 : i32
    %dma_wait3A_111 = arith.constant 0 : i32
    %dma_wait3A_112 = tpu.memref_slice %arg6[%add3A_102, %dma_wait3A_110, %dma_wait3A_111] : memref<4096x200x64xf32, #tpu.memory_space<hbm>> -> memref<1x200x64xf32, #tpu.memory_space<hbm>>
    %dma_wait3A_113 = tpu.memref_squeeze %dma_wait3A_112 : memref<1x200x64xf32, #tpu.memory_space<hbm>> -> memref<200x64xf32, #tpu.memory_space<hbm>>
    %dma_wait3A_114 = arith.constant 200 : i32
    %dma_wait3A_115 = arith.constant 0 : i32
    %dma_wait3A_116 = tpu.memref_slice %arg11[%dma_wait3A_114, %dma_wait3A_115] : memref<400x64xf32, #tpu.memory_space<vmem>> -> memref<200x64xf32, #tpu.memory_space<vmem>>
    tpu.wait_dma2 semaphore(%arg25 : memref<!tpu.dma_semaphore, #tpu.memory_space<semaphore_mem>>) src(%dma_wait3A_116 : memref<200x64xf32, #tpu.memory_space<vmem>>) dst(%dma_wait3A_113 : memref<200x64xf32, #tpu.memory_space<hbm>>)
    %mul3A_117 = arith.constant 64 : i32
    %mul3A_118 = arith.muli %add3A, %mul3A_117 : i32
    %add3A_119 = arith.constant 61 : i32
    %add3A_120 = arith.addi %mul3A_118, %add3A_119 : i32
    %mul3A_121 = arith.constant 2 : i32
    %mul3A_122 = arith.muli %add3A_120, %mul3A_121 : i32
    %add3A_123 = arith.constant 0 : i32
    %add3A_124 = arith.addi %mul3A_122, %add3A_123 : i32
    %dma_wait3A_125 = arith.constant 0 : i32
    %dma_wait3A_126 = arith.constant 0 : i32
    %dma_wait3A_127 = tpu.memref_slice %arg12[%dma_wait3A_125, %dma_wait3A_126] : memref<400x64xf32, #tpu.memory_space<vmem>> -> memref<200x64xf32, #tpu.memory_space<vmem>>
    %dma_wait3A_128 = arith.constant 0 : i32
    %dma_wait3A_129 = arith.constant 0 : i32
    %dma_wait3A_130 = tpu.memref_slice %arg6[%add3A_124, %dma_wait3A_128, %dma_wait3A_129] : memref<4096x200x64xf32, #tpu.memory_space<hbm>> -> memref<1x200x64xf32, #tpu.memory_space<hbm>>
    %dma_wait3A_131 = tpu.memref_squeeze %dma_wait3A_130 : memref<1x200x64xf32, #tpu.memory_space<hbm>> -> memref<200x64xf32, #tpu.memory_space<hbm>>
    %dma_wait3A_132 = arith.constant 0 : i32
    %dma_wait3A_133 = arith.constant 0 : i32
    %dma_wait3A_134 = tpu.memref_slice %arg6[%add3A_124, %dma_wait3A_132, %dma_wait3A_133] : memref<4096x200x64xf32, #tpu.memory_space<hbm>> -> memref<1x200x64xf32, #tpu.memory_space<hbm>>
    %dma_wait3A_135 = tpu.memref_squeeze %dma_wait3A_134 : memref<1x200x64xf32, #tpu.memory_space<hbm>> -> memref<200x64xf32, #tpu.memory_space<hbm>>
    %dma_wait3A_136 = arith.constant 0 : i32
    %dma_wait3A_137 = arith.constant 0 : i32
    %dma_wait3A_138 = tpu.memref_slice %arg12[%dma_wait3A_136, %dma_wait3A_137] : memref<400x64xf32, #tpu.memory_space<vmem>> -> memref<200x64xf32, #tpu.memory_space<vmem>>
    tpu.wait_dma2 semaphore(%arg26 : memref<!tpu.dma_semaphore, #tpu.memory_space<semaphore_mem>>) src(%dma_wait3A_138 : memref<200x64xf32, #tpu.memory_space<vmem>>) dst(%dma_wait3A_135 : memref<200x64xf32, #tpu.memory_space<hbm>>)
    %mul3A_139 = arith.constant 64 : i32
    %mul3A_140 = arith.muli %add3A, %mul3A_139 : i32
    %add3A_141 = arith.constant 61 : i32
    %add3A_142 = arith.addi %mul3A_140, %add3A_141 : i32
    %mul3A_143 = arith.constant 2 : i32
    %mul3A_144 = arith.muli %add3A_142, %mul3A_143 : i32
    %add3A_145 = arith.constant 1 : i32
    %add3A_146 = arith.addi %mul3A_144, %add3A_145 : i32
    %dma_wait3A_147 = arith.constant 200 : i32
    %dma_wait3A_148 = arith.constant 0 : i32
    %dma_wait3A_149 = tpu.memref_slice %arg12[%dma_wait3A_147, %dma_wait3A_148] : memref<400x64xf32, #tpu.memory_space<vmem>> -> memref<200x64xf32, #tpu.memory_space<vmem>>
    %dma_wait3A_150 = arith.constant 0 : i32
    %dma_wait3A_151 = arith.constant 0 : i32
    %dma_wait3A_152 = tpu.memref_slice %arg6[%add3A_146, %dma_wait3A_150, %dma_wait3A_151] : memref<4096x200x64xf32, #tpu.memory_space<hbm>> -> memref<1x200x64xf32, #tpu.memory_space<hbm>>
    %dma_wait3A_153 = tpu.memref_squeeze %dma_wait3A_152 : memref<1x200x64xf32, #tpu.memory_space<hbm>> -> memref<200x64xf32, #tpu.memory_space<hbm>>
    %dma_wait3A_154 = arith.constant 0 : i32
    %dma_wait3A_155 = arith.constant 0 : i32
    %dma_wait3A_156 = tpu.memref_slice %arg6[%add3A_146, %dma_wait3A_154, %dma_wait3A_155] : memref<4096x200x64xf32, #tpu.memory_space<hbm>> -> memref<1x200x64xf32, #tpu.memory_space<hbm>>
    %dma_wait3A_157 = tpu.memref_squeeze %dma_wait3A_156 : memref<1x200x64xf32, #tpu.memory_space<hbm>> -> memref<200x64xf32, #tpu.memory_space<hbm>>
    %dma_wait3A_158 = arith.constant 200 : i32
    %dma_wait3A_159 = arith.constant 0 : i32
    %dma_wait3A_160 = tpu.memref_slice %arg12[%dma_wait3A_158, %dma_wait3A_159] : memref<400x64xf32, #tpu.memory_space<vmem>> -> memref<200x64xf32, #tpu.memory_space<vmem>>
    tpu.wait_dma2 semaphore(%arg26 : memref<!tpu.dma_semaphore, #tpu.memory_space<semaphore_mem>>) src(%dma_wait3A_160 : memref<200x64xf32, #tpu.memory_space<vmem>>) dst(%dma_wait3A_157 : memref<200x64xf32, #tpu.memory_space<hbm>>)
    %mul3A_161 = arith.constant 64 : i32
    %mul3A_162 = arith.muli %add3A, %mul3A_161 : i32
    %add3A_163 = arith.constant 62 : i32
    %add3A_164 = arith.addi %mul3A_162, %add3A_163 : i32
    %mul3A_165 = arith.constant 2 : i32
    %mul3A_166 = arith.muli %add3A_164, %mul3A_165 : i32
    %add3A_167 = arith.constant 0 : i32
    %add3A_168 = arith.addi %mul3A_166, %add3A_167 : i32
    %dma_wait3A_169 = arith.constant 0 : i32
    %dma_wait3A_170 = arith.constant 0 : i32
    %dma_wait3A_171 = tpu.memref_slice %arg13[%dma_wait3A_169, %dma_wait3A_170] : memref<400x64xf32, #tpu.memory_space<vmem>> -> memref<200x64xf32, #tpu.memory_space<vmem>>
    %dma_wait3A_172 = arith.constant 0 : i32
    %dma_wait3A_173 = arith.constant 0 : i32
    %dma_wait3A_174 = tpu.memref_slice %arg6[%add3A_168, %dma_wait3A_172, %dma_wait3A_173] : memref<4096x200x64xf32, #tpu.memory_space<hbm>> -> memref<1x200x64xf32, #tpu.memory_space<hbm>>
    %dma_wait3A_175 = tpu.memref_squeeze %dma_wait3A_174 : memref<1x200x64xf32, #tpu.memory_space<hbm>> -> memref<200x64xf32, #tpu.memory_space<hbm>>
    %dma_wait3A_176 = arith.constant 0 : i32
    %dma_wait3A_177 = arith.constant 0 : i32
    %dma_wait3A_178 = tpu.memref_slice %arg6[%add3A_168, %dma_wait3A_176, %dma_wait3A_177] : memref<4096x200x64xf32, #tpu.memory_space<hbm>> -> memref<1x200x64xf32, #tpu.memory_space<hbm>>
    %dma_wait3A_179 = tpu.memref_squeeze %dma_wait3A_178 : memref<1x200x64xf32, #tpu.memory_space<hbm>> -> memref<200x64xf32, #tpu.memory_space<hbm>>
    %dma_wait3A_180 = arith.constant 0 : i32
    %dma_wait3A_181 = arith.constant 0 : i32
    %dma_wait3A_182 = tpu.memref_slice %arg13[%dma_wait3A_180, %dma_wait3A_181] : memref<400x64xf32, #tpu.memory_space<vmem>> -> memref<200x64xf32, #tpu.memory_space<vmem>>
    tpu.wait_dma2 semaphore(%arg27 : memref<!tpu.dma_semaphore, #tpu.memory_space<semaphore_mem>>) src(%dma_wait3A_182 : memref<200x64xf32, #tpu.memory_space<vmem>>) dst(%dma_wait3A_179 : memref<200x64xf32, #tpu.memory_space<hbm>>)
    %mul3A_183 = arith.constant 64 : i32
    %mul3A_184 = arith.muli %add3A, %mul3A_183 : i32
    %add3A_185 = arith.constant 62 : i32
    %add3A_186 = arith.addi %mul3A_184, %add3A_185 : i32
    %mul3A_187 = arith.constant 2 : i32
    %mul3A_188 = arith.muli %add3A_186, %mul3A_187 : i32
    %add3A_189 = arith.constant 1 : i32
    %add3A_190 = arith.addi %mul3A_188, %add3A_189 : i32
    %dma_wait3A_191 = arith.constant 200 : i32
    %dma_wait3A_192 = arith.constant 0 : i32
    %dma_wait3A_193 = tpu.memref_slice %arg13[%dma_wait3A_191, %dma_wait3A_192] : memref<400x64xf32, #tpu.memory_space<vmem>> -> memref<200x64xf32, #tpu.memory_space<vmem>>
    %dma_wait3A_194 = arith.constant 0 : i32
    %dma_wait3A_195 = arith.constant 0 : i32
    %dma_wait3A_196 = tpu.memref_slice %arg6[%add3A_190, %dma_wait3A_194, %dma_wait3A_195] : memref<4096x200x64xf32, #tpu.memory_space<hbm>> -> memref<1x200x64xf32, #tpu.memory_space<hbm>>
    %dma_wait3A_197 = tpu.memref_squeeze %dma_wait3A_196 : memref<1x200x64xf32, #tpu.memory_space<hbm>> -> memref<200x64xf32, #tpu.memory_space<hbm>>
    %dma_wait3A_198 = arith.constant 0 : i32
    %dma_wait3A_199 = arith.constant 0 : i32
    %dma_wait3A_200 = tpu.memref_slice %arg6[%add3A_190, %dma_wait3A_198, %dma_wait3A_199] : memref<4096x200x64xf32, #tpu.memory_space<hbm>> -> memref<1x200x64xf32, #tpu.memory_space<hbm>>
    %dma_wait3A_201 = tpu.memref_squeeze %dma_wait3A_200 : memref<1x200x64xf32, #tpu.memory_space<hbm>> -> memref<200x64xf32, #tpu.memory_space<hbm>>
    %dma_wait3A_202 = arith.constant 200 : i32
    %dma_wait3A_203 = arith.constant 0 : i32
    %dma_wait3A_204 = tpu.memref_slice %arg13[%dma_wait3A_202, %dma_wait3A_203] : memref<400x64xf32, #tpu.memory_space<vmem>> -> memref<200x64xf32, #tpu.memory_space<vmem>>
    tpu.wait_dma2 semaphore(%arg27 : memref<!tpu.dma_semaphore, #tpu.memory_space<semaphore_mem>>) src(%dma_wait3A_204 : memref<200x64xf32, #tpu.memory_space<vmem>>) dst(%dma_wait3A_201 : memref<200x64xf32, #tpu.memory_space<hbm>>)
    %mul3A_205 = arith.constant 64 : i32
    %mul3A_206 = arith.muli %add3A, %mul3A_205 : i32
    %add3A_207 = arith.constant 63 : i32
    %add3A_208 = arith.addi %mul3A_206, %add3A_207 : i32
    %mul3A_209 = arith.constant 2 : i32
    %mul3A_210 = arith.muli %add3A_208, %mul3A_209 : i32
    %add3A_211 = arith.constant 0 : i32
    %add3A_212 = arith.addi %mul3A_210, %add3A_211 : i32
    %dma_wait3A_213 = arith.constant 0 : i32
    %dma_wait3A_214 = arith.constant 0 : i32
    %dma_wait3A_215 = tpu.memref_slice %arg14[%dma_wait3A_213, %dma_wait3A_214] : memref<400x64xf32, #tpu.memory_space<vmem>> -> memref<200x64xf32, #tpu.memory_space<vmem>>
    %dma_wait3A_216 = arith.constant 0 : i32
    %dma_wait3A_217 = arith.constant 0 : i32
    %dma_wait3A_218 = tpu.memref_slice %arg6[%add3A_212, %dma_wait3A_216, %dma_wait3A_217] : memref<4096x200x64xf32, #tpu.memory_space<hbm>> -> memref<1x200x64xf32, #tpu.memory_space<hbm>>
    %dma_wait3A_219 = tpu.memref_squeeze %dma_wait3A_218 : memref<1x200x64xf32, #tpu.memory_space<hbm>> -> memref<200x64xf32, #tpu.memory_space<hbm>>
    %dma_wait3A_220 = arith.constant 0 : i32
    %dma_wait3A_221 = arith.constant 0 : i32
    %dma_wait3A_222 = tpu.memref_slice %arg6[%add3A_212, %dma_wait3A_220, %dma_wait3A_221] : memref<4096x200x64xf32, #tpu.memory_space<hbm>> -> memref<1x200x64xf32, #tpu.memory_space<hbm>>
    %dma_wait3A_223 = tpu.memref_squeeze %dma_wait3A_222 : memref<1x200x64xf32, #tpu.memory_space<hbm>> -> memref<200x64xf32, #tpu.memory_space<hbm>>
    %dma_wait3A_224 = arith.constant 0 : i32
    %dma_wait3A_225 = arith.constant 0 : i32
    %dma_wait3A_226 = tpu.memref_slice %arg14[%dma_wait3A_224, %dma_wait3A_225] : memref<400x64xf32, #tpu.memory_space<vmem>> -> memref<200x64xf32, #tpu.memory_space<vmem>>
    tpu.wait_dma2 semaphore(%arg28 : memref<!tpu.dma_semaphore, #tpu.memory_space<semaphore_mem>>) src(%dma_wait3A_226 : memref<200x64xf32, #tpu.memory_space<vmem>>) dst(%dma_wait3A_223 : memref<200x64xf32, #tpu.memory_space<hbm>>)
    %mul3A_227 = arith.constant 64 : i32
    %mul3A_228 = arith.muli %add3A, %mul3A_227 : i32
    %add3A_229 = arith.constant 63 : i32
    %add3A_230 = arith.addi %mul3A_228, %add3A_229 : i32
    %mul3A_231 = arith.constant 2 : i32
    %mul3A_232 = arith.muli %add3A_230, %mul3A_231 : i32
    %add3A_233 = arith.constant 1 : i32
    %add3A_234 = arith.addi %mul3A_232, %add3A_233 : i32
    %dma_wait3A_235 = arith.constant 200 : i32
    %dma_wait3A_236 = arith.constant 0 : i32
    %dma_wait3A_237 = tpu.memref_slice %arg14[%dma_wait3A_235, %dma_wait3A_236] : memref<400x64xf32, #tpu.memory_space<vmem>> -> memref<200x64xf32, #tpu.memory_space<vmem>>
    %dma_wait3A_238 = arith.constant 0 : i32
    %dma_wait3A_239 = arith.constant 0 : i32
    %dma_wait3A_240 = tpu.memref_slice %arg6[%add3A_234, %dma_wait3A_238, %dma_wait3A_239] : memref<4096x200x64xf32, #tpu.memory_space<hbm>> -> memref<1x200x64xf32, #tpu.memory_space<hbm>>
    %dma_wait3A_241 = tpu.memref_squeeze %dma_wait3A_240 : memref<1x200x64xf32, #tpu.memory_space<hbm>> -> memref<200x64xf32, #tpu.memory_space<hbm>>
    %dma_wait3A_242 = arith.constant 0 : i32
    %dma_wait3A_243 = arith.constant 0 : i32
    %dma_wait3A_244 = tpu.memref_slice %arg6[%add3A_234, %dma_wait3A_242, %dma_wait3A_243] : memref<4096x200x64xf32, #tpu.memory_space<hbm>> -> memref<1x200x64xf32, #tpu.memory_space<hbm>>
    %dma_wait3A_245 = tpu.memref_squeeze %dma_wait3A_244 : memref<1x200x64xf32, #tpu.memory_space<hbm>> -> memref<200x64xf32, #tpu.memory_space<hbm>>
    %dma_wait3A_246 = arith.constant 200 : i32
    %dma_wait3A_247 = arith.constant 0 : i32
    %dma_wait3A_248 = tpu.memref_slice %arg14[%dma_wait3A_246, %dma_wait3A_247] : memref<400x64xf32, #tpu.memory_space<vmem>> -> memref<200x64xf32, #tpu.memory_space<vmem>>
    tpu.wait_dma2 semaphore(%arg28 : memref<!tpu.dma_semaphore, #tpu.memory_space<semaphore_mem>>) src(%dma_wait3A_248 : memref<200x64xf32, #tpu.memory_space<vmem>>) dst(%dma_wait3A_245 : memref<200x64xf32, #tpu.memory_space<hbm>>)
    return
  }
}

</mosaic_0001>

<sc_bundles>
// kernel: kernel.3.cloned.1.call-start
scs
__scs_entry_jumppad:
0x0: {  	(pc) =	sbr.rel $0x88, $3  }
0x1: {  	(tag) =	ssettag $0x0;
	lr =	simm.s32 $0x1  }
0x2: {  	[smem:$0x3F9D] =	sst lr;
	_ =	strace $0xD0000000  }
0x3: {  	_ = 	snop  }
0x4: {  	_ = 	snop  }
0x5: {  	_ = 	snop  }
0x6: {  	_ = 	snop  }
0x7: {  	_ = 	snop  }
__scs_overlays_trampoline_lowered:
0x8: {  	[smem:$0x3FAC] =	sst s0  }
0x9: {  	[smem:$0x3FAD] =	sst s1  }
0xa: {  	[smem:$0x3FAE] =	sst s2  }
0xb: {  	[smem:$0x3FAF] =	sst s3  }
0xc: {  	[smem:$0x3FB0] =	sst s4  }
0xd: {  	[smem:$0x3FB1] =	sst s5  }
0xe: {  	[smem:$0x3FB2] =	sst s6  }
0xf: {  	[smem:$0x3FB3] =	sst s7  }
0x10: {  	[smem:$0x3FB4] =	sst s8  }
0x11: {  	[smem:$0x3FB5] =	sst s9;
	s0 =	simm.s32 @!p0 $0x0  }
0x12: {  	s1 =	sld [smem:$0x3F9B];
	s0 =	simm.s32 @p0 $0x1  }
0x13: {  	[smem:$0x3FB6] =	sst s0;
	s0 =	simm.s32 @!p1 $0x0  }
0x14: {  	s2 =	sld [smem:$0x3F9A];
	s0 =	simm.s32 @p1 $0x1  }
0x15: {  	[smem:$0x3FB7] =	sst s0;
	s0 =	simm.s32 @!p2 $0x0  }
0x16: {  	s3 =	sld [smem:$0x3FDB];
	s0 =	simm.s32 @p2 $0x1  }
0x17: {  	s4 =	simm.s32 $0x1BF5;
	[smem:$0x3FB9] =	sst s0  }
0x18: {  	s0 =	sld [smem:$0x3F9C];
	_ =	swait.ge [sflag:s4], $0x0  }
0x19: {  	s7 =	sld [smem:$0x3F9D]  }
0x1a: {  	s8 =	sadd.s32 $0xFFFFE003, lr  }
0x1b: {  	s9 =	sadd.s32 $0xFFFFFEF7, lr;
	s5 =	simm.s32 $0xFFFFFFFF;
	p2 =	slt.u32 s8, $0xFFFFF086  }
0x1c: {  	p1 =	slt.u32 s9, $0xF7A;
	s5 =	simm.s32 @!p2 $0x0  }
0x1d: {  	s5 =	simm.s32 @p1 $0x1;
	p0 =	seq.s32 s7, s2  }
0x1e: {  	s7 =	smul.u32 @!p0 $0xF7A, s2;
	p2 =	seq.s32 @!p0 s5, $0x0  }
0x1f: {  	s9 =	smul.u32 $0xF7A, s1;
	s8 =	simm.s32 @!p0 $0x1BF5;
	p2 =	por !p2, p0  }
0x20: {  	[sflag:s8] =	ssyncset.s32 @!p0 $0xFFFFF086;
	s6 =	sadd.s32 @!p0 s3, s7;
	s7 =	simm.s32 @!p0 $0x108  }
0x21: {  	s3 =	sadd.s32 s3, s9;
	s6 =	sadd.s32 @!p0 $0x88, s6;
	s7 =	simm.s32 @p2 $0x1082  }
0x22: {  	[simem:s7], [sflag:s8] =	dma.local @!p0 [hbm:s6], $0xF7A  }
0x23: {  	s9 =	sor.u32 $0xD0000000, s2;
	s6 =	simm.s32 $0x108;
	_ =	swait.ge @!p0 [sflag:s8], $0x0  }
0x24: {  	s3 =	sadd.s32 $0x88, s3;
	s6 =	simm.s32 @!p1 $0x1082;
	[sflag:s4] =	ssyncset.s32 $0xFFFFF086  }
0x25: {  	[simem:s6], [sflag:s4] =	dma.local [hbm:s3], $0xF7A  }
0x26: {  	[smem:$0x3F9D] =	sst s1;
	(tag) =	ssettag s2;
	_ =	strace s9  }
0x27: {  	s1 =	sld [smem:$0x3FAD]  }
0x28: {  	s2 =	sld [smem:$0x3FAE]  }
0x29: {  	s4 =	sld [smem:$0x3FB0]  }
0x2a: {  	p0 =	seq.s32 s5, $0x0;
	s5 =	sld [smem:$0x3FB1]  }
0x2b: {  	s6 =	sld [smem:$0x3FB2]  }
0x2c: {  	s7 =	sld [smem:$0x3FB3]  }
0x2d: {  	s3 =	simm.s32 $0x108;
	s8 =	sld [smem:$0x3FB4]  }
0x2e: {  	s3 =	simm.s32 @!p0 $0x1082;
	s9 =	sld [smem:$0x3FB5]  }
0x2f: {  	lr =	sadd.s32 s0, s3;
	s0 =	sld [smem:$0x3FAC]  }
0x30: {  	s3 =	sld [smem:$0x3FAF]  }
0x31: {  	[smem:$0x3FB8] =	sst s10  }
0x32: {  	s10 =	sld [smem:$0x3FB6];
	_ =	sdelay $0x3  }
0x33: {  	p0 =	seq.s32 s10, $0x1;
	s10 =	sld [smem:$0x3FB8];
	_ =	sdelay $0x3  }
0x34: {  	[smem:$0x3FB8] =	sst s10  }
0x35: {  	s10 =	sld [smem:$0x3FB7];
	_ =	sdelay $0x3  }
0x36: {  	p1 =	seq.s32 s10, $0x1;
	s10 =	sld [smem:$0x3FB8];
	_ =	sdelay $0x3  }
0x37: {  	[smem:$0x3FB8] =	sst s10  }
0x38: {  	s10 =	sld [smem:$0x3FB9]  }
0x39: {  	_ = 	snop;
	(pc) =	sbr.ind lr, $3  }
0x3a: {  	_ = 	snop  }
0x3b: {  	_ = 	snop  }
0x3c: {  	p2 =	seq.s32 s10, $0x1;
	s10 =	sld [smem:$0x3FB8]  }
0x3d: {  	_ =	shalt  }
0x3e: {  	_ =	shalt  }
0x3f: {  	_ =	shalt  }
0x40: {  	_ =	shalt  }
0x41: {  	_ =	shalt  }
0x42: {  	_ =	shalt  }
0x43: {  	_ =	shalt  }
0x44: {  	_ =	shalt  }
0x45: {  	_ =	shalt  }
0x46: {  	_ =	shalt  }
0x47: {  	_ =	shalt  }
0x48: {  	_ =	shalt  }
0x49: {  	_ =	shalt  }
0x4a: {  	_ =	shalt  }
0x4b: {  	_ =	shalt  }
0x4c: {  	_ =	shalt  }
0x4d: {  	_ =	shalt  }
0x4e: {  	_ =	shalt  }
0x4f: {  	_ =	shalt  }
0x50: {  	_ =	shalt  }
0x51: {  	_ =	shalt  }
0x52: {  	_ =	shalt  }
0x53: {  	_ =	shalt  }
0x54: {  	_ =	shalt  }
0x55: {  	_ =	shalt  }
0x56: {  	_ =	shalt  }
0x57: {  	_ =	shalt  }
0x58: {  	_ =	shalt  }
0x59: {  	_ =	shalt  }
0x5a: {  	_ =	shalt  }
0x5b: {  	_ =	shalt  }
0x5c: {  	_ =	shalt  }
0x5d: {  	_ =	shalt  }
0x5e: {  	_ =	shalt  }
0x5f: {  	_ =	shalt  }
0x60: {  	_ =	shalt  }
0x61: {  	_ =	shalt  }
0x62: {  	_ =	shalt  }
0x63: {  	_ =	shalt  }
0x64: {  	_ =	shalt  }
0x65: {  	_ =	shalt  }
0x66: {  	_ =	shalt  }
0x67: {  	_ =	shalt  }
0x68: {  	_ =	shalt  }
0x69: {  	_ =	shalt  }
0x6a: {  	_ =	shalt  }
0x6b: {  	_ =	shalt  }
0x6c: {  	_ =	shalt  }
0x6d: {  	_ =	shalt  }
0x6e: {  	_ =	shalt  }
0x6f: {  	_ =	shalt  }
0x70: {  	_ =	shalt  }
0x71: {  	_ =	shalt  }
0x72: {  	_ =	shalt  }
0x73: {  	_ =	shalt  }
0x74: {  	_ =	shalt  }
0x75: {  	_ =	shalt  }
0x76: {  	_ =	shalt  }
0x77: {  	_ =	shalt  }
0x78: {  	_ =	shalt  }
0x79: {  	_ =	shalt  }
0x7a: {  	_ =	shalt  }
0x7b: {  	_ =	shalt  }
0x7c: {  	_ =	shalt  }
0x7d: {  	_ =	shalt  }
0x7e: {  	_ =	shalt  }
0x7f: {  	_ =	shalt  }
0x80: {  	_ =	shalt  }
0x81: {  	_ =	shalt  }
0x82: {  	_ =	shalt  }
0x83: {  	_ =	shalt  }
0x84: {  	_ =	shalt  }
0x85: {  	_ =	shalt  }
0x86: {  	_ =	shalt  }
0x87: {  	_ =	shalt  }
.Lfunc_end0:
.L_simem_size_0:
called_computation.1_lowered:
.L_overlay_start_0:
0x88: {  	s2 =	sld [smem:$0x3FD9]  }
0x89: {  	s3 =	sld [smem:$0x3FFE];
	_ =	sdelay $0x1  }
0x8a: {  	s1 =	srdreg.scid  }
0x8b: {  	s0 =	sand.u32 $0x1, s1  }
0x8c: {  	s17 =	sshll.u32 s0, $0xA;
	s2 =	sadd.s32 s3, s2  }
0x8d: {  	s2 =	sadd.s32 s2, s17  }
0x8e: {  	[smem:$0x3FC4] =	sst s2  }
0x8f: {  	_ = 	snop  }
0x90: {  	s2 =	sld [smem:$0x3FC7]  }
0x91: {  	s18 =	sld [smem:$0x3FC6]  }
0x92: {  	s4 =	sld [smem:$0x3FD0];
	(tm) =	ssettm $0x1  }
0x93: {  	s5 =	sld [smem:$0x3FFB];
	_ =	sdelay $0x3  }
0x94: {  	_ =	strace s5  }
0x95: {  	s5 =	sld [smem:$0x3FFC];
	_ =	sdelay $0x3  }
0x96: {  	_ =	strace s5  }
0x97: {  	s5 =	sld [smem:$0x3FFD];
	_ =	sdelay $0x3  }
0x98: {  	_ =	strace s5  }
0x99: {  	_ =	strace $0x8FFFFFFF  }
0x9a: {  	s19 =	sld [smem:$0x3FDB];
	_ =	sdelay $0x1  }
0x9b: {  	s6 =	simm.s32 $_scs_section_size  }
0x9c: {  	s7 =	simm.s32 $_size__tile_overlayer_lowered;
	s8 =	simm.s32 $_tile_overlayer_lowered  }
0x9d: {  	s22 =	simm.s32 $0x1BFF;
	s21 =	sshll.u32 s8, $0x1;
	s5 =	sadd.s32 s6, s19  }
0x9e: {  	s9 =	simm.s32 $0x0;
	s20 =	sshll.u32 s7, $0x1;
	s7 =	sadd.s32 s21, s5  }
0x9f: {  	[timem:s9], [sflag:s22] =	dma.local [hbm:s7], s20  }
0xa0: {  	_ =	swait.ge [sflag:s22], s20  }
0xa1: {  	s6 =	ssub.s32 $0x0, s20;
	[sflag:s22] =	ssyncset.done $0x0  }
0xa2: {  	[sflag:s22] =	ssyncadd.s32 s6;
	_ =	sdelay $0x1  }
0xa3: {  	s23 =	simm.s32 $0x1B8B  }
0xa4: {  	_ =	swait.ge [sflag:s23], $0x1  }
0xa5: {  	[sflag:s23] =	ssyncset.done $0x0  }
0xa6: {  	s25 =	simm.s32 $0x1B8E;
	s24 =	sld [smem:$0x3FFE];
	[sflag:s23] =	ssyncadd.s32 $0xFFFFFFFF  }
0xa7: {  	s26 =	simm.s32 $execute0_lowered;
	[smem:$0x3FD2] =	sst s25  }
0xa8: {  	s7 =	sshll.u32 s26, $0x1;
	_ =	strace $0x80000046;
	[dreg:$0x1] =	wrdreg $0xFFFFFFFF  }
0xa9: {  	s28 =	simm.s32 $_size_execute0_lowered;
	s5 =	sadd.s32 s5, s7;
	[dreg:$0x0] =	wrdreg $0x0  }
0xaa: {  	s7 =	sshll.u32 s28, $0x1;
	[dreg:$0x2] =	wrdreg s5  }
0xab: {  	[dreg:$0x3] =	wrdreg s7  }
0xac: {  	[dreg:$0x4] =	wrdreg $0xC0  }
0xad: {  	_ =	task [dreg:s9], $0x5FFFF  }
0xae: {  	[dreg:$0x1] =	wrdreg $0xFFFFFFFF  }
0xaf: {  	[dreg:$0x0] =	wrdreg $0x60  }
0xb0: {  	[dreg:$0x2] =	wrdreg s24  }
0xb1: {  	[dreg:$0x3] =	wrdreg s2  }
0xb2: {  	[dreg:$0x4] =	wrdreg s18  }
0xb3: {  	[dreg:$0x5] =	wrdreg s4  }
0xb4: {  	[dreg:$0x6] =	wrdreg $0x9  }
0xb5: {  	_ =	task.clear_ibuf [dreg:s9], $0x7FFFF;
	_ =	strace $0x90000046  }
0xb6: {  	s29 =	simm.s32 $0x9;
	_ =	strace $0x80000048  }
0xb7: {  	_ =	swait.ge [sflag:s29], $0x1  }
0xb8: {  	[sflag:s29] =	ssyncadd.s32 $0xFFFFFFFF  }
0xb9: {  	_ =	strace $0x90000048  }
0xba: {  	_ =	sfence  }
0xbb: {  	s30 =	sld [smem:$0x0];
	_ =	sdelay $0x2  }
0xbc: {  	s31 =	sshll.u32 s1, $0xD;
	s1 =	sshrl.u32 s1, $0x2  }
0xbd: {  	s3 =	sand.u32 $0x4000, s31;
	s1 =	sadd.s32 s1, s30  }
0xbe: {  	s0 =	sor.u32 s3, s0;
	s1 =	sshll.u32 s1, $0x11  }
0xbf: {  	s0 =	sor.u32 s1, s0  }
0xc0: {  	s0 =	sadd.s32 $0x8F2B, s0  }
0xc1: {  	[sflag:s0] =	ssyncadd.remote.s32 $0x1  }
0xc2: {  	_ =	sfence.sel $0xFFFF  }
0xc3: {  	[dreg:$0x0] =	wrdreg $0xFFFFFFFF;
	(pc) =	sbr.abs _section_cstart, $3  }
0xc4: {  	[dreg:$0x1] =	wrdreg $0xFFFFFFFF  }
0xc5: {  	_ =	task.clear_ibuf [dreg:s9], $0x2FFFF;
	_ =	strace $0x9FFFFFFF  }
0xc6: {  	(tm) =	ssettm $0x7FFFFFFF  }
0xc7: {  	_ =	shalt  }
tec
execute0_lowered:
.L_overlay_start_1:
0x0: {  	(tag) =	ssettag $0x1  }
0x1: {  	s0 =	rddreg [dreg:$0x0];
	s1 =	srdreg.scid  }
0x2: {  	s2 =	stileid.u32;
	s4 =	rddreg [dreg:$0x3]  }
0x3: {  	s5 =	simm.s32 $0x0;
	s19 =	simm.s32 $0x190;
	s20 =	simm.s32 $0x320  }
0x4: {  	v0 =	vimm.s32 $0xEFCDAB89;
	s22 =	simm.s32 $0x640;
	s23 =	simm.s32 $0x2;
	s24 =	simm.s32 $0x6A40  }
0x5: {  	v1 =	vimm.s32 $0x67452301;
	v2 =	vimm.s32 $0xDCFE98BA;
	s29 =	simm.s32 $0x3;
	s30 =	simm.s32 $0xCE40;
	s31 =	simm.s32 $0x6  }
0x6: {  	v3 =	vimm.s32 $0x54761032;
	s15 =	simm.s32 $0x10040;
	s17 =	simm.s32 $0x16440;
	s11 =	simm.s32 $0xA  }
0x7: {  	v4 =	vimm.s32 $0xBA98FEDC;
	v5 =	vimm.s32 $0x32107654;
	v6 =	vimm.s32 $0xFEDCBA98;
	s10 =	simm.s32 $0x0;
	s1 =	sand.u32 $0x1, s1;
	s2 =	sshll.u32 s2, $0x1  }
0x8: {  	v7 =	vimm.s32 $0x76543210;
	[smem:$0x7FF] =	sst s5;
	s6 =	sadd.s32 $0xA00, s0;
	s7 =	sadd.s32 $0xF42E00, s0;
	v0 =	vunpack.c.l.s4.s8 v0;
	v1 =	vunpack.c.l.s4.s8 v1  }
0x9: {  	v2 =	vunpack.c.l.s4.s8 v2;
	v3 =	vunpack.c.l.s4.s8 v3;
	v4 =	vunpack.c.l.s4.s8 v4;
	s2 =	sor.u32 s1, s2;
	s1 =	ssub.s32 $0x2, s1;
	_ =	strace $0x80000047  }
0xa: {  	v5 =	vunpack.c.l.s4.s8 v5;
	v6 =	vunpack.c.l.s4.s8 v6;
	v7 =	vunpack.c.l.s4.s8 v7;
	s3 =	smul.u32 $0xC80, s2;
	s8 =	sshrl.u32 s1, $0x1;
	s9 =	sshll.u32 s2, $0x6  }
0xb: {  	v0 =	vunpack.c.0.s8.s32 v0;
	v1 =	vunpack.c.0.s8.s32 v1;
	v2 =	vunpack.c.0.s8.s32 v2;
	s25 =	ssub.s32 s1, s8;
	s12 =	sor.u32 $0x4, s9;
	s13 =	sor.u32 $0x5, s9  }
.Ltmp0:
0xc: {  	v3 =	vunpack.c.0.s8.s32 v3;
	v4 =	vunpack.c.0.s8.s32 v4;
	v5 =	vunpack.c.0.s8.s32 v5;
	s14 =	sor.u32 $0x6, s9;
	s26 =	sadd.s32 s6, s3;
	(pc) =	sbr.rel .LBB2_1-.Ltmp0, $4  }
0xd: {  	s0 =	smax.u32 s25, $0x1;
	s25 =	simm.s32 $0x5;
	v0 =	vcombine.low v1, v0;
	v1 =	vunpack.c.0.s8.s32 v6;
	[dreg:$0x5] =	wrdreg s26  }
0xe: {  	v2 =	vcombine.low v3, v2;
	v3 =	vcombine.low v5, v4;
	v4 =	vunpack.c.0.s8.s32 v7;
	s3 =	simm.s32 $0x7;
	s28 =	sadd.s32 $0x32, s26;
	[dreg:$0x8] =	wrdreg s0  }
0xf: {  	s1 =	sadd.s32 $0x64, s26;
	s26 =	simm.s32 $0x4B0;
	[dreg:$0x6] =	wrdreg s28;
	v0 =	vand.u32 $0xF, v0;
	v5 =	vand.u32 $0xF, v1  }
0x10: {  	s0 =	simm.s32 $0x4;
	[dreg:$0x7] =	wrdreg s1;
	s1 =	simm.s32 $0x13240;
	v1 =	vand.u32 $0xF, v2;
	v2 =	vand.u32 $0xF, v3;
	v3 =	vcombine.low v5, v4  }
.LBB2_12:
0x11: {  	s2 =	simm.s32 $0x9  }
0x12: {  	_ =	swait.ge [sflag:s2], $0x3200  }
0x13: {  	[sflag:s2] =	ssyncset.done $0x0  }
0x14: {  	[sflag:s2] =	ssyncadd.s32 $0xFFFFCE00  }
0x15: {  	_ =	swait.ge [sflag:s2], $0x3200  }
0x16: {  	[sflag:s2] =	ssyncset.done $0x0  }
0x17: {  	[sflag:s2] =	ssyncadd.s32 $0xFFFFCE00  }
0x18: {  	_ =	swait.ge [sflag:s11], $0x3200  }
0x19: {  	[sflag:s11] =	ssyncset.done $0x0  }
0x1a: {  	[sflag:s11] =	ssyncadd.s32 $0xFFFFCE00  }
0x1b: {  	_ =	swait.ge [sflag:s11], $0x3200  }
0x1c: {  	[sflag:s11] =	ssyncset.done $0x0  }
0x1d: {  	s21 =	simm.s32 $0xB;
	[sflag:s11] =	ssyncadd.s32 $0xFFFFCE00  }
0x1e: {  	_ =	swait.ge [sflag:s21], $0x3200  }
0x1f: {  	[sflag:s21] =	ssyncset.done $0x0  }
0x20: {  	[sflag:s21] =	ssyncadd.s32 $0xFFFFCE00  }
0x21: {  	_ =	swait.ge [sflag:s21], $0x3200  }
0x22: {  	[sflag:s21] =	ssyncset.done $0x0  }
0x23: {  	s8 =	simm.s32 $0xC;
	[sflag:s21] =	ssyncadd.s32 $0xFFFFCE00  }
0x24: {  	_ =	swait.ge [sflag:s8], $0x3200  }
0x25: {  	[sflag:s8] =	ssyncset.done $0x0  }
0x26: {  	[sflag:s8] =	ssyncadd.s32 $0xFFFFCE00  }
0x27: {  	_ =	swait.ge [sflag:s8], $0x3200  }
0x28: {  	s10 =	rddreg [dreg:$0x9]  }
0x29: {  	s28 =	rddreg [dreg:$0x8];
	s10 =	sadd.s32 $0x1, s10  }
0x2a: {  	p0 =	sne.s32 s10, s28  }
.Ltmp1:
0x2b: {  	_ = 	snop;
	(pc) =	sbr.rel @!p0 .LBB2_13-.Ltmp1, $3  }
0x2c: {  	_ =	sdelay $0x1  }
0x2d: {  	[sflag:s8] =	ssyncset.done $0x0  }
0x2e: {  	[sflag:s8] =	ssyncadd.s32 $0xFFFFCE00  }
.LBB2_1:
0x2f: {  	[dreg:$0x9] =	wrdreg s10  }
0x30: {  	s2 =	rddreg [dreg:$0x1];
	s8 =	simm.s32 $0x19640;
	s18 =	simm.s32 $0xD  }
0x31: {  	[tilespmem:s8], [sflag:$0xD] =	stream.linear.gather [hbm4b:s2+s5], $0x40, $0x38;
	[tilespmem:$0x196C0] =	vst v63  }
0x32: {  	_ =	swait.ge [sflag:s18], $0x40  }
0x33: {  	[sflag:s18] =	ssyncset.done $0x0  }
0x34: {  	[sflag:s18] =	ssyncadd.s32 $0xFFFFFFC0  }
0x35: {  	s28 =	simm.s32 $0x19680;
	s21 =	rddreg [dreg:$0x2]  }
0x36: {  	[tilespmem:s28], [sflag:$0xD] =	stream.linear.gather [hbm4b:s21+s5], $0x40, $0x38;
	[tilespmem:$0x196C0] =	vst v63  }
0x37: {  	_ =	swait.ge [sflag:s18], $0x40  }
0x38: {  	[sflag:s18] =	ssyncset.done $0x0  }
0x39: {  	s16 =	rddreg [dreg:$0x5];
	[sflag:s18] =	ssyncadd.s32 $0xFFFFFFC0  }
0x3a: {  	[tilespmem:s5], [sflag:$0x1] =	stream.linear.gather [hbm4b:s16+s5], $0x190, $0x38;
	[tilespmem:$0x196C0] =	vst v63  }
0x3b: {  	s18 =	rddreg [dreg:$0x6]  }
0x3c: {  	[tilespmem:s19], [sflag:$0x2] =	stream.linear.gather [hbm4b:s18+s5], $0x190, $0x38;
	[tilespmem:$0x196C0] =	vst v63  }
0x3d: {  	s28 =	simm.s32 $0x1;
	s21 =	rddreg [dreg:$0x7]  }
0x3e: {  	[tilespmem:s20], [sflag:$0x3] =	stream.linear.gather [hbm4b:s21+s5], $0x190, $0x38;
	[tilespmem:$0x196C0] =	vst v63  }
0x3f: {  	_ =	swait.ge [sflag:s28], $0x190  }
0x40: {  	[sflag:s28] =	ssyncset.done $0x0  }
0x41: {  	[sflag:s28] =	ssyncadd.s32 $0xFFFFFE70  }
0x42: {  	[tilespmem:s22], [sflag:$0x5] =	stream.indirect.gather [hbm4b:s7+s19], $0x40, s5, s19, $0xb8;
	[tilespmem:$0x196C0] =	vst v63  }
0x43: {  	_ =	swait.ge [sflag:s23], $0x190  }
0x44: {  	[sflag:s23] =	ssyncset.done $0x0  }
0x45: {  	s16 =	simm.s32 $0x0;
	[sflag:s23] =	ssyncadd.s32 $0xFFFFFE70  }
0x46: {  	[tilespmem:s24], [sflag:$0x6] =	stream.indirect.gather [hbm4b:s7+s19], $0x40, s19, s19, $0xb8;
	[tilespmem:$0x196C0] =	vst v63  }
.LBB2_2:
0x47: {  	s18 =	sshll.u32 s16, $0x2  }
0x48: {  	s8 =	sor.u32 s18, s9  }
0x49: {  	s10 =	sor.u32 $0x3, s8  }
0x4a: {  	_ =	swait.ge [sflag:s25], $0x6400;
	s2 =	smul.u32 $0x32, s10  }
0x4b: {  	[sflag:s25] =	ssyncset.done $0x0  }
0x4c: {  	s21 =	simm.s32 $0x6C0;
	[sflag:s25] =	ssyncadd.s32 $0xFFFF9C00;
	s2 =	sadd.s32 s6, s2  }
0x4d: {  	[tilespmem:s26], [sflag:$0x4] =	stream.linear.gather [hbm4b:s2+s5], $0x190, $0x38;
	[tilespmem:$0x196C0] =	vst v63  }
0x4e: {  	v12 =	vld [tilespmem:s21+$0x40]  }
0x4f: {  	v11 =	vld [tilespmem:s21+$0x50]  }
0x50: {  	v16 =	vld [tilespmem:s21+$0x60]  }
0x51: {  	v20 =	vld [tilespmem:s21+$0xFFFFFF90]  }
0x52: {  	v18 =	vld [tilespmem:s21+$0xFFFFFFC0]  }
0x53: {  	v19 =	vld [tilespmem:s21+$0xFFFFFFD0]  }
0x54: {  	v10 =	vld [tilespmem:s21+$0x70]  }
0x55: {  	v21 =	vld [tilespmem:s21+$0xFFFFFF80];
	v5 =	vadd.f32 v11, v12;
	v6 =	vmul.f32 v12, v12;
	v7 =	vmul.f32 v11, v11  }
0x56: {  	v4 =	vld [tilespmem:s21+$0x0]  }
0x57: {  	v22 =	vld [tilespmem:s21+$0xFFFFFFA0];
	v8 =	vadd.f32 v16, v5;
	v6 =	vadd.f32 v7, v6;
	v7 =	vmul.f32 v16, v16  }
0x58: {  	v9 =	vmul.f32 v18, v18;
	v13 =	vmul.f32 v19, v19  }
0x59: {  	v5 =	vld [tilespmem:s21+$0x10];
	v8 =	vadd.f32 v10, v8;
	v6 =	vadd.f32 v7, v6;
	v7 =	vmul.f32 v10, v10  }
0x5a: {  	v17 =	vmul.f32 v20, v20;
	v29 =	vmul.f32 v21, v21  }
0x5b: {  	v23 =	vld [tilespmem:s21+$0xFFFFFFB0];
	v24 =	vadd.f32 v19, v18;
	v14 =	vadd.f32 v7, v6;
	v15 =	vperm.xlane v8, v0  }
0x5c: {  	v25 =	vmul.f32 v4, v4;
	v31 =	vmul.f32 v22, v22;
	v17 =	vadd.f32 v17, v29;
	v7 =	vld [tilespmem:s21+$0xFFFFFFE0]  }
0x5d: {  	v28 =	vadd.f32 v20, v21;
	v6 =	vld [tilespmem:s21+$0x20];
	v15 =	vadd.f32 v15, v8;
	v8 =	vperm.xlane v14, v0  }
0x5e: {  	v13 =	vadd.f32 v13, v9;
	v9 =	vld [tilespmem:s21+$0xFFFFFFF0];
	v17 =	vadd.f32 v31, v17;
	v27 =	vmul.f32 v5, v5  }
0x5f: {  	v26 =	vadd.f32 v5, v4;
	v30 =	vperm.xlane v15, v1;
	v14 =	vadd.f32 v8, v14;
	v8 =	vld [tilespmem:s21+$0x30]  }
0x60: {  	v25 =	vadd.f32 v27, v25;
	v27 =	vadd.f32 v22, v28  }
0x61: {  	v24 =	vadd.f32 v7, v24;
	v15 =	vadd.f32 v30, v15;
	v28 =	vperm.xlane v14, v1  }
0x62: {  	v29 =	vmul.f32 v7, v7;
	v26 =	vadd.f32 v6, v26;
	v27 =	vadd.f32 v23, v27  }
0x63: {  	v24 =	vadd.f32 v9, v24;
	v30 =	vperm.xlane v15, v2;
	v14 =	vadd.f32 v28, v14  }
0x64: {  	v13 =	vadd.f32 v29, v13;
	v28 =	vmul.f32 v6, v6;
	v26 =	vadd.f32 v8, v26  }
0x65: {  	v15 =	vadd.f32 v30, v15;
	v29 =	vperm.xlane v14, v2;
	v30 =	vmul.f32 v23, v23  }
0x66: {  	v25 =	vadd.f32 v28, v25;
	v28 =	vmul.f32 v9, v9;
	v32 =	vperm.xlane v26, v0  }
0x67: {  	v31 =	vperm.xlane v15, v3;
	v14 =	vadd.f32 v29, v14;
	v17 =	vadd.f32 v30, v17  }
0x68: {  	v29 =	vmul.f32 v8, v8;
	v30 =	vperm.xlane v27, v0;
	v13 =	vadd.f32 v28, v13  }
0x69: {  	v26 =	vadd.f32 v32, v26;
	v15 =	vadd.f32 v31, v15;
	v28 =	vperm.xlane v14, v3  }
0x6a: {  	v31 =	vperm.xlane v24, v0;
	v27 =	vadd.f32 v30, v27;
	v30 =	vperm.xlane v17, v0  }
0x6b: {  	v25 =	vadd.f32 v29, v25;
	v15 =	vmul.f32 $1.562500000e-02, v15;
	v14 =	vadd.f32 v28, v14  }
0x6c: {  	v28 =	vperm.xlane v13, v0;
	v29 =	vperm.xlane v27, v1;
	v24 =	vadd.f32 v31, v24  }
0x6d: {  	v53 =	vperm.xlane v25, v0;
	v17 =	vadd.f32 v30, v17;
	v14 =	vmul.f32 $1.562500000e-02, v14  }
0x6e: {  	v31 =	vmul.f32 v15, v15;
	v30 =	vperm.xlane v24, v1;
	v13 =	vadd.f32 v28, v13  }
0x6f: {  	v28 =	vperm.xlane v26, v1;
	v25 =	vadd.f32 v53, v25;
	v27 =	vadd.f32 v29, v27  }
0x70: {  	v14 =	vsub.f32 v14, v31;
	v31 =	vperm.xlane v17, v1;
	v24 =	vadd.f32 v30, v24  }
0x71: {  	v29 =	vperm.xlane v13, v1;
	v26 =	vadd.f32 v28, v26;
	v28 =	vperm.xlane v25, v1  }
0x72: {  	v30 =	vperm.xlane v27, v2;
	v14 =	vmax.f32 v14, $0.0e+00;
	v17 =	vadd.f32 v31, v17  }
0x73: {  	v31 =	vperm.xlane v24, v2;
	v13 =	vadd.f32 v29, v13;
	v14 =	vadd.f32 $9.999999960e-13, v14  }
0x74: {  	v29 =	vperm.xlane v26, v2;
	v25 =	vadd.f32 v28, v25;
	v27 =	vadd.f32 v30, v27  }
0x75: {  	v30 =	vperm.xlane v17, v2;
	v54 =	vshrl.u32 v14, $0x1;
	v14 =	vmul.f32 $5.000000000e-01, v14  }
0x76: {  	v24 =	vadd.f32 v31, v24;
	v31 =	vperm.xlane v13, v2;
	v32 =	vsub.s32 $0x5F3759DF, v54  }
0x77: {  	v33 =	vperm.xlane v27, v3;
	v26 =	vadd.f32 v29, v26;
	v28 =	vmul.f32 v32, v14  }
0x78: {  	v29 =	vperm.xlane v25, v2;
	v17 =	vadd.f32 v30, v17;
	v30 =	vperm.xlane v24, v3  }
0x79: {  	v13 =	vadd.f32 v31, v13;
	v31 =	vperm.xlane v26, v3;
	v28 =	vmul.f32 v32, v28  }
0x7a: {  	v25 =	vadd.f32 v29, v25;
	v27 =	vadd.f32 v33, v27;
	v29 =	vperm.xlane v17, v3  }
0x7b: {  	v24 =	vadd.f32 v30, v24;
	v30 =	vperm.xlane v13, v3;
	v28 =	vsub.f32 $1.500000000e+00, v28  }
0x7c: {  	v27 =	vmul.f32 $1.562500000e-02, v27;
	v17 =	vadd.f32 v29, v17;
	v29 =	vperm.xlane v25, v3  }
0x7d: {  	v26 =	vadd.f32 v31, v26;
	v55 =	vmul.f32 $1.562500000e-02, v24;
	v28 =	vmul.f32 v32, v28  }
0x7e: {  	v13 =	vadd.f32 v30, v13;
	v24 =	vmul.f32 v27, v27;
	v17 =	vmul.f32 $1.562500000e-02, v17  }
0x7f: {  	v30 =	vmul.f32 $1.562500000e-02, v26;
	v25 =	vadd.f32 v29, v25;
	v14 =	vmul.f32 v28, v14  }
0x80: {  	v13 =	vmul.f32 $1.562500000e-02, v13;
	v17 =	vsub.f32 v17, v24;
	v24 =	vmul.f32 v55, v55  }
0x81: {  	v14 =	vmul.f32 v14, v28  }
0x82: {  	v26 =	vmul.f32 v30, v30;
	v25 =	vmul.f32 $1.562500000e-02, v25;
	v13 =	vsub.f32 v13, v24  }
0x83: {  	v14 =	vsub.f32 $1.500000000e+00, v14  }
0x84: {  	v24 =	vsub.f32 v25, v26;
	v13 =	vmax.f32 v13, $0.0e+00  }
0x85: {  	v17 =	vmax.f32 v17, $0.0e+00;
	v13 =	vadd.f32 $9.999999960e-13, v13;
	v25 =	vmul.f32 v14, v28  }
0x86: {  	v14 =	vadd.f32 $9.999999960e-13, v17;
	v17 =	vmax.f32 v24, $0.0e+00  }
0x87: {  	v29 =	vmul.f32 $5.000000000e-01, v13;
	v17 =	vadd.f32 $9.999999960e-13, v17;
	v24 =	vmul.f32 v25, v15  }
0x88: {  	v15 =	vmul.f32 v25, v10;
	v10 =	vshrl.u32 v14, $0x1;
	v28 =	vmul.f32 $5.000000000e-01, v14  }
0x89: {  	v14 =	vshrl.u32 v13, $0x1;
	v26 =	vsub.s32 $0x5F3759DF, v10;
	v13 =	vshrl.u32 v17, $0x1  }
0x8a: {  	v17 =	vmul.f32 $5.000000000e-01, v17;
	v10 =	vld [tilespmem:$0x19670];
	v31 =	vsub.s32 $0x5F3759DF, v14;
	v14 =	vmul.f32 v26, v28  }
0x8b: {  	v13 =	vsub.s32 $0x5F3759DF, v13;
	v56 =	vmul.f32 v31, v29  }
0x8c: {  	v34 =	vmul.f32 v13, v17;
	v14 =	vmul.f32 v26, v14  }
0x8d: {  	v15 =	vsub.f32 v15, v24;
	v33 =	vmul.f32 v31, v56  }
0x8e: {  	v34 =	vmul.f32 v13, v34;
	v35 =	vsub.f32 $1.500000000e+00, v14  }
0x8f: {  	v36 =	vmul.f32 v15, v10;
	v15 =	vsub.f32 $1.500000000e+00, v33  }
0x90: {  	v57 =	vsub.f32 $1.500000000e+00, v34;
	v26 =	vmul.f32 v26, v35  }
0x91: {  	v58 =	vmul.f32 v25, v12;
	v31 =	vmul.f32 v31, v15  }
0x92: {  	v12 =	vld [tilespmem:$0x19650];
	v33 =	vmul.f32 v13, v57;
	v28 =	vmul.f32 v26, v28  }
0x93: {  	v59 =	vmul.f32 v25, v11;
	v14 =	vld [tilespmem:$0x19640];
	v29 =	vmul.f32 v31, v29  }
0x94: {  	v13 =	vld [tilespmem:$0x19660];
	v17 =	vmul.f32 v33, v17;
	v28 =	vmul.f32 v28, v26  }
0x95: {  	v11 =	vld [tilespmem:$0x196B0];
	v25 =	vmul.f32 v25, v16;
	v35 =	vsub.f32 v59, v24;
	v29 =	vmul.f32 v29, v31  }
0x96: {  	v16 =	vld [tilespmem:$0x19690];
	v34 =	vsub.f32 v58, v24;
	v37 =	vmul.f32 v17, v33;
	v28 =	vsub.f32 $1.500000000e+00, v28  }
0x97: {  	v15 =	vld [tilespmem:$0x19680];
	v24 =	vsub.f32 v25, v24;
	v60 =	vmul.f32 v35, v12;
	v29 =	vsub.f32 $1.500000000e+00, v29  }
0x98: {  	v25 =	vmul.f32 v34, v14;
	v17 =	vld [tilespmem:$0x196A0];
	v61 =	vsub.f32 $1.500000000e+00, v37;
	v38 =	vmul.f32 v28, v26  }
0x99: {  	v62 =	vmul.f32 v24, v13;
	v24 =	vmul.f32 v29, v31  }
0x9a: {  	v36 =	vadd.f32 v36, v11;
	v26 =	vmul.f32 v61, v33;
	v27 =	vmul.f32 v38, v27  }
0x9b: {  	v63 =	vadd.f32 v60, v16;
	v21 =	vmul.f32 v38, v21;
	v20 =	vmul.f32 v38, v20  }
0x9c: {  	v25 =	vadd.f32 v25, v15;
	[tilespmem:s21+$0x70] =	vst v36;
	v31 =	vmul.f32 v38, v22;
	v29 =	vmul.f32 v38, v23  }
0x9d: {  	[tilespmem:s21+$0x50] =	vst v63;
	v28 =	vadd.f32 v62, v17;
	v32 =	vmul.f32 v24, v18;
	v18 =	vmul.f32 v24, v19  }
0x9e: {  	s28 =	simm.s32 $0x0;
	s2 =	simm.s32 $0x7C0;
	[tilespmem:s21+$0x40] =	vst v25;
	v22 =	vsub.f32 v21, v27;
	v21 =	vmul.f32 v24, v55;
	v23 =	vsub.f32 v20, v27  }
.LBB2_3:
0x9f: {  	v25 =	vld [tilespmem:s2+$0x40];
	v31 =	vsub.f32 v31, v27;
	v7 =	vmul.f32 v24, v7;
	v9 =	vmul.f32 v24, v9;
	[tilespmem:s21+$0x60] =	vst v28  }
0xa0: {  	s28 =	sadd.s32 $0x4, s28;
	v40 =	vsub.f32 v29, v27;
	v28 =	vmul.f32 v26, v30;
	v4 =	vmul.f32 v26, v4;
	v24 =	vld [tilespmem:s2+$0x50]  }
0xa1: {  	v5 =	vmul.f32 v26, v5;
	v6 =	vmul.f32 v26, v6;
	p0 =	slt.u32 s28, $0x18C;
	v30 =	vsub.f32 v32, v21;
	v19 =	vld [tilespmem:s2+$0xFFFFFF90]  }
0xa2: {  	v37 =	vsub.f32 v18, v21;
	v36 =	vsub.f32 v7, v21;
	v7 =	vmul.f32 v26, v8;
	v27 =	vld [tilespmem:s2+$0x60]  }
0xa3: {  	v8 =	vmul.f32 v22, v14;
	v34 =	vsub.f32 v9, v21;
	v35 =	vsub.f32 v4, v28;
	v18 =	vld [tilespmem:s2+$0xFFFFFFC0]  }
0xa4: {  	v38 =	vmul.f32 v23, v12;
	v29 =	vsub.f32 v5, v28;
	v26 =	vsub.f32 v6, v28;
	v33 =	vld [tilespmem:s2+$0x70]  }
0xa5: {  	v9 =	vmul.f32 v25, v25;
	v20 =	vld [tilespmem:s2+$0xFFFFFFD0];
	v6 =	vadd.f32 v24, v25;
	v21 =	vmul.f32 v24, v24  }
0xa6: {  	v39 =	vmul.f32 v31, v13;
	v28 =	vsub.f32 v7, v28;
	v41 =	vmul.f32 v19, v19;
	v4 =	vld [tilespmem:s2+$0x0]  }
0xa7: {  	v5 =	vld [tilespmem:s2+$0x10];
	v6 =	vadd.f32 v27, v6;
	v7 =	vadd.f32 v21, v9;
	v9 =	vmul.f32 v27, v27  }
0xa8: {  	v32 =	vmul.f32 v40, v10;
	v8 =	vadd.f32 v8, v15;
	v21 =	vld [tilespmem:s2+$0xFFFFFF80];
	v42 =	vmul.f32 v18, v18  }
0xa9: {  	v22 =	vld [tilespmem:s2+$0xFFFFFFA0];
	v40 =	vadd.f32 v33, v6;
	v9 =	vadd.f32 v9, v7;
	v23 =	vmul.f32 v33, v33  }
0xaa: {  	v31 =	vmul.f32 v30, v14;
	v7 =	vld [tilespmem:s2+$0xFFFFFFE0];
	v43 =	vadd.f32 v20, v18;
	v44 =	vmul.f32 v20, v20;
	[tilespmem:s21+$0xFFFFFF80] =	vst v8  }
0xab: {  	v6 =	vld [tilespmem:s2+$0x20];
	v30 =	vmul.f32 v4, v4;
	v45 =	vadd.f32 v23, v9;
	v8 =	vperm.xlane v40, v0  }
0xac: {  	v23 =	vld [tilespmem:s2+$0xFFFFFFB0];
	v42 =	vadd.f32 v44, v42;
	v44 =	vadd.f32 v5, v4;
	v46 =	vmul.f32 v5, v5  }
0xad: {  	v47 =	vadd.f32 v19, v21;
	v9 =	vld [tilespmem:s2+$0xFFFFFFF0];
	v40 =	vadd.f32 v8, v40;
	v48 =	vperm.xlane v45, v0  }
0xae: {  	v49 =	vmul.f32 v21, v21;
	v50 =	vmul.f32 v22, v22;
	v8 =	vld [tilespmem:s2+$0x30];
	v30 =	vadd.f32 v46, v30  }
0xaf: {  	v46 =	vadd.f32 v22, v47;
	v47 =	vperm.xlane v40, v1;
	v45 =	vadd.f32 v48, v45  }
0xb0: {  	v41 =	vadd.f32 v41, v49;
	v43 =	vadd.f32 v7, v43;
	v48 =	vmul.f32 v7, v7  }
0xb1: {  	v44 =	vadd.f32 v6, v44;
	v40 =	vadd.f32 v47, v40;
	v47 =	vperm.xlane v45, v1  }
0xb2: {  	v49 =	vmul.f32 v6, v6;
	v46 =	vadd.f32 v23, v46;
	v41 =	vadd.f32 v50, v41  }
0xb3: {  	v43 =	vadd.f32 v9, v43;
	v50 =	vperm.xlane v40, v2;
	v45 =	vadd.f32 v47, v45  }
0xb4: {  	v42 =	vadd.f32 v48, v42;
	v47 =	vmul.f32 v23, v23;
	v44 =	vadd.f32 v8, v44  }
0xb5: {  	v30 =	vadd.f32 v49, v30;
	v40 =	vadd.f32 v50, v40;
	v48 =	vperm.xlane v45, v2  }
0xb6: {  	v49 =	vmul.f32 v8, v8;
	v41 =	vadd.f32 v47, v41;
	v47 =	vmul.f32 v9, v9  }
0xb7: {  	v50 =	vperm.xlane v46, v0;
	v51 =	vperm.xlane v40, v3;
	v45 =	vadd.f32 v48, v45  }
0xb8: {  	v30 =	vadd.f32 v49, v30;
	v42 =	vadd.f32 v47, v42;
	v47 =	vperm.xlane v43, v0  }
0xb9: {  	v48 =	vperm.xlane v44, v0;
	v40 =	vadd.f32 v51, v40;
	v49 =	vperm.xlane v45, v3  }
0xba: {  	v46 =	vadd.f32 v50, v46;
	v50 =	vperm.xlane v41, v0;
	v43 =	vadd.f32 v47, v43  }
0xbb: {  	v47 =	vperm.xlane v42, v0;
	v51 =	vmul.f32 $1.562500000e-02, v40;
	v40 =	vadd.f32 v49, v45  }
0xbc: {  	v44 =	vadd.f32 v48, v44;
	v48 =	vperm.xlane v30, v0;
	v45 =	vperm.xlane v46, v1  }
0xbd: {  	v41 =	vadd.f32 v50, v41;
	v40 =	vmul.f32 $1.562500000e-02, v40;
	v49 =	vmul.f32 v51, v51  }
0xbe: {  	v50 =	vperm.xlane v43, v1;
	v42 =	vadd.f32 v47, v42;
	v47 =	vperm.xlane v44, v1  }
0xbf: {  	v52 =	vperm.xlane v41, v1;
	v30 =	vadd.f32 v48, v30;
	v40 =	vsub.f32 v40, v49  }
0xc0: {  	v45 =	vadd.f32 v45, v46;
	v43 =	vadd.f32 v50, v43;
	v46 =	vperm.xlane v42, v1  }
0xc1: {  	v44 =	vadd.f32 v47, v44;
	v47 =	vperm.xlane v30, v1;
	v40 =	vmax.f32 v40, $0.0e+00  }
0xc2: {  	v41 =	vadd.f32 v52, v41;
	v48 =	vperm.xlane v45, v2;
	v40 =	vadd.f32 $9.999999960e-13, v40  }
0xc3: {  	v49 =	vperm.xlane v43, v2;
	v42 =	vadd.f32 v46, v42;
	v46 =	vperm.xlane v44, v2  }
0xc4: {  	v30 =	vadd.f32 v47, v30;
	v47 =	vshrl.u32 v40, $0x1;
	v50 =	vmul.f32 $5.000000000e-01, v40  }
0xc5: {  	v40 =	vadd.f32 v48, v45;
	v45 =	vperm.xlane v41, v2;
	v47 =	vsub.s32 $0x5F3759DF, v47  }
0xc6: {  	v43 =	vadd.f32 v49, v43;
	v48 =	vperm.xlane v42, v2;
	v49 =	vmul.f32 v47, v50  }
0xc7: {  	v44 =	vadd.f32 v46, v44;
	v46 =	vperm.xlane v30, v2;
	v52 =	vperm.xlane v40, v3  }
0xc8: {  	v41 =	vadd.f32 v45, v41;
	v45 =	vperm.xlane v43, v3;
	v49 =	vmul.f32 v47, v49  }
0xc9: {  	v46 =	vadd.f32 v46, v30;
	v42 =	vadd.f32 v48, v42;
	v48 =	vperm.xlane v44, v3  }
0xca: {  	v30 =	vadd.f32 v52, v40;
	v40 =	vperm.xlane v41, v3;
	v49 =	vsub.f32 $1.500000000e+00, v49  }
0xcb: {  	v43 =	vadd.f32 v45, v43;
	v45 =	vperm.xlane v42, v3;
	v44 =	vadd.f32 v48, v44  }
0xcc: {  	v52 =	vperm.xlane v46, v3;
	v48 =	vadd.f32 v40, v41;
	v47 =	vmul.f32 v47, v49  }
0xcd: {  	v41 =	vmul.f32 $1.562500000e-02, v30;
	v40 =	vmul.f32 $1.562500000e-02, v43;
	v42 =	vadd.f32 v45, v42  }
0xce: {  	v30 =	vmul.f32 $1.562500000e-02, v44;
	v43 =	vadd.f32 v52, v46;
	v44 =	vmul.f32 v47, v50  }
0xcf: {  	v38 =	vadd.f32 v38, v16;
	v45 =	vmul.f32 $1.562500000e-02, v48;
	v46 =	vmul.f32 v41, v41  }
0xd0: {  	v39 =	vadd.f32 v39, v17;
	v42 =	vmul.f32 $1.562500000e-02, v42;
	v44 =	vmul.f32 v44, v47  }
0xd1: {  	v43 =	vmul.f32 $1.562500000e-02, v43;
	v45 =	vsub.f32 v45, v46;
	v46 =	vmul.f32 v40, v40;
	[tilespmem:s21+$0xFFFFFF90] =	vst v38  }
0xd2: {  	v37 =	vmul.f32 v37, v12;
	v38 =	vmul.f32 v30, v30;
	v44 =	vsub.f32 $1.500000000e+00, v44;
	[tilespmem:s21+$0xFFFFFFA0] =	vst v39  }
0xd3: {  	v36 =	vmul.f32 v36, v13;
	v42 =	vsub.f32 v42, v46;
	v39 =	vmax.f32 v45, $0.0e+00  }
0xd4: {  	v39 =	vadd.f32 $9.999999960e-13, v39;
	v38 =	vsub.f32 v43, v38;
	v43 =	vmul.f32 v44, v47  }
0xd5: {  	v34 =	vmul.f32 v34, v10;
	v35 =	vmul.f32 v35, v14;
	v42 =	vmax.f32 v42, $0.0e+00  }
0xd6: {  	v38 =	vmax.f32 v38, $0.0e+00;
	v44 =	vmul.f32 v43, v51;
	v33 =	vmul.f32 v43, v33  }
0xd7: {  	v42 =	vadd.f32 $9.999999960e-13, v42;
	v45 =	vshrl.u32 v39, $0x1;
	v38 =	vadd.f32 $9.999999960e-13, v38  }
0xd8: {  	v39 =	vmul.f32 $5.000000000e-01, v39;
	v45 =	vsub.s32 $0x5F3759DF, v45;
	v33 =	vsub.f32 v33, v44  }
0xd9: {  	v46 =	vshrl.u32 v42, $0x1;
	v42 =	vmul.f32 $5.000000000e-01, v42;
	v47 =	vshrl.u32 v38, $0x1  }
0xda: {  	v46 =	vsub.s32 $0x5F3759DF, v46;
	v38 =	vmul.f32 $5.000000000e-01, v38;
	v33 =	vmul.f32 v33, v10  }
0xdb: {  	v48 =	vmul.f32 v45, v39;
	v49 =	vmul.f32 v46, v42;
	v47 =	vsub.s32 $0x5F3759DF, v47  }
0xdc: {  	v25 =	vmul.f32 v43, v25;
	v50 =	vmul.f32 v47, v38;
	v33 =	vadd.f32 v33, v11  }
0xdd: {  	v32 =	vadd.f32 v32, v11;
	v48 =	vmul.f32 v45, v48;
	v49 =	vmul.f32 v46, v49  }
0xde: {  	v24 =	vmul.f32 v43, v24;
	v25 =	vsub.f32 v25, v44;
	v50 =	vmul.f32 v47, v50;
	[tilespmem:s2+$0x70] =	vst v33  }
0xdf: {  	v27 =	vmul.f32 v43, v27;
	v33 =	vsub.f32 $1.500000000e+00, v48;
	v48 =	vsub.f32 $1.500000000e+00, v49;
	[tilespmem:s21+$0xFFFFFFB0] =	vst v32  }
0xe0: {  	v29 =	vmul.f32 v29, v12;
	v24 =	vsub.f32 v24, v44;
	v32 =	vsub.f32 $1.500000000e+00, v50  }
0xe1: {  	v27 =	vsub.f32 v27, v44;
	v33 =	vmul.f32 v45, v33;
	v43 =	vmul.f32 v46, v48  }
0xe2: {  	v26 =	vmul.f32 v26, v13;
	v31 =	vadd.f32 v31, v15;
	v32 =	vmul.f32 v47, v32  }
0xe3: {  	v37 =	vadd.f32 v37, v16;
	v39 =	vmul.f32 v33, v39;
	v42 =	vmul.f32 v43, v42  }
0xe4: {  	v28 =	vmul.f32 v28, v10;
	v38 =	vmul.f32 v32, v38;
	[tilespmem:s21+$0xFFFFFFC0] =	vst v31;
	v31 =	vadd.f32 v36, v17  }
0xe5: {  	v34 =	vadd.f32 v34, v11;
	v36 =	vmul.f32 v39, v33;
	v39 =	vmul.f32 v42, v43;
	[tilespmem:s21+$0xFFFFFFD0] =	vst v37  }
0xe6: {  	v25 =	vmul.f32 v25, v14;
	v37 =	vmul.f32 v38, v32;
	[tilespmem:s21+$0xFFFFFFE0] =	vst v31;
	v31 =	vadd.f32 v35, v15  }
0xe7: {  	v38 =	vmul.f32 v24, v12;
	v35 =	vsub.f32 $1.500000000e+00, v36;
	v36 =	vsub.f32 $1.500000000e+00, v39;
	[tilespmem:s21+$0xFFFFFFF0] =	vst v34  }
0xe8: {  	v34 =	vsub.f32 $1.500000000e+00, v37;
	v37 =	vmul.f32 v27, v13;
	v27 =	vadd.f32 v29, v16;
	[tilespmem:s21+$0x0] =	vst v31  }
0xe9: {  	v29 =	vmul.f32 v35, v33;
	v24 =	vmul.f32 v36, v43;
	v31 =	vadd.f32 v26, v17  }
.Ltmp2:
0xea: {  	v25 =	vadd.f32 v25, v15;
	v26 =	vmul.f32 v34, v32;
	v32 =	vadd.f32 v28, v11;
	[tilespmem:s21+$0x10] =	vst v27;
	(pc) =	sbr.rel @p0 .LBB2_3-.Ltmp2, $4  }
0xeb: {  	v33 =	vadd.f32 v38, v16;
	v27 =	vmul.f32 v29, v41;
	v21 =	vmul.f32 v29, v21;
	[tilespmem:s21+$0x20] =	vst v31  }
0xec: {  	v28 =	vadd.f32 v37, v17;
	v19 =	vmul.f32 v29, v19;
	v31 =	vmul.f32 v29, v22;
	[tilespmem:s21+$0x30] =	vst v32;
	s21 =	smov.u32 s2  }
0xed: {  	v29 =	vmul.f32 v29, v23;
	v22 =	vsub.f32 v21, v27;
	v21 =	vmul.f32 v24, v40;
	[tilespmem:s2+$0x40] =	vst v25  }
0xee: {  	v23 =	vsub.f32 v19, v27;
	v32 =	vmul.f32 v24, v18;
	v18 =	vmul.f32 v24, v20;
	s2 =	sadd.s32 $0x100, s2;
	[tilespmem:s21+$0x50] =	vst v33  }
0xef: {  	v7 =	vmul.f32 v24, v7  }
0xf0: {  	v9 =	vmul.f32 v24, v9;
	v20 =	vmul.f32 v26, v30  }
0xf1: {  	v4 =	vmul.f32 v26, v4;
	v5 =	vmul.f32 v26, v5  }
0xf2: {  	v19 =	vsub.f32 v31, v27;
	v22 =	vmul.f32 v22, v14;
	v6 =	vmul.f32 v26, v6  }
0xf3: {  	v24 =	vsub.f32 v29, v27;
	v8 =	vmul.f32 v26, v8;
	v23 =	vmul.f32 v23, v12  }
0xf4: {  	v18 =	vsub.f32 v18, v21;
	v19 =	vmul.f32 v19, v13;
	v22 =	vadd.f32 v22, v15  }
0xf5: {  	[tilespmem:s21+$0x60] =	vst v28;
	v25 =	vsub.f32 v32, v21;
	v24 =	vmul.f32 v24, v10;
	v23 =	vadd.f32 v23, v16  }
0xf6: {  	v7 =	vsub.f32 v7, v21;
	v18 =	vmul.f32 v18, v12;
	[tilespmem:s21+$0xFFFFFF80] =	vst v22;
	v19 =	vadd.f32 v19, v17  }
0xf7: {  	v9 =	vsub.f32 v9, v21;
	v22 =	vmul.f32 v25, v14;
	v21 =	vadd.f32 v24, v11;
	[tilespmem:s21+$0xFFFFFF90] =	vst v23  }
0xf8: {  	v4 =	vsub.f32 v4, v20;
	v7 =	vmul.f32 v7, v13;
	v18 =	vadd.f32 v18, v16;
	[tilespmem:s21+$0xFFFFFFA0] =	vst v19  }
0xf9: {  	v5 =	vsub.f32 v5, v20;
	v9 =	vmul.f32 v9, v10;
	v19 =	vadd.f32 v22, v15;
	[tilespmem:s21+$0xFFFFFFB0] =	vst v21  }
0xfa: {  	v6 =	vsub.f32 v6, v20;
	v4 =	vmul.f32 v4, v14;
	v7 =	vadd.f32 v7, v17;
	[tilespmem:s21+$0xFFFFFFD0] =	vst v18  }
0xfb: {  	v8 =	vsub.f32 v8, v20;
	v5 =	vmul.f32 v5, v12;
	v9 =	vadd.f32 v9, v11;
	[tilespmem:s21+$0xFFFFFFC0] =	vst v19  }
0xfc: {  	v6 =	vmul.f32 v6, v13;
	v4 =	vadd.f32 v4, v15;
	[tilespmem:s21+$0xFFFFFFE0] =	vst v7  }
0xfd: {  	v5 =	vadd.f32 v5, v16;
	v7 =	vmul.f32 v8, v10;
	[tilespmem:s21+$0xFFFFFFF0] =	vst v9  }
0xfe: {  	[tilespmem:s21+$0x0] =	vst v4;
	v4 =	vadd.f32 v6, v17  }
0xff: {  	s2 =	smul.u32 $0xC80, s8;
	[tilespmem:s21+$0x10] =	vst v5;
	v5 =	vadd.f32 v7, v11  }
0x100: {  	[tilespmem:s21+$0x20] =	vst v4  }
0x101: {  	s2 =	sadd.s32 s4, s2;
	[tilespmem:s21+$0x30] =	vst v5;
	s21 =	smul.u32 $0x6400, s8  }
0x102: {  	[hbm4b:s2+s5] =	stream.linear.scatter [tilespmem:s22], [sflag:$0x9], $0x3200, $0x38;
	[tilespmem:$0x196C0] =	vst v63  }
0x103: {  	s21 =	sshrl.u32 s21, $0x3  }
0x104: {  	s2 =	sadd.s32 s4, s21  }
0x105: {  	p1 =	seq.s32 s16, $0x0;
	s21 =	simm.s32 $0x3840;
	s2 =	sadd.s32 $0x640, s2  }
0x106: {  	[hbm4b:s2+s5] =	stream.linear.scatter [tilespmem:s21], [sflag:$0x9], $0x3200, $0x38;
	[tilespmem:$0x196C0] =	vst v63  }
0x107: {  	s2 =	simm.s32 @!p1 $0xB  }
0x108: {  	_ =	swait.ge @!p1 [sflag:s2], $0x3200  }
0x109: {  	[sflag:s2] =	ssyncset.done @!p1 $0x0  }
0x10a: {  	[sflag:s2] =	ssyncadd.s32 @!p1 $0xFFFFCE00  }
0x10b: {  	_ =	swait.ge @!p1 [sflag:s2], $0x3200  }
0x10c: {  	[sflag:s2] =	ssyncset.done @!p1 $0x0  }
0x10d: {  	[sflag:s2] =	ssyncadd.s32 @!p1 $0xFFFFCE00  }
0x10e: {  	_ =	swait.ge [sflag:s29], $0x190  }
0x10f: {  	p0 =	seq.s32 s16, $0xF;
	[sflag:s29] =	ssyncset.done $0x0  }
0x110: {  	s2 =	sadd.s32 @!p0 s18, s12;
	[sflag:s29] =	ssyncadd.s32 $0xFFFFFE70  }
0x111: {  	[tilespmem:s30], [sflag:$0x7] =	stream.indirect.gather [hbm4b:s7+s19], $0x40, s20, s19, $0xb8;
	[tilespmem:$0x196C0] =	vst v63  }
0x112: {  	s2 =	smul.u32 @!p0 $0x32, s2;
	_ =	swait.ge [sflag:s31], $0x6400  }
0x113: {  	[sflag:s31] =	ssyncset.done $0x0  }
0x114: {  	s21 =	simm.s32 @!p0 $0x0;
	s2 =	sadd.s32 @!p0 s6, s2;
	[sflag:s31] =	ssyncadd.s32 $0xFFFF9C00  }
0x115: {  	[tilespmem:s21], [sflag:$0x1] =	stream.linear.gather @!p0 [hbm4b:s2+s21], $0x190, $0x38;
	[tilespmem:$0x196C0] =	vst v63  }
0x116: {  	s21 =	simm.s32 $0x6AC0  }
0x117: {  	v12 =	vld [tilespmem:s21+$0x40]  }
0x118: {  	v11 =	vld [tilespmem:s21+$0x50]  }
0x119: {  	v16 =	vld [tilespmem:s21+$0x60]  }
0x11a: {  	v20 =	vld [tilespmem:s21+$0xFFFFFF90]  }
0x11b: {  	v18 =	vld [tilespmem:s21+$0xFFFFFFC0]  }
0x11c: {  	v19 =	vld [tilespmem:s21+$0xFFFFFFD0]  }
0x11d: {  	v10 =	vld [tilespmem:s21+$0x70]  }
0x11e: {  	v21 =	vld [tilespmem:s21+$0xFFFFFF80];
	v5 =	vadd.f32 v11, v12;
	v6 =	vmul.f32 v12, v12;
	v7 =	vmul.f32 v11, v11  }
0x11f: {  	v4 =	vld [tilespmem:s21+$0x0]  }
0x120: {  	v22 =	vld [tilespmem:s21+$0xFFFFFFA0];
	v8 =	vadd.f32 v16, v5;
	v6 =	vadd.f32 v7, v6;
	v7 =	vmul.f32 v16, v16  }
0x121: {  	v9 =	vmul.f32 v18, v18;
	v13 =	vmul.f32 v19, v19  }
0x122: {  	v5 =	vld [tilespmem:s21+$0x10];
	v8 =	vadd.f32 v10, v8;
	v6 =	vadd.f32 v7, v6;
	v7 =	vmul.f32 v10, v10  }
0x123: {  	v17 =	vmul.f32 v20, v20;
	v29 =	vmul.f32 v21, v21  }
0x124: {  	v23 =	vld [tilespmem:s21+$0xFFFFFFB0];
	v24 =	vadd.f32 v19, v18;
	v14 =	vadd.f32 v7, v6;
	v15 =	vperm.xlane v8, v0  }
0x125: {  	v25 =	vmul.f32 v4, v4;
	v31 =	vmul.f32 v22, v22;
	v17 =	vadd.f32 v17, v29;
	v7 =	vld [tilespmem:s21+$0xFFFFFFE0]  }
0x126: {  	v28 =	vadd.f32 v20, v21;
	v6 =	vld [tilespmem:s21+$0x20];
	v15 =	vadd.f32 v15, v8;
	v8 =	vperm.xlane v14, v0  }
0x127: {  	v13 =	vadd.f32 v13, v9;
	v9 =	vld [tilespmem:s21+$0xFFFFFFF0];
	v17 =	vadd.f32 v31, v17;
	v27 =	vmul.f32 v5, v5  }
0x128: {  	v26 =	vadd.f32 v5, v4;
	v30 =	vperm.xlane v15, v1;
	v14 =	vadd.f32 v8, v14;
	v8 =	vld [tilespmem:s21+$0x30]  }
0x129: {  	v25 =	vadd.f32 v27, v25;
	v27 =	vadd.f32 v22, v28  }
0x12a: {  	v24 =	vadd.f32 v7, v24;
	v15 =	vadd.f32 v30, v15;
	v28 =	vperm.xlane v14, v1  }
0x12b: {  	v29 =	vmul.f32 v7, v7;
	v26 =	vadd.f32 v6, v26;
	v27 =	vadd.f32 v23, v27  }
0x12c: {  	v24 =	vadd.f32 v9, v24;
	v30 =	vperm.xlane v15, v2;
	v14 =	vadd.f32 v28, v14  }
0x12d: {  	v13 =	vadd.f32 v29, v13;
	v28 =	vmul.f32 v6, v6;
	v26 =	vadd.f32 v8, v26  }
0x12e: {  	v15 =	vadd.f32 v30, v15;
	v29 =	vperm.xlane v14, v2;
	v30 =	vmul.f32 v23, v23  }
0x12f: {  	v25 =	vadd.f32 v28, v25;
	v28 =	vmul.f32 v9, v9;
	v52 =	vperm.xlane v26, v0  }
0x130: {  	v31 =	vperm.xlane v15, v3;
	v14 =	vadd.f32 v29, v14;
	v17 =	vadd.f32 v30, v17  }
0x131: {  	v29 =	vmul.f32 v8, v8;
	v30 =	vperm.xlane v27, v0;
	v13 =	vadd.f32 v28, v13  }
0x132: {  	v26 =	vadd.f32 v52, v26;
	v15 =	vadd.f32 v31, v15;
	v28 =	vperm.xlane v14, v3  }
0x133: {  	v31 =	vperm.xlane v24, v0;
	v27 =	vadd.f32 v30, v27;
	v30 =	vperm.xlane v17, v0  }
0x134: {  	v25 =	vadd.f32 v29, v25;
	v15 =	vmul.f32 $1.562500000e-02, v15;
	v14 =	vadd.f32 v28, v14  }
0x135: {  	v28 =	vperm.xlane v13, v0;
	v29 =	vperm.xlane v27, v1;
	v24 =	vadd.f32 v31, v24  }
0x136: {  	v53 =	vperm.xlane v25, v0;
	v17 =	vadd.f32 v30, v17;
	v14 =	vmul.f32 $1.562500000e-02, v14  }
0x137: {  	v31 =	vmul.f32 v15, v15;
	v30 =	vperm.xlane v24, v1;
	v13 =	vadd.f32 v28, v13  }
0x138: {  	v28 =	vperm.xlane v26, v1;
	v25 =	vadd.f32 v53, v25;
	v27 =	vadd.f32 v29, v27  }
0x139: {  	v14 =	vsub.f32 v14, v31;
	v31 =	vperm.xlane v17, v1;
	v24 =	vadd.f32 v30, v24  }
0x13a: {  	v29 =	vperm.xlane v13, v1;
	v26 =	vadd.f32 v28, v26;
	v28 =	vperm.xlane v25, v1  }
0x13b: {  	v30 =	vperm.xlane v27, v2;
	v14 =	vmax.f32 v14, $0.0e+00;
	v17 =	vadd.f32 v31, v17  }
0x13c: {  	v31 =	vperm.xlane v24, v2;
	v13 =	vadd.f32 v29, v13;
	v14 =	vadd.f32 $9.999999960e-13, v14  }
0x13d: {  	v29 =	vperm.xlane v26, v2;
	v25 =	vadd.f32 v28, v25;
	v27 =	vadd.f32 v30, v27  }
0x13e: {  	v30 =	vperm.xlane v17, v2;
	v54 =	vshrl.u32 v14, $0x1;
	v14 =	vmul.f32 $5.000000000e-01, v14  }
0x13f: {  	v24 =	vadd.f32 v31, v24;
	v31 =	vperm.xlane v13, v2;
	v32 =	vsub.s32 $0x5F3759DF, v54  }
0x140: {  	v33 =	vperm.xlane v27, v3;
	v26 =	vadd.f32 v29, v26;
	v28 =	vmul.f32 v32, v14  }
0x141: {  	v29 =	vperm.xlane v25, v2;
	v17 =	vadd.f32 v30, v17;
	v30 =	vperm.xlane v24, v3  }
0x142: {  	v13 =	vadd.f32 v31, v13;
	v31 =	vperm.xlane v26, v3;
	v28 =	vmul.f32 v32, v28  }
0x143: {  	v25 =	vadd.f32 v29, v25;
	v27 =	vadd.f32 v33, v27;
	v29 =	vperm.xlane v17, v3  }
0x144: {  	v24 =	vadd.f32 v30, v24;
	v30 =	vperm.xlane v13, v3;
	v28 =	vsub.f32 $1.500000000e+00, v28  }
0x145: {  	v27 =	vmul.f32 $1.562500000e-02, v27;
	v17 =	vadd.f32 v29, v17;
	v29 =	vperm.xlane v25, v3  }
0x146: {  	v26 =	vadd.f32 v31, v26;
	v55 =	vmul.f32 $1.562500000e-02, v24;
	v28 =	vmul.f32 v32, v28  }
0x147: {  	v13 =	vadd.f32 v30, v13;
	v24 =	vmul.f32 v27, v27;
	v17 =	vmul.f32 $1.562500000e-02, v17  }
0x148: {  	v30 =	vmul.f32 $1.562500000e-02, v26;
	v25 =	vadd.f32 v29, v25;
	v14 =	vmul.f32 v28, v14  }
0x149: {  	v13 =	vmul.f32 $1.562500000e-02, v13;
	v17 =	vsub.f32 v17, v24;
	v24 =	vmul.f32 v55, v55  }
0x14a: {  	v14 =	vmul.f32 v14, v28  }
0x14b: {  	v26 =	vmul.f32 v30, v30;
	v25 =	vmul.f32 $1.562500000e-02, v25;
	v13 =	vsub.f32 v13, v24  }
0x14c: {  	v14 =	vsub.f32 $1.500000000e+00, v14  }
0x14d: {  	v24 =	vsub.f32 v25, v26;
	v13 =	vmax.f32 v13, $0.0e+00  }
0x14e: {  	v17 =	vmax.f32 v17, $0.0e+00;
	v13 =	vadd.f32 $9.999999960e-13, v13;
	v25 =	vmul.f32 v14, v28  }
0x14f: {  	v14 =	vadd.f32 $9.999999960e-13, v17;
	v17 =	vmax.f32 v24, $0.0e+00  }
0x150: {  	v29 =	vmul.f32 $5.000000000e-01, v13;
	v17 =	vadd.f32 $9.999999960e-13, v17;
	v24 =	vmul.f32 v25, v15  }
0x151: {  	v15 =	vmul.f32 v25, v10;
	v10 =	vshrl.u32 v14, $0x1;
	v28 =	vmul.f32 $5.000000000e-01, v14  }
0x152: {  	v14 =	vshrl.u32 v13, $0x1;
	v26 =	vsub.s32 $0x5F3759DF, v10;
	v13 =	vshrl.u32 v17, $0x1  }
0x153: {  	v17 =	vmul.f32 $5.000000000e-01, v17;
	v10 =	vld [tilespmem:$0x19670];
	v31 =	vsub.s32 $0x5F3759DF, v14;
	v14 =	vmul.f32 v26, v28  }
0x154: {  	v13 =	vsub.s32 $0x5F3759DF, v13;
	v56 =	vmul.f32 v31, v29  }
0x155: {  	v34 =	vmul.f32 v13, v17;
	v14 =	vmul.f32 v26, v14  }
0x156: {  	v15 =	vsub.f32 v15, v24;
	v33 =	vmul.f32 v31, v56  }
0x157: {  	v34 =	vmul.f32 v13, v34;
	v35 =	vsub.f32 $1.500000000e+00, v14  }
0x158: {  	v36 =	vmul.f32 v15, v10;
	v15 =	vsub.f32 $1.500000000e+00, v33  }
0x159: {  	v57 =	vsub.f32 $1.500000000e+00, v34;
	v26 =	vmul.f32 v26, v35  }
0x15a: {  	v58 =	vmul.f32 v25, v12;
	v31 =	vmul.f32 v31, v15  }
0x15b: {  	v12 =	vld [tilespmem:$0x19650];
	v33 =	vmul.f32 v13, v57;
	v28 =	vmul.f32 v26, v28  }
0x15c: {  	v59 =	vmul.f32 v25, v11;
	v14 =	vld [tilespmem:$0x19640];
	v29 =	vmul.f32 v31, v29  }
0x15d: {  	v13 =	vld [tilespmem:$0x19660];
	v17 =	vmul.f32 v33, v17;
	v28 =	vmul.f32 v28, v26  }
0x15e: {  	v11 =	vld [tilespmem:$0x196B0];
	v25 =	vmul.f32 v25, v16;
	v35 =	vsub.f32 v59, v24;
	v29 =	vmul.f32 v29, v31  }
0x15f: {  	v16 =	vld [tilespmem:$0x19690];
	v34 =	vsub.f32 v58, v24;
	v37 =	vmul.f32 v17, v33;
	v28 =	vsub.f32 $1.500000000e+00, v28  }
0x160: {  	v15 =	vld [tilespmem:$0x19680];
	v24 =	vsub.f32 v25, v24;
	v60 =	vmul.f32 v35, v12;
	v29 =	vsub.f32 $1.500000000e+00, v29  }
0x161: {  	v25 =	vmul.f32 v34, v14;
	v17 =	vld [tilespmem:$0x196A0];
	v61 =	vsub.f32 $1.500000000e+00, v37;
	v38 =	vmul.f32 v28, v26  }
0x162: {  	v62 =	vmul.f32 v24, v13;
	v24 =	vmul.f32 v29, v31  }
0x163: {  	v36 =	vadd.f32 v36, v11;
	v26 =	vmul.f32 v61, v33;
	v27 =	vmul.f32 v38, v27  }
0x164: {  	v63 =	vadd.f32 v60, v16;
	v21 =	vmul.f32 v38, v21;
	v20 =	vmul.f32 v38, v20  }
0x165: {  	v25 =	vadd.f32 v25, v15;
	[tilespmem:s21+$0x70] =	vst v36;
	v31 =	vmul.f32 v38, v22;
	v29 =	vmul.f32 v38, v23  }
0x166: {  	[tilespmem:s21+$0x50] =	vst v63;
	v28 =	vadd.f32 v62, v17;
	v32 =	vmul.f32 v24, v18;
	v18 =	vmul.f32 v24, v19  }
0x167: {  	s28 =	simm.s32 $0x0;
	s2 =	simm.s32 $0x6BC0;
	[tilespmem:s21+$0x40] =	vst v25;
	v22 =	vsub.f32 v21, v27;
	v21 =	vmul.f32 v24, v55;
	v23 =	vsub.f32 v20, v27  }
.LBB2_5:
0x168: {  	v25 =	vld [tilespmem:s2+$0x40];
	v31 =	vsub.f32 v31, v27;
	v7 =	vmul.f32 v24, v7;
	v9 =	vmul.f32 v24, v9;
	[tilespmem:s21+$0x60] =	vst v28  }
0x169: {  	s28 =	sadd.s32 $0x4, s28;
	v40 =	vsub.f32 v29, v27;
	v28 =	vmul.f32 v26, v30;
	v4 =	vmul.f32 v26, v4;
	v24 =	vld [tilespmem:s2+$0x50]  }
0x16a: {  	v5 =	vmul.f32 v26, v5;
	v6 =	vmul.f32 v26, v6;
	p2 =	slt.u32 s28, $0x18C;
	v30 =	vsub.f32 v32, v21;
	v19 =	vld [tilespmem:s2+$0xFFFFFF90]  }
0x16b: {  	v37 =	vsub.f32 v18, v21;
	v36 =	vsub.f32 v7, v21;
	v7 =	vmul.f32 v26, v8;
	v27 =	vld [tilespmem:s2+$0x60]  }
0x16c: {  	v8 =	vmul.f32 v22, v14;
	v34 =	vsub.f32 v9, v21;
	v35 =	vsub.f32 v4, v28;
	v18 =	vld [tilespmem:s2+$0xFFFFFFC0]  }
0x16d: {  	v38 =	vmul.f32 v23, v12;
	v29 =	vsub.f32 v5, v28;
	v26 =	vsub.f32 v6, v28;
	v33 =	vld [tilespmem:s2+$0x70]  }
0x16e: {  	v9 =	vmul.f32 v25, v25;
	v20 =	vld [tilespmem:s2+$0xFFFFFFD0];
	v6 =	vadd.f32 v24, v25;
	v21 =	vmul.f32 v24, v24  }
0x16f: {  	v39 =	vmul.f32 v31, v13;
	v28 =	vsub.f32 v7, v28;
	v41 =	vmul.f32 v19, v19;
	v4 =	vld [tilespmem:s2+$0x0]  }
0x170: {  	v5 =	vld [tilespmem:s2+$0x10];
	v6 =	vadd.f32 v27, v6;
	v7 =	vadd.f32 v21, v9;
	v9 =	vmul.f32 v27, v27  }
0x171: {  	v32 =	vmul.f32 v40, v10;
	v8 =	vadd.f32 v8, v15;
	v21 =	vld [tilespmem:s2+$0xFFFFFF80];
	v42 =	vmul.f32 v18, v18  }
0x172: {  	v22 =	vld [tilespmem:s2+$0xFFFFFFA0];
	v40 =	vadd.f32 v33, v6;
	v9 =	vadd.f32 v9, v7;
	v23 =	vmul.f32 v33, v33  }
0x173: {  	v31 =	vmul.f32 v30, v14;
	v7 =	vld [tilespmem:s2+$0xFFFFFFE0];
	v43 =	vadd.f32 v20, v18;
	v44 =	vmul.f32 v20, v20;
	[tilespmem:s21+$0xFFFFFF80] =	vst v8  }
0x174: {  	v6 =	vld [tilespmem:s2+$0x20];
	v30 =	vmul.f32 v4, v4;
	v45 =	vadd.f32 v23, v9;
	v8 =	vperm.xlane v40, v0  }
0x175: {  	v23 =	vld [tilespmem:s2+$0xFFFFFFB0];
	v42 =	vadd.f32 v44, v42;
	v44 =	vadd.f32 v5, v4;
	v46 =	vmul.f32 v5, v5  }
0x176: {  	v47 =	vadd.f32 v19, v21;
	v9 =	vld [tilespmem:s2+$0xFFFFFFF0];
	v40 =	vadd.f32 v8, v40;
	v48 =	vperm.xlane v45, v0  }
0x177: {  	v49 =	vmul.f32 v21, v21;
	v50 =	vmul.f32 v22, v22;
	v8 =	vld [tilespmem:s2+$0x30];
	v30 =	vadd.f32 v46, v30  }
0x178: {  	v46 =	vadd.f32 v22, v47;
	v47 =	vperm.xlane v40, v1;
	v45 =	vadd.f32 v48, v45  }
0x179: {  	v41 =	vadd.f32 v41, v49;
	v43 =	vadd.f32 v7, v43;
	v48 =	vmul.f32 v7, v7  }
0x17a: {  	v44 =	vadd.f32 v6, v44;
	v40 =	vadd.f32 v47, v40;
	v47 =	vperm.xlane v45, v1  }
0x17b: {  	v49 =	vmul.f32 v6, v6;
	v46 =	vadd.f32 v23, v46;
	v41 =	vadd.f32 v50, v41  }
0x17c: {  	v43 =	vadd.f32 v9, v43;
	v50 =	vperm.xlane v40, v2;
	v45 =	vadd.f32 v47, v45  }
0x17d: {  	v42 =	vadd.f32 v48, v42;
	v47 =	vmul.f32 v23, v23;
	v44 =	vadd.f32 v8, v44  }
0x17e: {  	v30 =	vadd.f32 v49, v30;
	v40 =	vadd.f32 v50, v40;
	v48 =	vperm.xlane v45, v2  }
0x17f: {  	v49 =	vmul.f32 v8, v8;
	v41 =	vadd.f32 v47, v41;
	v47 =	vmul.f32 v9, v9  }
0x180: {  	v50 =	vperm.xlane v46, v0;
	v51 =	vperm.xlane v40, v3;
	v45 =	vadd.f32 v48, v45  }
0x181: {  	v30 =	vadd.f32 v49, v30;
	v42 =	vadd.f32 v47, v42;
	v47 =	vperm.xlane v43, v0  }
0x182: {  	v48 =	vperm.xlane v44, v0;
	v40 =	vadd.f32 v51, v40;
	v49 =	vperm.xlane v45, v3  }
0x183: {  	v46 =	vadd.f32 v50, v46;
	v50 =	vperm.xlane v41, v0;
	v43 =	vadd.f32 v47, v43  }
0x184: {  	v47 =	vperm.xlane v42, v0;
	v51 =	vmul.f32 $1.562500000e-02, v40;
	v40 =	vadd.f32 v49, v45  }
0x185: {  	v44 =	vadd.f32 v48, v44;
	v48 =	vperm.xlane v30, v0;
	v45 =	vperm.xlane v46, v1  }
0x186: {  	v41 =	vadd.f32 v50, v41;
	v40 =	vmul.f32 $1.562500000e-02, v40;
	v49 =	vmul.f32 v51, v51  }
0x187: {  	v50 =	vperm.xlane v43, v1;
	v42 =	vadd.f32 v47, v42;
	v47 =	vperm.xlane v44, v1  }
0x188: {  	v52 =	vperm.xlane v41, v1;
	v30 =	vadd.f32 v48, v30;
	v40 =	vsub.f32 v40, v49  }
0x189: {  	v45 =	vadd.f32 v45, v46;
	v43 =	vadd.f32 v50, v43;
	v46 =	vperm.xlane v42, v1  }
0x18a: {  	v44 =	vadd.f32 v47, v44;
	v47 =	vperm.xlane v30, v1;
	v40 =	vmax.f32 v40, $0.0e+00  }
0x18b: {  	v41 =	vadd.f32 v52, v41;
	v48 =	vperm.xlane v45, v2;
	v40 =	vadd.f32 $9.999999960e-13, v40  }
0x18c: {  	v49 =	vperm.xlane v43, v2;
	v42 =	vadd.f32 v46, v42;
	v46 =	vperm.xlane v44, v2  }
0x18d: {  	v30 =	vadd.f32 v47, v30;
	v47 =	vshrl.u32 v40, $0x1;
	v50 =	vmul.f32 $5.000000000e-01, v40  }
0x18e: {  	v40 =	vadd.f32 v48, v45;
	v45 =	vperm.xlane v41, v2;
	v47 =	vsub.s32 $0x5F3759DF, v47  }
0x18f: {  	v43 =	vadd.f32 v49, v43;
	v48 =	vperm.xlane v42, v2;
	v49 =	vmul.f32 v47, v50  }
0x190: {  	v44 =	vadd.f32 v46, v44;
	v46 =	vperm.xlane v30, v2;
	v52 =	vperm.xlane v40, v3  }
0x191: {  	v41 =	vadd.f32 v45, v41;
	v45 =	vperm.xlane v43, v3;
	v49 =	vmul.f32 v47, v49  }
0x192: {  	v46 =	vadd.f32 v46, v30;
	v42 =	vadd.f32 v48, v42;
	v48 =	vperm.xlane v44, v3  }
0x193: {  	v30 =	vadd.f32 v52, v40;
	v40 =	vperm.xlane v41, v3;
	v49 =	vsub.f32 $1.500000000e+00, v49  }
0x194: {  	v43 =	vadd.f32 v45, v43;
	v45 =	vperm.xlane v42, v3;
	v44 =	vadd.f32 v48, v44  }
0x195: {  	v52 =	vperm.xlane v46, v3;
	v48 =	vadd.f32 v40, v41;
	v47 =	vmul.f32 v47, v49  }
0x196: {  	v41 =	vmul.f32 $1.562500000e-02, v30;
	v40 =	vmul.f32 $1.562500000e-02, v43;
	v42 =	vadd.f32 v45, v42  }
0x197: {  	v30 =	vmul.f32 $1.562500000e-02, v44;
	v43 =	vadd.f32 v52, v46;
	v44 =	vmul.f32 v47, v50  }
0x198: {  	v38 =	vadd.f32 v38, v16;
	v45 =	vmul.f32 $1.562500000e-02, v48;
	v46 =	vmul.f32 v41, v41  }
0x199: {  	v39 =	vadd.f32 v39, v17;
	v42 =	vmul.f32 $1.562500000e-02, v42;
	v44 =	vmul.f32 v44, v47  }
0x19a: {  	v43 =	vmul.f32 $1.562500000e-02, v43;
	v45 =	vsub.f32 v45, v46;
	v46 =	vmul.f32 v40, v40;
	[tilespmem:s21+$0xFFFFFF90] =	vst v38  }
0x19b: {  	v37 =	vmul.f32 v37, v12;
	v38 =	vmul.f32 v30, v30;
	v44 =	vsub.f32 $1.500000000e+00, v44;
	[tilespmem:s21+$0xFFFFFFA0] =	vst v39  }
0x19c: {  	v36 =	vmul.f32 v36, v13;
	v42 =	vsub.f32 v42, v46;
	v39 =	vmax.f32 v45, $0.0e+00  }
0x19d: {  	v39 =	vadd.f32 $9.999999960e-13, v39;
	v38 =	vsub.f32 v43, v38;
	v43 =	vmul.f32 v44, v47  }
0x19e: {  	v34 =	vmul.f32 v34, v10;
	v35 =	vmul.f32 v35, v14;
	v42 =	vmax.f32 v42, $0.0e+00  }
0x19f: {  	v38 =	vmax.f32 v38, $0.0e+00;
	v44 =	vmul.f32 v43, v51;
	v33 =	vmul.f32 v43, v33  }
0x1a0: {  	v42 =	vadd.f32 $9.999999960e-13, v42;
	v45 =	vshrl.u32 v39, $0x1;
	v38 =	vadd.f32 $9.999999960e-13, v38  }
0x1a1: {  	v39 =	vmul.f32 $5.000000000e-01, v39;
	v45 =	vsub.s32 $0x5F3759DF, v45;
	v33 =	vsub.f32 v33, v44  }
0x1a2: {  	v46 =	vshrl.u32 v42, $0x1;
	v42 =	vmul.f32 $5.000000000e-01, v42;
	v47 =	vshrl.u32 v38, $0x1  }
0x1a3: {  	v46 =	vsub.s32 $0x5F3759DF, v46;
	v38 =	vmul.f32 $5.000000000e-01, v38;
	v33 =	vmul.f32 v33, v10  }
0x1a4: {  	v48 =	vmul.f32 v45, v39;
	v49 =	vmul.f32 v46, v42;
	v47 =	vsub.s32 $0x5F3759DF, v47  }
0x1a5: {  	v25 =	vmul.f32 v43, v25;
	v50 =	vmul.f32 v47, v38;
	v33 =	vadd.f32 v33, v11  }
0x1a6: {  	v32 =	vadd.f32 v32, v11;
	v48 =	vmul.f32 v45, v48;
	v49 =	vmul.f32 v46, v49  }
0x1a7: {  	v24 =	vmul.f32 v43, v24;
	v25 =	vsub.f32 v25, v44;
	v50 =	vmul.f32 v47, v50;
	[tilespmem:s2+$0x70] =	vst v33  }
0x1a8: {  	v27 =	vmul.f32 v43, v27;
	v33 =	vsub.f32 $1.500000000e+00, v48;
	v48 =	vsub.f32 $1.500000000e+00, v49;
	[tilespmem:s21+$0xFFFFFFB0] =	vst v32  }
0x1a9: {  	v29 =	vmul.f32 v29, v12;
	v24 =	vsub.f32 v24, v44;
	v32 =	vsub.f32 $1.500000000e+00, v50  }
0x1aa: {  	v27 =	vsub.f32 v27, v44;
	v33 =	vmul.f32 v45, v33;
	v43 =	vmul.f32 v46, v48  }
0x1ab: {  	v26 =	vmul.f32 v26, v13;
	v31 =	vadd.f32 v31, v15;
	v32 =	vmul.f32 v47, v32  }
0x1ac: {  	v37 =	vadd.f32 v37, v16;
	v39 =	vmul.f32 v33, v39;
	v42 =	vmul.f32 v43, v42  }
0x1ad: {  	v28 =	vmul.f32 v28, v10;
	v38 =	vmul.f32 v32, v38;
	[tilespmem:s21+$0xFFFFFFC0] =	vst v31;
	v31 =	vadd.f32 v36, v17  }
0x1ae: {  	v34 =	vadd.f32 v34, v11;
	v36 =	vmul.f32 v39, v33;
	v39 =	vmul.f32 v42, v43;
	[tilespmem:s21+$0xFFFFFFD0] =	vst v37  }
0x1af: {  	v25 =	vmul.f32 v25, v14;
	v37 =	vmul.f32 v38, v32;
	[tilespmem:s21+$0xFFFFFFE0] =	vst v31;
	v31 =	vadd.f32 v35, v15  }
0x1b0: {  	v38 =	vmul.f32 v24, v12;
	v35 =	vsub.f32 $1.500000000e+00, v36;
	v36 =	vsub.f32 $1.500000000e+00, v39;
	[tilespmem:s21+$0xFFFFFFF0] =	vst v34  }
0x1b1: {  	v34 =	vsub.f32 $1.500000000e+00, v37;
	v37 =	vmul.f32 v27, v13;
	v27 =	vadd.f32 v29, v16;
	[tilespmem:s21+$0x0] =	vst v31  }
0x1b2: {  	v29 =	vmul.f32 v35, v33;
	v24 =	vmul.f32 v36, v43;
	v31 =	vadd.f32 v26, v17  }
.Ltmp3:
0x1b3: {  	v25 =	vadd.f32 v25, v15;
	v26 =	vmul.f32 v34, v32;
	v32 =	vadd.f32 v28, v11;
	[tilespmem:s21+$0x10] =	vst v27;
	(pc) =	sbr.rel @p2 .LBB2_5-.Ltmp3, $4  }
0x1b4: {  	v33 =	vadd.f32 v38, v16;
	v27 =	vmul.f32 v29, v41;
	v21 =	vmul.f32 v29, v21;
	[tilespmem:s21+$0x20] =	vst v31  }
0x1b5: {  	v28 =	vadd.f32 v37, v17;
	v19 =	vmul.f32 v29, v19;
	v31 =	vmul.f32 v29, v22;
	[tilespmem:s21+$0x30] =	vst v32;
	s21 =	smov.u32 s2  }
0x1b6: {  	v29 =	vmul.f32 v29, v23;
	v22 =	vsub.f32 v21, v27;
	v21 =	vmul.f32 v24, v40;
	[tilespmem:s2+$0x40] =	vst v25  }
0x1b7: {  	v23 =	vsub.f32 v19, v27;
	v32 =	vmul.f32 v24, v18;
	v18 =	vmul.f32 v24, v20;
	s2 =	sadd.s32 $0x100, s2;
	[tilespmem:s21+$0x50] =	vst v33  }
0x1b8: {  	v7 =	vmul.f32 v24, v7  }
0x1b9: {  	v9 =	vmul.f32 v24, v9;
	v20 =	vmul.f32 v26, v30  }
0x1ba: {  	v4 =	vmul.f32 v26, v4;
	v5 =	vmul.f32 v26, v5  }
0x1bb: {  	v19 =	vsub.f32 v31, v27;
	v22 =	vmul.f32 v22, v14;
	v6 =	vmul.f32 v26, v6  }
0x1bc: {  	v24 =	vsub.f32 v29, v27;
	v8 =	vmul.f32 v26, v8;
	v23 =	vmul.f32 v23, v12  }
0x1bd: {  	v18 =	vsub.f32 v18, v21;
	v19 =	vmul.f32 v19, v13;
	v22 =	vadd.f32 v22, v15  }
0x1be: {  	[tilespmem:s21+$0x60] =	vst v28;
	v25 =	vsub.f32 v32, v21;
	v24 =	vmul.f32 v24, v10;
	v23 =	vadd.f32 v23, v16  }
0x1bf: {  	v7 =	vsub.f32 v7, v21;
	v18 =	vmul.f32 v18, v12;
	[tilespmem:s21+$0xFFFFFF80] =	vst v22;
	v19 =	vadd.f32 v19, v17  }
0x1c0: {  	v9 =	vsub.f32 v9, v21;
	v22 =	vmul.f32 v25, v14;
	v21 =	vadd.f32 v24, v11;
	[tilespmem:s21+$0xFFFFFF90] =	vst v23  }
0x1c1: {  	v4 =	vsub.f32 v4, v20;
	v7 =	vmul.f32 v7, v13;
	v18 =	vadd.f32 v18, v16;
	[tilespmem:s21+$0xFFFFFFA0] =	vst v19  }
0x1c2: {  	v5 =	vsub.f32 v5, v20;
	v9 =	vmul.f32 v9, v10;
	v19 =	vadd.f32 v22, v15;
	[tilespmem:s21+$0xFFFFFFB0] =	vst v21  }
0x1c3: {  	v6 =	vsub.f32 v6, v20;
	v4 =	vmul.f32 v4, v14;
	v7 =	vadd.f32 v7, v17;
	[tilespmem:s21+$0xFFFFFFD0] =	vst v18  }
0x1c4: {  	v8 =	vsub.f32 v8, v20;
	v5 =	vmul.f32 v5, v12;
	v9 =	vadd.f32 v9, v11;
	[tilespmem:s21+$0xFFFFFFC0] =	vst v19  }
0x1c5: {  	s2 =	sor.u32 $0x1, s8;
	v6 =	vmul.f32 v6, v13;
	v4 =	vadd.f32 v4, v15;
	[tilespmem:s21+$0xFFFFFFE0] =	vst v7  }
0x1c6: {  	s28 =	smul.u32 $0xC80, s2;
	v5 =	vadd.f32 v5, v16;
	v7 =	vmul.f32 v8, v10;
	[tilespmem:s21+$0xFFFFFFF0] =	vst v9  }
0x1c7: {  	s2 =	smul.u32 $0x6400, s2;
	[tilespmem:s21+$0x0] =	vst v4;
	v4 =	vadd.f32 v6, v17  }
0x1c8: {  	[tilespmem:s21+$0x10] =	vst v5;
	v5 =	vadd.f32 v7, v11  }
0x1c9: {  	s2 =	sshrl.u32 s2, $0x3;
	[tilespmem:s21+$0x20] =	vst v4  }
0x1ca: {  	s2 =	sadd.s32 s4, s2;
	[tilespmem:s21+$0x30] =	vst v5;
	s21 =	sadd.s32 s4, s28  }
0x1cb: {  	[hbm4b:s21+s5] =	stream.linear.scatter [tilespmem:s24], [sflag:$0xA], $0x3200, $0x38;
	[tilespmem:$0x196C0] =	vst v63  }
0x1cc: {  	s2 =	sadd.s32 $0x640, s2;
	s21 =	simm.s32 $0x9C40  }
0x1cd: {  	[hbm4b:s2+s5] =	stream.linear.scatter [tilespmem:s21], [sflag:$0xA], $0x3200, $0x38;
	[tilespmem:$0x196C0] =	vst v63  }
0x1ce: {  	s2 =	simm.s32 @!p1 $0xC  }
0x1cf: {  	_ =	swait.ge @!p1 [sflag:s2], $0x3200  }
0x1d0: {  	[sflag:s2] =	ssyncset.done @!p1 $0x0  }
0x1d1: {  	[sflag:s2] =	ssyncadd.s32 @!p1 $0xFFFFCE00  }
0x1d2: {  	_ =	swait.ge @!p1 [sflag:s2], $0x3200  }
0x1d3: {  	[sflag:s2] =	ssyncset.done @!p1 $0x0  }
0x1d4: {  	[sflag:s2] =	ssyncadd.s32 @!p1 $0xFFFFCE00  }
0x1d5: {  	_ =	swait.ge [sflag:s0], $0x190  }
0x1d6: {  	[sflag:s0] =	ssyncset.done $0x0  }
0x1d7: {  	s2 =	sadd.s32 @!p0 s18, s13;
	[sflag:s0] =	ssyncadd.s32 $0xFFFFFE70  }
0x1d8: {  	[tilespmem:s1], [sflag:$0x8] =	stream.indirect.gather [hbm4b:s7+s19], $0x40, s26, s19, $0xb8;
	[tilespmem:$0x196C0] =	vst v63  }
0x1d9: {  	s2 =	smul.u32 @!p0 $0x32, s2;
	_ =	swait.ge [sflag:s3], $0x6400  }
0x1da: {  	s28 =	simm.s32 @!p0 $0x190;
	[sflag:s3] =	ssyncset.done $0x0  }
0x1db: {  	s21 =	simm.s32 @!p0 $0x0;
	s2 =	sadd.s32 @!p0 s6, s2;
	[sflag:s3] =	ssyncadd.s32 $0xFFFF9C00  }
0x1dc: {  	[tilespmem:s28], [sflag:$0x2] =	stream.linear.gather @!p0 [hbm4b:s2+s21], $0x190, $0x38;
	[tilespmem:$0x196C0] =	vst v63  }
0x1dd: {  	s21 =	simm.s32 $0xCEC0  }
0x1de: {  	v12 =	vld [tilespmem:s21+$0x40]  }
0x1df: {  	v11 =	vld [tilespmem:s21+$0x50]  }
0x1e0: {  	v16 =	vld [tilespmem:s21+$0x60]  }
0x1e1: {  	v20 =	vld [tilespmem:s21+$0xFFFFFF90]  }
0x1e2: {  	v18 =	vld [tilespmem:s21+$0xFFFFFFC0]  }
0x1e3: {  	v19 =	vld [tilespmem:s21+$0xFFFFFFD0]  }
0x1e4: {  	v10 =	vld [tilespmem:s21+$0x70]  }
0x1e5: {  	v21 =	vld [tilespmem:s21+$0xFFFFFF80];
	v5 =	vadd.f32 v11, v12;
	v6 =	vmul.f32 v12, v12;
	v7 =	vmul.f32 v11, v11  }
0x1e6: {  	v4 =	vld [tilespmem:s21+$0x0]  }
0x1e7: {  	v22 =	vld [tilespmem:s21+$0xFFFFFFA0];
	v8 =	vadd.f32 v16, v5;
	v6 =	vadd.f32 v7, v6;
	v7 =	vmul.f32 v16, v16  }
0x1e8: {  	v9 =	vmul.f32 v18, v18;
	v13 =	vmul.f32 v19, v19  }
0x1e9: {  	v5 =	vld [tilespmem:s21+$0x10];
	v8 =	vadd.f32 v10, v8;
	v6 =	vadd.f32 v7, v6;
	v7 =	vmul.f32 v10, v10  }
0x1ea: {  	v17 =	vmul.f32 v20, v20;
	v29 =	vmul.f32 v21, v21  }
0x1eb: {  	v23 =	vld [tilespmem:s21+$0xFFFFFFB0];
	v24 =	vadd.f32 v19, v18;
	v14 =	vadd.f32 v7, v6;
	v15 =	vperm.xlane v8, v0  }
0x1ec: {  	v25 =	vmul.f32 v4, v4;
	v31 =	vmul.f32 v22, v22;
	v17 =	vadd.f32 v17, v29;
	v7 =	vld [tilespmem:s21+$0xFFFFFFE0]  }
0x1ed: {  	v28 =	vadd.f32 v20, v21;
	v6 =	vld [tilespmem:s21+$0x20];
	v15 =	vadd.f32 v15, v8;
	v8 =	vperm.xlane v14, v0  }
0x1ee: {  	v13 =	vadd.f32 v13, v9;
	v9 =	vld [tilespmem:s21+$0xFFFFFFF0];
	v17 =	vadd.f32 v31, v17;
	v27 =	vmul.f32 v5, v5  }
0x1ef: {  	v26 =	vadd.f32 v5, v4;
	v30 =	vperm.xlane v15, v1;
	v14 =	vadd.f32 v8, v14;
	v8 =	vld [tilespmem:s21+$0x30]  }
0x1f0: {  	v25 =	vadd.f32 v27, v25;
	v27 =	vadd.f32 v22, v28  }
0x1f1: {  	v24 =	vadd.f32 v7, v24;
	v15 =	vadd.f32 v30, v15;
	v28 =	vperm.xlane v14, v1  }
0x1f2: {  	v29 =	vmul.f32 v7, v7;
	v26 =	vadd.f32 v6, v26;
	v27 =	vadd.f32 v23, v27  }
0x1f3: {  	v24 =	vadd.f32 v9, v24;
	v30 =	vperm.xlane v15, v2;
	v14 =	vadd.f32 v28, v14  }
0x1f4: {  	v13 =	vadd.f32 v29, v13;
	v28 =	vmul.f32 v6, v6;
	v26 =	vadd.f32 v8, v26  }
0x1f5: {  	v15 =	vadd.f32 v30, v15;
	v29 =	vperm.xlane v14, v2;
	v30 =	vmul.f32 v23, v23  }
0x1f6: {  	v25 =	vadd.f32 v28, v25;
	v28 =	vmul.f32 v9, v9;
	v52 =	vperm.xlane v26, v0  }
0x1f7: {  	v31 =	vperm.xlane v15, v3;
	v14 =	vadd.f32 v29, v14;
	v17 =	vadd.f32 v30, v17  }
0x1f8: {  	v29 =	vmul.f32 v8, v8;
	v30 =	vperm.xlane v27, v0;
	v13 =	vadd.f32 v28, v13  }
0x1f9: {  	v26 =	vadd.f32 v52, v26;
	v15 =	vadd.f32 v31, v15;
	v28 =	vperm.xlane v14, v3  }
0x1fa: {  	v31 =	vperm.xlane v24, v0;
	v27 =	vadd.f32 v30, v27;
	v30 =	vperm.xlane v17, v0  }
0x1fb: {  	v25 =	vadd.f32 v29, v25;
	v15 =	vmul.f32 $1.562500000e-02, v15;
	v14 =	vadd.f32 v28, v14  }
0x1fc: {  	v28 =	vperm.xlane v13, v0;
	v29 =	vperm.xlane v27, v1;
	v24 =	vadd.f32 v31, v24  }
0x1fd: {  	v53 =	vperm.xlane v25, v0;
	v17 =	vadd.f32 v30, v17;
	v14 =	vmul.f32 $1.562500000e-02, v14  }
0x1fe: {  	v31 =	vmul.f32 v15, v15;
	v30 =	vperm.xlane v24, v1;
	v13 =	vadd.f32 v28, v13  }
0x1ff: {  	v28 =	vperm.xlane v26, v1;
	v25 =	vadd.f32 v53, v25;
	v27 =	vadd.f32 v29, v27  }
0x200: {  	v14 =	vsub.f32 v14, v31;
	v31 =	vperm.xlane v17, v1;
	v24 =	vadd.f32 v30, v24  }
0x201: {  	v29 =	vperm.xlane v13, v1;
	v26 =	vadd.f32 v28, v26;
	v28 =	vperm.xlane v25, v1  }
0x202: {  	v30 =	vperm.xlane v27, v2;
	v14 =	vmax.f32 v14, $0.0e+00;
	v17 =	vadd.f32 v31, v17  }
0x203: {  	v31 =	vperm.xlane v24, v2;
	v13 =	vadd.f32 v29, v13;
	v14 =	vadd.f32 $9.999999960e-13, v14  }
0x204: {  	v29 =	vperm.xlane v26, v2;
	v25 =	vadd.f32 v28, v25;
	v27 =	vadd.f32 v30, v27  }
0x205: {  	v30 =	vperm.xlane v17, v2;
	v54 =	vshrl.u32 v14, $0x1;
	v14 =	vmul.f32 $5.000000000e-01, v14  }
0x206: {  	v24 =	vadd.f32 v31, v24;
	v31 =	vperm.xlane v13, v2;
	v32 =	vsub.s32 $0x5F3759DF, v54  }
0x207: {  	v33 =	vperm.xlane v27, v3;
	v26 =	vadd.f32 v29, v26;
	v28 =	vmul.f32 v32, v14  }
0x208: {  	v29 =	vperm.xlane v25, v2;
	v17 =	vadd.f32 v30, v17;
	v30 =	vperm.xlane v24, v3  }
0x209: {  	v13 =	vadd.f32 v31, v13;
	v31 =	vperm.xlane v26, v3;
	v28 =	vmul.f32 v32, v28  }
0x20a: {  	v25 =	vadd.f32 v29, v25;
	v27 =	vadd.f32 v33, v27;
	v29 =	vperm.xlane v17, v3  }
0x20b: {  	v24 =	vadd.f32 v30, v24;
	v30 =	vperm.xlane v13, v3;
	v28 =	vsub.f32 $1.500000000e+00, v28  }
0x20c: {  	v27 =	vmul.f32 $1.562500000e-02, v27;
	v17 =	vadd.f32 v29, v17;
	v29 =	vperm.xlane v25, v3  }
0x20d: {  	v26 =	vadd.f32 v31, v26;
	v55 =	vmul.f32 $1.562500000e-02, v24;
	v28 =	vmul.f32 v32, v28  }
0x20e: {  	v13 =	vadd.f32 v30, v13;
	v24 =	vmul.f32 v27, v27;
	v17 =	vmul.f32 $1.562500000e-02, v17  }
0x20f: {  	v30 =	vmul.f32 $1.562500000e-02, v26;
	v25 =	vadd.f32 v29, v25;
	v14 =	vmul.f32 v28, v14  }
0x210: {  	v13 =	vmul.f32 $1.562500000e-02, v13;
	v17 =	vsub.f32 v17, v24;
	v24 =	vmul.f32 v55, v55  }
0x211: {  	v14 =	vmul.f32 v14, v28  }
0x212: {  	v26 =	vmul.f32 v30, v30;
	v25 =	vmul.f32 $1.562500000e-02, v25;
	v13 =	vsub.f32 v13, v24  }
0x213: {  	v14 =	vsub.f32 $1.500000000e+00, v14  }
0x214: {  	v24 =	vsub.f32 v25, v26;
	v13 =	vmax.f32 v13, $0.0e+00  }
0x215: {  	v17 =	vmax.f32 v17, $0.0e+00;
	v13 =	vadd.f32 $9.999999960e-13, v13;
	v25 =	vmul.f32 v14, v28  }
0x216: {  	v14 =	vadd.f32 $9.999999960e-13, v17;
	v17 =	vmax.f32 v24, $0.0e+00  }
0x217: {  	v29 =	vmul.f32 $5.000000000e-01, v13;
	v17 =	vadd.f32 $9.999999960e-13, v17;
	v24 =	vmul.f32 v25, v15  }
0x218: {  	v15 =	vmul.f32 v25, v10;
	v10 =	vshrl.u32 v14, $0x1;
	v28 =	vmul.f32 $5.000000000e-01, v14  }
0x219: {  	v14 =	vshrl.u32 v13, $0x1;
	v26 =	vsub.s32 $0x5F3759DF, v10;
	v13 =	vshrl.u32 v17, $0x1  }
0x21a: {  	v17 =	vmul.f32 $5.000000000e-01, v17;
	v10 =	vld [tilespmem:$0x19670];
	v31 =	vsub.s32 $0x5F3759DF, v14;
	v14 =	vmul.f32 v26, v28  }
0x21b: {  	v13 =	vsub.s32 $0x5F3759DF, v13;
	v56 =	vmul.f32 v31, v29  }
0x21c: {  	v34 =	vmul.f32 v13, v17;
	v14 =	vmul.f32 v26, v14  }
0x21d: {  	v15 =	vsub.f32 v15, v24;
	v33 =	vmul.f32 v31, v56  }
0x21e: {  	v34 =	vmul.f32 v13, v34;
	v35 =	vsub.f32 $1.500000000e+00, v14  }
0x21f: {  	v36 =	vmul.f32 v15, v10;
	v15 =	vsub.f32 $1.500000000e+00, v33  }
0x220: {  	v57 =	vsub.f32 $1.500000000e+00, v34;
	v26 =	vmul.f32 v26, v35  }
0x221: {  	v58 =	vmul.f32 v25, v12;
	v31 =	vmul.f32 v31, v15  }
0x222: {  	v12 =	vld [tilespmem:$0x19650];
	v33 =	vmul.f32 v13, v57;
	v28 =	vmul.f32 v26, v28  }
0x223: {  	v59 =	vmul.f32 v25, v11;
	v14 =	vld [tilespmem:$0x19640];
	v29 =	vmul.f32 v31, v29  }
0x224: {  	v13 =	vld [tilespmem:$0x19660];
	v17 =	vmul.f32 v33, v17;
	v28 =	vmul.f32 v28, v26  }
0x225: {  	v11 =	vld [tilespmem:$0x196B0];
	v25 =	vmul.f32 v25, v16;
	v35 =	vsub.f32 v59, v24;
	v29 =	vmul.f32 v29, v31  }
0x226: {  	v16 =	vld [tilespmem:$0x19690];
	v34 =	vsub.f32 v58, v24;
	v37 =	vmul.f32 v17, v33;
	v28 =	vsub.f32 $1.500000000e+00, v28  }
0x227: {  	v15 =	vld [tilespmem:$0x19680];
	v24 =	vsub.f32 v25, v24;
	v60 =	vmul.f32 v35, v12;
	v29 =	vsub.f32 $1.500000000e+00, v29  }
0x228: {  	v25 =	vmul.f32 v34, v14;
	v17 =	vld [tilespmem:$0x196A0];
	v61 =	vsub.f32 $1.500000000e+00, v37;
	v38 =	vmul.f32 v28, v26  }
0x229: {  	v62 =	vmul.f32 v24, v13;
	v24 =	vmul.f32 v29, v31  }
0x22a: {  	v36 =	vadd.f32 v36, v11;
	v26 =	vmul.f32 v61, v33;
	v27 =	vmul.f32 v38, v27  }
0x22b: {  	v63 =	vadd.f32 v60, v16;
	v21 =	vmul.f32 v38, v21;
	v20 =	vmul.f32 v38, v20  }
0x22c: {  	v25 =	vadd.f32 v25, v15;
	[tilespmem:s21+$0x70] =	vst v36;
	v31 =	vmul.f32 v38, v22;
	v29 =	vmul.f32 v38, v23  }
0x22d: {  	[tilespmem:s21+$0x50] =	vst v63;
	v28 =	vadd.f32 v62, v17;
	v32 =	vmul.f32 v24, v18;
	v18 =	vmul.f32 v24, v19  }
0x22e: {  	s28 =	simm.s32 $0x0;
	s2 =	simm.s32 $0xCFC0;
	[tilespmem:s21+$0x40] =	vst v25;
	v22 =	vsub.f32 v21, v27;
	v21 =	vmul.f32 v24, v55;
	v23 =	vsub.f32 v20, v27  }
.LBB2_7:
0x22f: {  	v25 =	vld [tilespmem:s2+$0x40];
	v31 =	vsub.f32 v31, v27;
	v7 =	vmul.f32 v24, v7;
	v9 =	vmul.f32 v24, v9;
	[tilespmem:s21+$0x60] =	vst v28  }
0x230: {  	s28 =	sadd.s32 $0x4, s28;
	v40 =	vsub.f32 v29, v27;
	v28 =	vmul.f32 v26, v30;
	v4 =	vmul.f32 v26, v4;
	v24 =	vld [tilespmem:s2+$0x50]  }
0x231: {  	v5 =	vmul.f32 v26, v5;
	v6 =	vmul.f32 v26, v6;
	p1 =	slt.u32 s28, $0x18C;
	v30 =	vsub.f32 v32, v21;
	v19 =	vld [tilespmem:s2+$0xFFFFFF90]  }
0x232: {  	v37 =	vsub.f32 v18, v21;
	v36 =	vsub.f32 v7, v21;
	v7 =	vmul.f32 v26, v8;
	v27 =	vld [tilespmem:s2+$0x60]  }
0x233: {  	v8 =	vmul.f32 v22, v14;
	v34 =	vsub.f32 v9, v21;
	v35 =	vsub.f32 v4, v28;
	v18 =	vld [tilespmem:s2+$0xFFFFFFC0]  }
0x234: {  	v38 =	vmul.f32 v23, v12;
	v29 =	vsub.f32 v5, v28;
	v26 =	vsub.f32 v6, v28;
	v33 =	vld [tilespmem:s2+$0x70]  }
0x235: {  	v9 =	vmul.f32 v25, v25;
	v20 =	vld [tilespmem:s2+$0xFFFFFFD0];
	v6 =	vadd.f32 v24, v25;
	v21 =	vmul.f32 v24, v24  }
0x236: {  	v39 =	vmul.f32 v31, v13;
	v28 =	vsub.f32 v7, v28;
	v41 =	vmul.f32 v19, v19;
	v4 =	vld [tilespmem:s2+$0x0]  }
0x237: {  	v5 =	vld [tilespmem:s2+$0x10];
	v6 =	vadd.f32 v27, v6;
	v7 =	vadd.f32 v21, v9;
	v9 =	vmul.f32 v27, v27  }
0x238: {  	v32 =	vmul.f32 v40, v10;
	v8 =	vadd.f32 v8, v15;
	v21 =	vld [tilespmem:s2+$0xFFFFFF80];
	v42 =	vmul.f32 v18, v18  }
0x239: {  	v22 =	vld [tilespmem:s2+$0xFFFFFFA0];
	v40 =	vadd.f32 v33, v6;
	v9 =	vadd.f32 v9, v7;
	v23 =	vmul.f32 v33, v33  }
0x23a: {  	v31 =	vmul.f32 v30, v14;
	v7 =	vld [tilespmem:s2+$0xFFFFFFE0];
	v43 =	vadd.f32 v20, v18;
	v44 =	vmul.f32 v20, v20;
	[tilespmem:s21+$0xFFFFFF80] =	vst v8  }
0x23b: {  	v6 =	vld [tilespmem:s2+$0x20];
	v30 =	vmul.f32 v4, v4;
	v45 =	vadd.f32 v23, v9;
	v8 =	vperm.xlane v40, v0  }
0x23c: {  	v23 =	vld [tilespmem:s2+$0xFFFFFFB0];
	v42 =	vadd.f32 v44, v42;
	v44 =	vadd.f32 v5, v4;
	v46 =	vmul.f32 v5, v5  }
0x23d: {  	v47 =	vadd.f32 v19, v21;
	v9 =	vld [tilespmem:s2+$0xFFFFFFF0];
	v40 =	vadd.f32 v8, v40;
	v48 =	vperm.xlane v45, v0  }
0x23e: {  	v49 =	vmul.f32 v21, v21;
	v50 =	vmul.f32 v22, v22;
	v8 =	vld [tilespmem:s2+$0x30];
	v30 =	vadd.f32 v46, v30  }
0x23f: {  	v46 =	vadd.f32 v22, v47;
	v47 =	vperm.xlane v40, v1;
	v45 =	vadd.f32 v48, v45  }
0x240: {  	v41 =	vadd.f32 v41, v49;
	v43 =	vadd.f32 v7, v43;
	v48 =	vmul.f32 v7, v7  }
0x241: {  	v44 =	vadd.f32 v6, v44;
	v40 =	vadd.f32 v47, v40;
	v47 =	vperm.xlane v45, v1  }
0x242: {  	v49 =	vmul.f32 v6, v6;
	v46 =	vadd.f32 v23, v46;
	v41 =	vadd.f32 v50, v41  }
0x243: {  	v43 =	vadd.f32 v9, v43;
	v50 =	vperm.xlane v40, v2;
	v45 =	vadd.f32 v47, v45  }
0x244: {  	v42 =	vadd.f32 v48, v42;
	v47 =	vmul.f32 v23, v23;
	v44 =	vadd.f32 v8, v44  }
0x245: {  	v30 =	vadd.f32 v49, v30;
	v40 =	vadd.f32 v50, v40;
	v48 =	vperm.xlane v45, v2  }
0x246: {  	v49 =	vmul.f32 v8, v8;
	v41 =	vadd.f32 v47, v41;
	v47 =	vmul.f32 v9, v9  }
0x247: {  	v50 =	vperm.xlane v46, v0;
	v51 =	vperm.xlane v40, v3;
	v45 =	vadd.f32 v48, v45  }
0x248: {  	v30 =	vadd.f32 v49, v30;
	v42 =	vadd.f32 v47, v42;
	v47 =	vperm.xlane v43, v0  }
0x249: {  	v48 =	vperm.xlane v44, v0;
	v40 =	vadd.f32 v51, v40;
	v49 =	vperm.xlane v45, v3  }
0x24a: {  	v46 =	vadd.f32 v50, v46;
	v50 =	vperm.xlane v41, v0;
	v43 =	vadd.f32 v47, v43  }
0x24b: {  	v47 =	vperm.xlane v42, v0;
	v51 =	vmul.f32 $1.562500000e-02, v40;
	v40 =	vadd.f32 v49, v45  }
0x24c: {  	v44 =	vadd.f32 v48, v44;
	v48 =	vperm.xlane v30, v0;
	v45 =	vperm.xlane v46, v1  }
0x24d: {  	v41 =	vadd.f32 v50, v41;
	v40 =	vmul.f32 $1.562500000e-02, v40;
	v49 =	vmul.f32 v51, v51  }
0x24e: {  	v50 =	vperm.xlane v43, v1;
	v42 =	vadd.f32 v47, v42;
	v47 =	vperm.xlane v44, v1  }
0x24f: {  	v52 =	vperm.xlane v41, v1;
	v30 =	vadd.f32 v48, v30;
	v40 =	vsub.f32 v40, v49  }
0x250: {  	v45 =	vadd.f32 v45, v46;
	v43 =	vadd.f32 v50, v43;
	v46 =	vperm.xlane v42, v1  }
0x251: {  	v44 =	vadd.f32 v47, v44;
	v47 =	vperm.xlane v30, v1;
	v40 =	vmax.f32 v40, $0.0e+00  }
0x252: {  	v41 =	vadd.f32 v52, v41;
	v48 =	vperm.xlane v45, v2;
	v40 =	vadd.f32 $9.999999960e-13, v40  }
0x253: {  	v49 =	vperm.xlane v43, v2;
	v42 =	vadd.f32 v46, v42;
	v46 =	vperm.xlane v44, v2  }
0x254: {  	v30 =	vadd.f32 v47, v30;
	v47 =	vshrl.u32 v40, $0x1;
	v50 =	vmul.f32 $5.000000000e-01, v40  }
0x255: {  	v40 =	vadd.f32 v48, v45;
	v45 =	vperm.xlane v41, v2;
	v47 =	vsub.s32 $0x5F3759DF, v47  }
0x256: {  	v43 =	vadd.f32 v49, v43;
	v48 =	vperm.xlane v42, v2;
	v49 =	vmul.f32 v47, v50  }
0x257: {  	v44 =	vadd.f32 v46, v44;
	v46 =	vperm.xlane v30, v2;
	v52 =	vperm.xlane v40, v3  }
0x258: {  	v41 =	vadd.f32 v45, v41;
	v45 =	vperm.xlane v43, v3;
	v49 =	vmul.f32 v47, v49  }
0x259: {  	v46 =	vadd.f32 v46, v30;
	v42 =	vadd.f32 v48, v42;
	v48 =	vperm.xlane v44, v3  }
0x25a: {  	v30 =	vadd.f32 v52, v40;
	v40 =	vperm.xlane v41, v3;
	v49 =	vsub.f32 $1.500000000e+00, v49  }
0x25b: {  	v43 =	vadd.f32 v45, v43;
	v45 =	vperm.xlane v42, v3;
	v44 =	vadd.f32 v48, v44  }
0x25c: {  	v52 =	vperm.xlane v46, v3;
	v48 =	vadd.f32 v40, v41;
	v47 =	vmul.f32 v47, v49  }
0x25d: {  	v41 =	vmul.f32 $1.562500000e-02, v30;
	v40 =	vmul.f32 $1.562500000e-02, v43;
	v42 =	vadd.f32 v45, v42  }
0x25e: {  	v30 =	vmul.f32 $1.562500000e-02, v44;
	v43 =	vadd.f32 v52, v46;
	v44 =	vmul.f32 v47, v50  }
0x25f: {  	v38 =	vadd.f32 v38, v16;
	v45 =	vmul.f32 $1.562500000e-02, v48;
	v46 =	vmul.f32 v41, v41  }
0x260: {  	v39 =	vadd.f32 v39, v17;
	v42 =	vmul.f32 $1.562500000e-02, v42;
	v44 =	vmul.f32 v44, v47  }
0x261: {  	v43 =	vmul.f32 $1.562500000e-02, v43;
	v45 =	vsub.f32 v45, v46;
	v46 =	vmul.f32 v40, v40;
	[tilespmem:s21+$0xFFFFFF90] =	vst v38  }
0x262: {  	v37 =	vmul.f32 v37, v12;
	v38 =	vmul.f32 v30, v30;
	v44 =	vsub.f32 $1.500000000e+00, v44;
	[tilespmem:s21+$0xFFFFFFA0] =	vst v39  }
0x263: {  	v36 =	vmul.f32 v36, v13;
	v42 =	vsub.f32 v42, v46;
	v39 =	vmax.f32 v45, $0.0e+00  }
0x264: {  	v39 =	vadd.f32 $9.999999960e-13, v39;
	v38 =	vsub.f32 v43, v38;
	v43 =	vmul.f32 v44, v47  }
0x265: {  	v34 =	vmul.f32 v34, v10;
	v35 =	vmul.f32 v35, v14;
	v42 =	vmax.f32 v42, $0.0e+00  }
0x266: {  	v38 =	vmax.f32 v38, $0.0e+00;
	v44 =	vmul.f32 v43, v51;
	v33 =	vmul.f32 v43, v33  }
0x267: {  	v42 =	vadd.f32 $9.999999960e-13, v42;
	v45 =	vshrl.u32 v39, $0x1;
	v38 =	vadd.f32 $9.999999960e-13, v38  }
0x268: {  	v39 =	vmul.f32 $5.000000000e-01, v39;
	v45 =	vsub.s32 $0x5F3759DF, v45;
	v33 =	vsub.f32 v33, v44  }
0x269: {  	v46 =	vshrl.u32 v42, $0x1;
	v42 =	vmul.f32 $5.000000000e-01, v42;
	v47 =	vshrl.u32 v38, $0x1  }
0x26a: {  	v46 =	vsub.s32 $0x5F3759DF, v46;
	v38 =	vmul.f32 $5.000000000e-01, v38;
	v33 =	vmul.f32 v33, v10  }
0x26b: {  	v48 =	vmul.f32 v45, v39;
	v49 =	vmul.f32 v46, v42;
	v47 =	vsub.s32 $0x5F3759DF, v47  }
0x26c: {  	v25 =	vmul.f32 v43, v25;
	v50 =	vmul.f32 v47, v38;
	v33 =	vadd.f32 v33, v11  }
0x26d: {  	v32 =	vadd.f32 v32, v11;
	v48 =	vmul.f32 v45, v48;
	v49 =	vmul.f32 v46, v49  }
0x26e: {  	v24 =	vmul.f32 v43, v24;
	v25 =	vsub.f32 v25, v44;
	v50 =	vmul.f32 v47, v50;
	[tilespmem:s2+$0x70] =	vst v33  }
0x26f: {  	v27 =	vmul.f32 v43, v27;
	v33 =	vsub.f32 $1.500000000e+00, v48;
	v48 =	vsub.f32 $1.500000000e+00, v49;
	[tilespmem:s21+$0xFFFFFFB0] =	vst v32  }
0x270: {  	v29 =	vmul.f32 v29, v12;
	v24 =	vsub.f32 v24, v44;
	v32 =	vsub.f32 $1.500000000e+00, v50  }
0x271: {  	v27 =	vsub.f32 v27, v44;
	v33 =	vmul.f32 v45, v33;
	v43 =	vmul.f32 v46, v48  }
0x272: {  	v26 =	vmul.f32 v26, v13;
	v31 =	vadd.f32 v31, v15;
	v32 =	vmul.f32 v47, v32  }
0x273: {  	v37 =	vadd.f32 v37, v16;
	v39 =	vmul.f32 v33, v39;
	v42 =	vmul.f32 v43, v42  }
0x274: {  	v28 =	vmul.f32 v28, v10;
	v38 =	vmul.f32 v32, v38;
	[tilespmem:s21+$0xFFFFFFC0] =	vst v31;
	v31 =	vadd.f32 v36, v17  }
0x275: {  	v34 =	vadd.f32 v34, v11;
	v36 =	vmul.f32 v39, v33;
	v39 =	vmul.f32 v42, v43;
	[tilespmem:s21+$0xFFFFFFD0] =	vst v37  }
0x276: {  	v25 =	vmul.f32 v25, v14;
	v37 =	vmul.f32 v38, v32;
	[tilespmem:s21+$0xFFFFFFE0] =	vst v31;
	v31 =	vadd.f32 v35, v15  }
0x277: {  	v38 =	vmul.f32 v24, v12;
	v35 =	vsub.f32 $1.500000000e+00, v36;
	v36 =	vsub.f32 $1.500000000e+00, v39;
	[tilespmem:s21+$0xFFFFFFF0] =	vst v34  }
0x278: {  	v34 =	vsub.f32 $1.500000000e+00, v37;
	v37 =	vmul.f32 v27, v13;
	v27 =	vadd.f32 v29, v16;
	[tilespmem:s21+$0x0] =	vst v31  }
0x279: {  	v29 =	vmul.f32 v35, v33;
	v24 =	vmul.f32 v36, v43;
	v31 =	vadd.f32 v26, v17  }
.Ltmp4:
0x27a: {  	v25 =	vadd.f32 v25, v15;
	v26 =	vmul.f32 v34, v32;
	v32 =	vadd.f32 v28, v11;
	[tilespmem:s21+$0x10] =	vst v27;
	(pc) =	sbr.rel @p1 .LBB2_7-.Ltmp4, $4  }
0x27b: {  	v33 =	vadd.f32 v38, v16;
	v27 =	vmul.f32 v29, v41;
	v21 =	vmul.f32 v29, v21;
	[tilespmem:s21+$0x20] =	vst v31  }
0x27c: {  	v28 =	vadd.f32 v37, v17;
	v19 =	vmul.f32 v29, v19;
	v31 =	vmul.f32 v29, v22;
	[tilespmem:s21+$0x30] =	vst v32;
	s21 =	smov.u32 s2  }
0x27d: {  	v29 =	vmul.f32 v29, v23;
	v22 =	vsub.f32 v21, v27;
	v21 =	vmul.f32 v24, v40;
	[tilespmem:s2+$0x40] =	vst v25  }
0x27e: {  	v23 =	vsub.f32 v19, v27;
	v32 =	vmul.f32 v24, v18;
	v18 =	vmul.f32 v24, v20;
	s2 =	sadd.s32 $0x100, s2;
	[tilespmem:s21+$0x50] =	vst v33  }
0x27f: {  	v7 =	vmul.f32 v24, v7  }
0x280: {  	v9 =	vmul.f32 v24, v9;
	v20 =	vmul.f32 v26, v30  }
0x281: {  	v4 =	vmul.f32 v26, v4;
	v5 =	vmul.f32 v26, v5  }
0x282: {  	v19 =	vsub.f32 v31, v27;
	v22 =	vmul.f32 v22, v14;
	v6 =	vmul.f32 v26, v6  }
0x283: {  	v24 =	vsub.f32 v29, v27;
	v8 =	vmul.f32 v26, v8;
	v23 =	vmul.f32 v23, v12  }
0x284: {  	v18 =	vsub.f32 v18, v21;
	v19 =	vmul.f32 v19, v13;
	v22 =	vadd.f32 v22, v15  }
0x285: {  	[tilespmem:s21+$0x60] =	vst v28;
	v25 =	vsub.f32 v32, v21;
	v24 =	vmul.f32 v24, v10;
	v23 =	vadd.f32 v23, v16  }
0x286: {  	v7 =	vsub.f32 v7, v21;
	v18 =	vmul.f32 v18, v12;
	[tilespmem:s21+$0xFFFFFF80] =	vst v22;
	v19 =	vadd.f32 v19, v17  }
0x287: {  	v9 =	vsub.f32 v9, v21;
	v22 =	vmul.f32 v25, v14;
	v21 =	vadd.f32 v24, v11;
	[tilespmem:s21+$0xFFFFFF90] =	vst v23  }
0x288: {  	v4 =	vsub.f32 v4, v20;
	v7 =	vmul.f32 v7, v13;
	v18 =	vadd.f32 v18, v16;
	[tilespmem:s21+$0xFFFFFFA0] =	vst v19  }
0x289: {  	v5 =	vsub.f32 v5, v20;
	v9 =	vmul.f32 v9, v10;
	v19 =	vadd.f32 v22, v15;
	[tilespmem:s21+$0xFFFFFFB0] =	vst v21  }
0x28a: {  	v6 =	vsub.f32 v6, v20;
	v4 =	vmul.f32 v4, v14;
	v7 =	vadd.f32 v7, v17;
	[tilespmem:s21+$0xFFFFFFD0] =	vst v18  }
0x28b: {  	v8 =	vsub.f32 v8, v20;
	v5 =	vmul.f32 v5, v12;
	v9 =	vadd.f32 v9, v11;
	[tilespmem:s21+$0xFFFFFFC0] =	vst v19  }
0x28c: {  	s2 =	sor.u32 $0x2, s8;
	v6 =	vmul.f32 v6, v13;
	v4 =	vadd.f32 v4, v15;
	[tilespmem:s21+$0xFFFFFFE0] =	vst v7  }
0x28d: {  	s8 =	smul.u32 $0xC80, s2;
	v5 =	vadd.f32 v5, v16;
	v7 =	vmul.f32 v8, v10;
	[tilespmem:s21+$0xFFFFFFF0] =	vst v9  }
0x28e: {  	s2 =	smul.u32 $0x6400, s2;
	[tilespmem:s21+$0x0] =	vst v4;
	v4 =	vadd.f32 v6, v17  }
0x28f: {  	[tilespmem:s21+$0x10] =	vst v5;
	v5 =	vadd.f32 v7, v11  }
0x290: {  	s2 =	sshrl.u32 s2, $0x3;
	[tilespmem:s21+$0x20] =	vst v4  }
0x291: {  	s8 =	sadd.s32 s4, s8;
	s2 =	sadd.s32 s4, s2;
	[tilespmem:s21+$0x30] =	vst v5  }
0x292: {  	[hbm4b:s8+s5] =	stream.linear.scatter [tilespmem:s30], [sflag:$0xB], $0x3200, $0x38;
	[tilespmem:$0x196C0] =	vst v63  }
0x293: {  	p1 =	sne.s32 s16, $0xF;
	s2 =	sadd.s32 $0x640, s2  }
0x294: {  	[hbm4b:s2+s5] =	stream.linear.scatter [tilespmem:s15], [sflag:$0xB], $0x3200, $0x38;
	[tilespmem:$0x196C0] =	vst v63  }
0x295: {  	s2 =	simm.s32 @p1 $0x9  }
0x296: {  	_ =	swait.ge @p1 [sflag:s2], $0x3200  }
0x297: {  	[sflag:s2] =	ssyncset.done @p1 $0x0  }
0x298: {  	[sflag:s2] =	ssyncadd.s32 @p1 $0xFFFFCE00  }
0x299: {  	_ =	swait.ge @p1 [sflag:s2], $0x3200  }
0x29a: {  	[sflag:s2] =	ssyncset.done @p1 $0x0  }
0x29b: {  	[sflag:s2] =	ssyncadd.s32 @p1 $0xFFFFCE00;
	s2 =	simm.s32 @p1 $0x1  }
0x29c: {  	_ =	swait.ge @p1 [sflag:s2], $0x190  }
0x29d: {  	s21 =	simm.s32 @p1 $0x640;
	[sflag:s2] =	ssyncset.done @p1 $0x0  }
0x29e: {  	s8 =	simm.s32 @p1 $0x0;
	[sflag:s2] =	ssyncadd.s32 @p1 $0xFFFFFE70;
	s2 =	simm.s32 @p1 $0x190  }
0x29f: {  	[tilespmem:s21], [sflag:$0x5] =	stream.indirect.gather @p1 [hbm4b:s7+s2], $0x40, s8, s2, $0xb8;
	[tilespmem:$0x196C0] =	vst v63  }
0x2a0: {  	s18 =	sadd.s32 @p1 s18, s14;
	s2 =	simm.s32 @p1 $0x8  }
0x2a1: {  	s18 =	smul.u32 @p1 $0x32, s18;
	_ =	swait.ge @p1 [sflag:s2], $0x6400  }
0x2a2: {  	[sflag:s2] =	ssyncset.done @p1 $0x0  }
0x2a3: {  	[sflag:s2] =	ssyncadd.s32 @p1 $0xFFFF9C00;
	s2 =	sadd.s32 @p1 s6, s18;
	s18 =	simm.s32 @p1 $0x320  }
0x2a4: {  	[tilespmem:s18], [sflag:$0x3] =	stream.linear.gather @p1 [hbm4b:s2+s8], $0x190, $0x38;
	[tilespmem:$0x196C0] =	vst v63  }
0x2a5: {  	s2 =	simm.s32 @!p1 $0x8  }
0x2a6: {  	_ =	swait.ge @!p1 [sflag:s2], $0x6400  }
0x2a7: {  	[sflag:s2] =	ssyncset.done @!p1 $0x0  }
0x2a8: {  	s8 =	simm.s32 $0x132C0;
	[sflag:s2] =	ssyncadd.s32 @!p1 $0xFFFF9C00  }
0x2a9: {  	v12 =	vld [tilespmem:s8+$0x40]  }
0x2aa: {  	v11 =	vld [tilespmem:s8+$0x50]  }
0x2ab: {  	v16 =	vld [tilespmem:s8+$0x60]  }
0x2ac: {  	v20 =	vld [tilespmem:s8+$0xFFFFFF90]  }
0x2ad: {  	v18 =	vld [tilespmem:s8+$0xFFFFFFC0]  }
0x2ae: {  	v19 =	vld [tilespmem:s8+$0xFFFFFFD0]  }
0x2af: {  	v10 =	vld [tilespmem:s8+$0x70]  }
0x2b0: {  	v21 =	vld [tilespmem:s8+$0xFFFFFF80];
	v5 =	vadd.f32 v11, v12;
	v6 =	vmul.f32 v12, v12;
	v7 =	vmul.f32 v11, v11  }
0x2b1: {  	v4 =	vld [tilespmem:s8+$0x0]  }
0x2b2: {  	v22 =	vld [tilespmem:s8+$0xFFFFFFA0];
	v8 =	vadd.f32 v16, v5;
	v6 =	vadd.f32 v7, v6;
	v7 =	vmul.f32 v16, v16  }
0x2b3: {  	v9 =	vmul.f32 v18, v18;
	v13 =	vmul.f32 v19, v19  }
0x2b4: {  	v5 =	vld [tilespmem:s8+$0x10];
	v8 =	vadd.f32 v10, v8;
	v6 =	vadd.f32 v7, v6;
	v7 =	vmul.f32 v10, v10  }
0x2b5: {  	v17 =	vmul.f32 v20, v20;
	v29 =	vmul.f32 v21, v21  }
0x2b6: {  	v23 =	vld [tilespmem:s8+$0xFFFFFFB0];
	v24 =	vadd.f32 v19, v18;
	v14 =	vadd.f32 v7, v6;
	v15 =	vperm.xlane v8, v0  }
0x2b7: {  	v25 =	vmul.f32 v4, v4;
	v31 =	vmul.f32 v22, v22;
	v17 =	vadd.f32 v17, v29;
	v7 =	vld [tilespmem:s8+$0xFFFFFFE0]  }
0x2b8: {  	v28 =	vadd.f32 v20, v21;
	v6 =	vld [tilespmem:s8+$0x20];
	v15 =	vadd.f32 v15, v8;
	v8 =	vperm.xlane v14, v0  }
0x2b9: {  	v13 =	vadd.f32 v13, v9;
	v9 =	vld [tilespmem:s8+$0xFFFFFFF0];
	v17 =	vadd.f32 v31, v17;
	v27 =	vmul.f32 v5, v5  }
0x2ba: {  	v26 =	vadd.f32 v5, v4;
	v30 =	vperm.xlane v15, v1;
	v14 =	vadd.f32 v8, v14;
	v8 =	vld [tilespmem:s8+$0x30]  }
0x2bb: {  	v25 =	vadd.f32 v27, v25;
	v27 =	vadd.f32 v22, v28  }
0x2bc: {  	v24 =	vadd.f32 v7, v24;
	v15 =	vadd.f32 v30, v15;
	v28 =	vperm.xlane v14, v1  }
0x2bd: {  	v29 =	vmul.f32 v7, v7;
	v26 =	vadd.f32 v6, v26;
	v27 =	vadd.f32 v23, v27  }
0x2be: {  	v24 =	vadd.f32 v9, v24;
	v30 =	vperm.xlane v15, v2;
	v14 =	vadd.f32 v28, v14  }
0x2bf: {  	v13 =	vadd.f32 v29, v13;
	v28 =	vmul.f32 v6, v6;
	v26 =	vadd.f32 v8, v26  }
0x2c0: {  	v15 =	vadd.f32 v30, v15;
	v29 =	vperm.xlane v14, v2;
	v30 =	vmul.f32 v23, v23  }
0x2c1: {  	v25 =	vadd.f32 v28, v25;
	v28 =	vmul.f32 v9, v9;
	v52 =	vperm.xlane v26, v0  }
0x2c2: {  	v31 =	vperm.xlane v15, v3;
	v14 =	vadd.f32 v29, v14;
	v17 =	vadd.f32 v30, v17  }
0x2c3: {  	v29 =	vmul.f32 v8, v8;
	v30 =	vperm.xlane v27, v0;
	v13 =	vadd.f32 v28, v13  }
0x2c4: {  	v26 =	vadd.f32 v52, v26;
	v15 =	vadd.f32 v31, v15;
	v28 =	vperm.xlane v14, v3  }
0x2c5: {  	v31 =	vperm.xlane v24, v0;
	v27 =	vadd.f32 v30, v27;
	v30 =	vperm.xlane v17, v0  }
0x2c6: {  	v25 =	vadd.f32 v29, v25;
	v15 =	vmul.f32 $1.562500000e-02, v15;
	v14 =	vadd.f32 v28, v14  }
0x2c7: {  	v28 =	vperm.xlane v13, v0;
	v29 =	vperm.xlane v27, v1;
	v24 =	vadd.f32 v31, v24  }
0x2c8: {  	v53 =	vperm.xlane v25, v0;
	v17 =	vadd.f32 v30, v17;
	v14 =	vmul.f32 $1.562500000e-02, v14  }
0x2c9: {  	v31 =	vmul.f32 v15, v15;
	v30 =	vperm.xlane v24, v1;
	v13 =	vadd.f32 v28, v13  }
0x2ca: {  	v28 =	vperm.xlane v26, v1;
	v25 =	vadd.f32 v53, v25;
	v27 =	vadd.f32 v29, v27  }
0x2cb: {  	v14 =	vsub.f32 v14, v31;
	v31 =	vperm.xlane v17, v1;
	v24 =	vadd.f32 v30, v24  }
0x2cc: {  	v29 =	vperm.xlane v13, v1;
	v26 =	vadd.f32 v28, v26;
	v28 =	vperm.xlane v25, v1  }
0x2cd: {  	v30 =	vperm.xlane v27, v2;
	v14 =	vmax.f32 v14, $0.0e+00;
	v17 =	vadd.f32 v31, v17  }
0x2ce: {  	v31 =	vperm.xlane v24, v2;
	v13 =	vadd.f32 v29, v13;
	v14 =	vadd.f32 $9.999999960e-13, v14  }
0x2cf: {  	v29 =	vperm.xlane v26, v2;
	v25 =	vadd.f32 v28, v25;
	v27 =	vadd.f32 v30, v27  }
0x2d0: {  	v30 =	vperm.xlane v17, v2;
	v54 =	vshrl.u32 v14, $0x1;
	v14 =	vmul.f32 $5.000000000e-01, v14  }
0x2d1: {  	v24 =	vadd.f32 v31, v24;
	v31 =	vperm.xlane v13, v2;
	v32 =	vsub.s32 $0x5F3759DF, v54  }
0x2d2: {  	v33 =	vperm.xlane v27, v3;
	v26 =	vadd.f32 v29, v26;
	v28 =	vmul.f32 v32, v14  }
0x2d3: {  	v29 =	vperm.xlane v25, v2;
	v17 =	vadd.f32 v30, v17;
	v30 =	vperm.xlane v24, v3  }
0x2d4: {  	v13 =	vadd.f32 v31, v13;
	v31 =	vperm.xlane v26, v3;
	v28 =	vmul.f32 v32, v28  }
0x2d5: {  	v25 =	vadd.f32 v29, v25;
	v27 =	vadd.f32 v33, v27;
	v29 =	vperm.xlane v17, v3  }
0x2d6: {  	v24 =	vadd.f32 v30, v24;
	v30 =	vperm.xlane v13, v3;
	v28 =	vsub.f32 $1.500000000e+00, v28  }
0x2d7: {  	v27 =	vmul.f32 $1.562500000e-02, v27;
	v17 =	vadd.f32 v29, v17;
	v29 =	vperm.xlane v25, v3  }
0x2d8: {  	v26 =	vadd.f32 v31, v26;
	v55 =	vmul.f32 $1.562500000e-02, v24;
	v28 =	vmul.f32 v32, v28  }
0x2d9: {  	v13 =	vadd.f32 v30, v13;
	v24 =	vmul.f32 v27, v27;
	v17 =	vmul.f32 $1.562500000e-02, v17  }
0x2da: {  	v30 =	vmul.f32 $1.562500000e-02, v26;
	v25 =	vadd.f32 v29, v25;
	v14 =	vmul.f32 v28, v14  }
0x2db: {  	v13 =	vmul.f32 $1.562500000e-02, v13;
	v17 =	vsub.f32 v17, v24;
	v24 =	vmul.f32 v55, v55  }
0x2dc: {  	v14 =	vmul.f32 v14, v28  }
0x2dd: {  	v26 =	vmul.f32 v30, v30;
	v25 =	vmul.f32 $1.562500000e-02, v25;
	v13 =	vsub.f32 v13, v24  }
0x2de: {  	v14 =	vsub.f32 $1.500000000e+00, v14  }
0x2df: {  	v24 =	vsub.f32 v25, v26;
	v13 =	vmax.f32 v13, $0.0e+00  }
0x2e0: {  	v17 =	vmax.f32 v17, $0.0e+00;
	v13 =	vadd.f32 $9.999999960e-13, v13;
	v25 =	vmul.f32 v14, v28  }
0x2e1: {  	v14 =	vadd.f32 $9.999999960e-13, v17;
	v17 =	vmax.f32 v24, $0.0e+00  }
0x2e2: {  	v29 =	vmul.f32 $5.000000000e-01, v13;
	v17 =	vadd.f32 $9.999999960e-13, v17;
	v24 =	vmul.f32 v25, v15  }
0x2e3: {  	v15 =	vmul.f32 v25, v10;
	v10 =	vshrl.u32 v14, $0x1;
	v28 =	vmul.f32 $5.000000000e-01, v14  }
0x2e4: {  	v14 =	vshrl.u32 v13, $0x1;
	v26 =	vsub.s32 $0x5F3759DF, v10;
	v13 =	vshrl.u32 v17, $0x1  }
0x2e5: {  	v17 =	vmul.f32 $5.000000000e-01, v17;
	v10 =	vld [tilespmem:$0x19670];
	v31 =	vsub.s32 $0x5F3759DF, v14;
	v14 =	vmul.f32 v26, v28  }
0x2e6: {  	v13 =	vsub.s32 $0x5F3759DF, v13;
	v56 =	vmul.f32 v31, v29  }
0x2e7: {  	v34 =	vmul.f32 v13, v17;
	v14 =	vmul.f32 v26, v14  }
0x2e8: {  	v15 =	vsub.f32 v15, v24;
	v33 =	vmul.f32 v31, v56  }
0x2e9: {  	v34 =	vmul.f32 v13, v34;
	v35 =	vsub.f32 $1.500000000e+00, v14  }
0x2ea: {  	v36 =	vmul.f32 v15, v10;
	v15 =	vsub.f32 $1.500000000e+00, v33  }
0x2eb: {  	v57 =	vsub.f32 $1.500000000e+00, v34;
	v26 =	vmul.f32 v26, v35  }
0x2ec: {  	v58 =	vmul.f32 v25, v12;
	v31 =	vmul.f32 v31, v15  }
0x2ed: {  	v12 =	vld [tilespmem:$0x19650];
	v33 =	vmul.f32 v13, v57;
	v28 =	vmul.f32 v26, v28  }
0x2ee: {  	v59 =	vmul.f32 v25, v11;
	v14 =	vld [tilespmem:$0x19640];
	v29 =	vmul.f32 v31, v29  }
0x2ef: {  	v13 =	vld [tilespmem:$0x19660];
	v17 =	vmul.f32 v33, v17;
	v28 =	vmul.f32 v28, v26  }
0x2f0: {  	v11 =	vld [tilespmem:$0x196B0];
	v25 =	vmul.f32 v25, v16;
	v35 =	vsub.f32 v59, v24;
	v29 =	vmul.f32 v29, v31  }
0x2f1: {  	v16 =	vld [tilespmem:$0x19690];
	v34 =	vsub.f32 v58, v24;
	v37 =	vmul.f32 v17, v33;
	v28 =	vsub.f32 $1.500000000e+00, v28  }
0x2f2: {  	v15 =	vld [tilespmem:$0x19680];
	v24 =	vsub.f32 v25, v24;
	v60 =	vmul.f32 v35, v12;
	v29 =	vsub.f32 $1.500000000e+00, v29  }
0x2f3: {  	v25 =	vmul.f32 v34, v14;
	v17 =	vld [tilespmem:$0x196A0];
	v61 =	vsub.f32 $1.500000000e+00, v37;
	v38 =	vmul.f32 v28, v26  }
0x2f4: {  	v62 =	vmul.f32 v24, v13;
	v24 =	vmul.f32 v29, v31  }
0x2f5: {  	v36 =	vadd.f32 v36, v11;
	v26 =	vmul.f32 v61, v33;
	v27 =	vmul.f32 v38, v27  }
0x2f6: {  	v63 =	vadd.f32 v60, v16;
	v21 =	vmul.f32 v38, v21;
	v20 =	vmul.f32 v38, v20  }
0x2f7: {  	v25 =	vadd.f32 v25, v15;
	[tilespmem:s8+$0x70] =	vst v36;
	v31 =	vmul.f32 v38, v22;
	v29 =	vmul.f32 v38, v23  }
0x2f8: {  	[tilespmem:s8+$0x50] =	vst v63;
	v28 =	vadd.f32 v62, v17;
	v32 =	vmul.f32 v24, v18;
	v18 =	vmul.f32 v24, v19  }
0x2f9: {  	s18 =	simm.s32 $0x0;
	s2 =	simm.s32 $0x133C0;
	[tilespmem:s8+$0x40] =	vst v25;
	v22 =	vsub.f32 v21, v27;
	v21 =	vmul.f32 v24, v55;
	v23 =	vsub.f32 v20, v27  }
.LBB2_9:
0x2fa: {  	v25 =	vld [tilespmem:s2+$0x40];
	v31 =	vsub.f32 v31, v27;
	v7 =	vmul.f32 v24, v7;
	v9 =	vmul.f32 v24, v9;
	[tilespmem:s8+$0x60] =	vst v28  }
0x2fb: {  	s18 =	sadd.s32 $0x4, s18;
	v40 =	vsub.f32 v29, v27;
	v28 =	vmul.f32 v26, v30;
	v4 =	vmul.f32 v26, v4;
	v24 =	vld [tilespmem:s2+$0x50]  }
0x2fc: {  	v5 =	vmul.f32 v26, v5;
	v6 =	vmul.f32 v26, v6;
	p1 =	slt.u32 s18, $0x18C;
	v30 =	vsub.f32 v32, v21;
	v19 =	vld [tilespmem:s2+$0xFFFFFF90]  }
0x2fd: {  	v37 =	vsub.f32 v18, v21;
	v36 =	vsub.f32 v7, v21;
	v7 =	vmul.f32 v26, v8;
	v27 =	vld [tilespmem:s2+$0x60]  }
0x2fe: {  	v8 =	vmul.f32 v22, v14;
	v34 =	vsub.f32 v9, v21;
	v35 =	vsub.f32 v4, v28;
	v18 =	vld [tilespmem:s2+$0xFFFFFFC0]  }
0x2ff: {  	v38 =	vmul.f32 v23, v12;
	v29 =	vsub.f32 v5, v28;
	v26 =	vsub.f32 v6, v28;
	v33 =	vld [tilespmem:s2+$0x70]  }
0x300: {  	v9 =	vmul.f32 v25, v25;
	v20 =	vld [tilespmem:s2+$0xFFFFFFD0];
	v6 =	vadd.f32 v24, v25;
	v21 =	vmul.f32 v24, v24  }
0x301: {  	v39 =	vmul.f32 v31, v13;
	v28 =	vsub.f32 v7, v28;
	v41 =	vmul.f32 v19, v19;
	v4 =	vld [tilespmem:s2+$0x0]  }
0x302: {  	v5 =	vld [tilespmem:s2+$0x10];
	v6 =	vadd.f32 v27, v6;
	v7 =	vadd.f32 v21, v9;
	v9 =	vmul.f32 v27, v27  }
0x303: {  	v32 =	vmul.f32 v40, v10;
	v8 =	vadd.f32 v8, v15;
	v21 =	vld [tilespmem:s2+$0xFFFFFF80];
	v42 =	vmul.f32 v18, v18  }
0x304: {  	v22 =	vld [tilespmem:s2+$0xFFFFFFA0];
	v40 =	vadd.f32 v33, v6;
	v9 =	vadd.f32 v9, v7;
	v23 =	vmul.f32 v33, v33  }
0x305: {  	v31 =	vmul.f32 v30, v14;
	v7 =	vld [tilespmem:s2+$0xFFFFFFE0];
	v43 =	vadd.f32 v20, v18;
	v44 =	vmul.f32 v20, v20;
	[tilespmem:s8+$0xFFFFFF80] =	vst v8  }
0x306: {  	v6 =	vld [tilespmem:s2+$0x20];
	v30 =	vmul.f32 v4, v4;
	v45 =	vadd.f32 v23, v9;
	v8 =	vperm.xlane v40, v0  }
0x307: {  	v23 =	vld [tilespmem:s2+$0xFFFFFFB0];
	v42 =	vadd.f32 v44, v42;
	v44 =	vadd.f32 v5, v4;
	v46 =	vmul.f32 v5, v5  }
0x308: {  	v47 =	vadd.f32 v19, v21;
	v9 =	vld [tilespmem:s2+$0xFFFFFFF0];
	v40 =	vadd.f32 v8, v40;
	v48 =	vperm.xlane v45, v0  }
0x309: {  	v49 =	vmul.f32 v21, v21;
	v50 =	vmul.f32 v22, v22;
	v8 =	vld [tilespmem:s2+$0x30];
	v30 =	vadd.f32 v46, v30  }
0x30a: {  	v46 =	vadd.f32 v22, v47;
	v47 =	vperm.xlane v40, v1;
	v45 =	vadd.f32 v48, v45  }
0x30b: {  	v41 =	vadd.f32 v41, v49;
	v43 =	vadd.f32 v7, v43;
	v48 =	vmul.f32 v7, v7  }
0x30c: {  	v44 =	vadd.f32 v6, v44;
	v40 =	vadd.f32 v47, v40;
	v47 =	vperm.xlane v45, v1  }
0x30d: {  	v49 =	vmul.f32 v6, v6;
	v46 =	vadd.f32 v23, v46;
	v41 =	vadd.f32 v50, v41  }
0x30e: {  	v43 =	vadd.f32 v9, v43;
	v50 =	vperm.xlane v40, v2;
	v45 =	vadd.f32 v47, v45  }
0x30f: {  	v42 =	vadd.f32 v48, v42;
	v47 =	vmul.f32 v23, v23;
	v44 =	vadd.f32 v8, v44  }
0x310: {  	v30 =	vadd.f32 v49, v30;
	v40 =	vadd.f32 v50, v40;
	v48 =	vperm.xlane v45, v2  }
0x311: {  	v49 =	vmul.f32 v8, v8;
	v41 =	vadd.f32 v47, v41;
	v47 =	vmul.f32 v9, v9  }
0x312: {  	v50 =	vperm.xlane v46, v0;
	v51 =	vperm.xlane v40, v3;
	v45 =	vadd.f32 v48, v45  }
0x313: {  	v30 =	vadd.f32 v49, v30;
	v42 =	vadd.f32 v47, v42;
	v47 =	vperm.xlane v43, v0  }
0x314: {  	v48 =	vperm.xlane v44, v0;
	v40 =	vadd.f32 v51, v40;
	v49 =	vperm.xlane v45, v3  }
0x315: {  	v46 =	vadd.f32 v50, v46;
	v50 =	vperm.xlane v41, v0;
	v43 =	vadd.f32 v47, v43  }
0x316: {  	v47 =	vperm.xlane v42, v0;
	v51 =	vmul.f32 $1.562500000e-02, v40;
	v40 =	vadd.f32 v49, v45  }
0x317: {  	v44 =	vadd.f32 v48, v44;
	v48 =	vperm.xlane v30, v0;
	v45 =	vperm.xlane v46, v1  }
0x318: {  	v41 =	vadd.f32 v50, v41;
	v40 =	vmul.f32 $1.562500000e-02, v40;
	v49 =	vmul.f32 v51, v51  }
0x319: {  	v50 =	vperm.xlane v43, v1;
	v42 =	vadd.f32 v47, v42;
	v47 =	vperm.xlane v44, v1  }
0x31a: {  	v52 =	vperm.xlane v41, v1;
	v30 =	vadd.f32 v48, v30;
	v40 =	vsub.f32 v40, v49  }
0x31b: {  	v45 =	vadd.f32 v45, v46;
	v43 =	vadd.f32 v50, v43;
	v46 =	vperm.xlane v42, v1  }
0x31c: {  	v44 =	vadd.f32 v47, v44;
	v47 =	vperm.xlane v30, v1;
	v40 =	vmax.f32 v40, $0.0e+00  }
0x31d: {  	v41 =	vadd.f32 v52, v41;
	v48 =	vperm.xlane v45, v2;
	v40 =	vadd.f32 $9.999999960e-13, v40  }
0x31e: {  	v49 =	vperm.xlane v43, v2;
	v42 =	vadd.f32 v46, v42;
	v46 =	vperm.xlane v44, v2  }
0x31f: {  	v30 =	vadd.f32 v47, v30;
	v47 =	vshrl.u32 v40, $0x1;
	v50 =	vmul.f32 $5.000000000e-01, v40  }
0x320: {  	v40 =	vadd.f32 v48, v45;
	v45 =	vperm.xlane v41, v2;
	v47 =	vsub.s32 $0x5F3759DF, v47  }
0x321: {  	v43 =	vadd.f32 v49, v43;
	v48 =	vperm.xlane v42, v2;
	v49 =	vmul.f32 v47, v50  }
0x322: {  	v44 =	vadd.f32 v46, v44;
	v46 =	vperm.xlane v30, v2;
	v52 =	vperm.xlane v40, v3  }
0x323: {  	v41 =	vadd.f32 v45, v41;
	v45 =	vperm.xlane v43, v3;
	v49 =	vmul.f32 v47, v49  }
0x324: {  	v46 =	vadd.f32 v46, v30;
	v42 =	vadd.f32 v48, v42;
	v48 =	vperm.xlane v44, v3  }
0x325: {  	v30 =	vadd.f32 v52, v40;
	v40 =	vperm.xlane v41, v3;
	v49 =	vsub.f32 $1.500000000e+00, v49  }
0x326: {  	v43 =	vadd.f32 v45, v43;
	v45 =	vperm.xlane v42, v3;
	v44 =	vadd.f32 v48, v44  }
0x327: {  	v52 =	vperm.xlane v46, v3;
	v48 =	vadd.f32 v40, v41;
	v47 =	vmul.f32 v47, v49  }
0x328: {  	v41 =	vmul.f32 $1.562500000e-02, v30;
	v40 =	vmul.f32 $1.562500000e-02, v43;
	v42 =	vadd.f32 v45, v42  }
0x329: {  	v30 =	vmul.f32 $1.562500000e-02, v44;
	v43 =	vadd.f32 v52, v46;
	v44 =	vmul.f32 v47, v50  }
0x32a: {  	v38 =	vadd.f32 v38, v16;
	v45 =	vmul.f32 $1.562500000e-02, v48;
	v46 =	vmul.f32 v41, v41  }
0x32b: {  	v39 =	vadd.f32 v39, v17;
	v42 =	vmul.f32 $1.562500000e-02, v42;
	v44 =	vmul.f32 v44, v47  }
0x32c: {  	v43 =	vmul.f32 $1.562500000e-02, v43;
	v45 =	vsub.f32 v45, v46;
	v46 =	vmul.f32 v40, v40;
	[tilespmem:s8+$0xFFFFFF90] =	vst v38  }
0x32d: {  	v37 =	vmul.f32 v37, v12;
	v38 =	vmul.f32 v30, v30;
	v44 =	vsub.f32 $1.500000000e+00, v44;
	[tilespmem:s8+$0xFFFFFFA0] =	vst v39  }
0x32e: {  	v36 =	vmul.f32 v36, v13;
	v42 =	vsub.f32 v42, v46;
	v39 =	vmax.f32 v45, $0.0e+00  }
0x32f: {  	v39 =	vadd.f32 $9.999999960e-13, v39;
	v38 =	vsub.f32 v43, v38;
	v43 =	vmul.f32 v44, v47  }
0x330: {  	v34 =	vmul.f32 v34, v10;
	v35 =	vmul.f32 v35, v14;
	v42 =	vmax.f32 v42, $0.0e+00  }
0x331: {  	v38 =	vmax.f32 v38, $0.0e+00;
	v44 =	vmul.f32 v43, v51;
	v33 =	vmul.f32 v43, v33  }
0x332: {  	v42 =	vadd.f32 $9.999999960e-13, v42;
	v45 =	vshrl.u32 v39, $0x1;
	v38 =	vadd.f32 $9.999999960e-13, v38  }
0x333: {  	v39 =	vmul.f32 $5.000000000e-01, v39;
	v45 =	vsub.s32 $0x5F3759DF, v45;
	v33 =	vsub.f32 v33, v44  }
0x334: {  	v46 =	vshrl.u32 v42, $0x1;
	v42 =	vmul.f32 $5.000000000e-01, v42;
	v47 =	vshrl.u32 v38, $0x1  }
0x335: {  	v46 =	vsub.s32 $0x5F3759DF, v46;
	v38 =	vmul.f32 $5.000000000e-01, v38;
	v33 =	vmul.f32 v33, v10  }
0x336: {  	v48 =	vmul.f32 v45, v39;
	v49 =	vmul.f32 v46, v42;
	v47 =	vsub.s32 $0x5F3759DF, v47  }
0x337: {  	v25 =	vmul.f32 v43, v25;
	v50 =	vmul.f32 v47, v38;
	v33 =	vadd.f32 v33, v11  }
0x338: {  	v32 =	vadd.f32 v32, v11;
	v48 =	vmul.f32 v45, v48;
	v49 =	vmul.f32 v46, v49  }
0x339: {  	v24 =	vmul.f32 v43, v24;
	v25 =	vsub.f32 v25, v44;
	v50 =	vmul.f32 v47, v50;
	[tilespmem:s2+$0x70] =	vst v33  }
0x33a: {  	v27 =	vmul.f32 v43, v27;
	v33 =	vsub.f32 $1.500000000e+00, v48;
	v48 =	vsub.f32 $1.500000000e+00, v49;
	[tilespmem:s8+$0xFFFFFFB0] =	vst v32  }
0x33b: {  	v29 =	vmul.f32 v29, v12;
	v24 =	vsub.f32 v24, v44;
	v32 =	vsub.f32 $1.500000000e+00, v50  }
0x33c: {  	v27 =	vsub.f32 v27, v44;
	v33 =	vmul.f32 v45, v33;
	v43 =	vmul.f32 v46, v48  }
0x33d: {  	v26 =	vmul.f32 v26, v13;
	v31 =	vadd.f32 v31, v15;
	v32 =	vmul.f32 v47, v32  }
0x33e: {  	v37 =	vadd.f32 v37, v16;
	v39 =	vmul.f32 v33, v39;
	v42 =	vmul.f32 v43, v42  }
0x33f: {  	v28 =	vmul.f32 v28, v10;
	v38 =	vmul.f32 v32, v38;
	[tilespmem:s8+$0xFFFFFFC0] =	vst v31;
	v31 =	vadd.f32 v36, v17  }
0x340: {  	v34 =	vadd.f32 v34, v11;
	v36 =	vmul.f32 v39, v33;
	v39 =	vmul.f32 v42, v43;
	[tilespmem:s8+$0xFFFFFFD0] =	vst v37  }
0x341: {  	v25 =	vmul.f32 v25, v14;
	v37 =	vmul.f32 v38, v32;
	[tilespmem:s8+$0xFFFFFFE0] =	vst v31;
	v31 =	vadd.f32 v35, v15  }
0x342: {  	v38 =	vmul.f32 v24, v12;
	v35 =	vsub.f32 $1.500000000e+00, v36;
	v36 =	vsub.f32 $1.500000000e+00, v39;
	[tilespmem:s8+$0xFFFFFFF0] =	vst v34  }
0x343: {  	v34 =	vsub.f32 $1.500000000e+00, v37;
	v37 =	vmul.f32 v27, v13;
	v27 =	vadd.f32 v29, v16;
	[tilespmem:s8+$0x0] =	vst v31  }
0x344: {  	v29 =	vmul.f32 v35, v33;
	v24 =	vmul.f32 v36, v43;
	v31 =	vadd.f32 v26, v17  }
.Ltmp5:
0x345: {  	v25 =	vadd.f32 v25, v15;
	v26 =	vmul.f32 v34, v32;
	v32 =	vadd.f32 v28, v11;
	[tilespmem:s8+$0x10] =	vst v27;
	(pc) =	sbr.rel @p1 .LBB2_9-.Ltmp5, $4  }
0x346: {  	v33 =	vadd.f32 v38, v16;
	v27 =	vmul.f32 v29, v41;
	v21 =	vmul.f32 v29, v21;
	[tilespmem:s8+$0x20] =	vst v31  }
0x347: {  	v28 =	vadd.f32 v37, v17;
	v19 =	vmul.f32 v29, v19;
	v31 =	vmul.f32 v29, v22;
	[tilespmem:s8+$0x30] =	vst v32;
	s8 =	smov.u32 s2  }
0x348: {  	v29 =	vmul.f32 v29, v23;
	v22 =	vsub.f32 v21, v27;
	v21 =	vmul.f32 v24, v40;
	[tilespmem:s2+$0x40] =	vst v25  }
0x349: {  	v23 =	vsub.f32 v19, v27;
	v32 =	vmul.f32 v24, v18;
	v18 =	vmul.f32 v24, v20;
	s2 =	sadd.s32 $0x100, s2;
	[tilespmem:s8+$0x50] =	vst v33  }
0x34a: {  	v7 =	vmul.f32 v24, v7  }
0x34b: {  	v9 =	vmul.f32 v24, v9;
	v20 =	vmul.f32 v26, v30  }
0x34c: {  	v4 =	vmul.f32 v26, v4;
	v5 =	vmul.f32 v26, v5  }
0x34d: {  	v19 =	vsub.f32 v31, v27;
	v22 =	vmul.f32 v22, v14;
	v6 =	vmul.f32 v26, v6  }
0x34e: {  	v59 =	vsub.f32 v29, v27;
	v8 =	vmul.f32 v26, v8;
	v23 =	vmul.f32 v23, v12  }
0x34f: {  	v25 =	vsub.f32 v32, v21;
	v19 =	vmul.f32 v19, v13;
	v22 =	vadd.f32 v22, v15  }
0x350: {  	[tilespmem:s8+$0x60] =	vst v28;
	v18 =	vsub.f32 v18, v21;
	v24 =	vmul.f32 v59, v10;
	v23 =	vadd.f32 v23, v16  }
0x351: {  	v7 =	vsub.f32 v7, v21;
	v60 =	vmul.f32 v25, v14;
	[tilespmem:s8+$0xFFFFFF80] =	vst v22;
	v19 =	vadd.f32 v19, v17  }
0x352: {  	v9 =	vsub.f32 v9, v21;
	v18 =	vmul.f32 v18, v12;
	v61 =	vadd.f32 v24, v11;
	[tilespmem:s8+$0xFFFFFF90] =	vst v23  }
0x353: {  	v4 =	vsub.f32 v4, v20;
	v7 =	vmul.f32 v7, v13;
	v62 =	vadd.f32 v60, v15;
	[tilespmem:s8+$0xFFFFFFA0] =	vst v19  }
0x354: {  	v5 =	vsub.f32 v5, v20;
	v9 =	vmul.f32 v9, v10;
	v18 =	vadd.f32 v18, v16;
	[tilespmem:s8+$0xFFFFFFB0] =	vst v61  }
0x355: {  	v6 =	vsub.f32 v6, v20;
	v4 =	vmul.f32 v4, v14;
	v7 =	vadd.f32 v7, v17;
	[tilespmem:s8+$0xFFFFFFC0] =	vst v62  }
0x356: {  	v8 =	vsub.f32 v8, v20;
	v5 =	vmul.f32 v5, v12;
	v9 =	vadd.f32 v9, v11;
	[tilespmem:s8+$0xFFFFFFD0] =	vst v18  }
0x357: {  	v6 =	vmul.f32 v6, v13;
	v4 =	vadd.f32 v4, v15;
	[tilespmem:s8+$0xFFFFFFE0] =	vst v7  }
0x358: {  	v63 =	vmul.f32 v8, v10;
	v5 =	vadd.f32 v5, v16;
	[tilespmem:s8+$0xFFFFFFF0] =	vst v9  }
0x359: {  	s2 =	smul.u32 $0xC80, s10;
	[tilespmem:s8+$0x0] =	vst v4;
	v4 =	vadd.f32 v6, v17  }
0x35a: {  	s21 =	smul.u32 $0x6400, s10;
	[tilespmem:s8+$0x10] =	vst v5;
	v5 =	vadd.f32 v63, v11  }
0x35b: {  	[tilespmem:s8+$0x20] =	vst v4  }
.Ltmp6:
0x35c: {  	s2 =	sadd.s32 s4, s2;
	s28 =	sshrl.u32 s21, $0x3;
	[tilespmem:s8+$0x30] =	vst v5;
	(pc) =	sbr.rel @p0 .LBB2_12-.Ltmp6, $4  }
0x35d: {  	[hbm4b:s2+s5] =	stream.linear.scatter [tilespmem:s1], [sflag:$0xC], $0x3200, $0x38;
	[tilespmem:$0x196C0] =	vst v63  }
0x35e: {  	s2 =	sadd.s32 s4, s28  }
0x35f: {  	s2 =	sadd.s32 $0x640, s2  }
0x360: {  	[hbm4b:s2+s5] =	stream.linear.scatter [tilespmem:s17], [sflag:$0xC], $0x3200, $0x38;
	[tilespmem:$0x196C0] =	vst v63  }
0x361: {  	_ =	swait.ge [sflag:s11], $0x3200  }
0x362: {  	[sflag:s11] =	ssyncset.done $0x0  }
0x363: {  	[sflag:s11] =	ssyncadd.s32 $0xFFFFCE00  }
0x364: {  	_ =	swait.ge [sflag:s11], $0x3200  }
0x365: {  	[sflag:s11] =	ssyncset.done $0x0  }
.Ltmp7:
0x366: {  	[sflag:s11] =	ssyncadd.s32 $0xFFFFCE00;
	(pc) =	sbr.rel .LBB2_2-.Ltmp7, $4  }
0x367: {  	_ =	swait.ge [sflag:s23], $0x190  }
0x368: {  	[sflag:s23] =	ssyncset.done $0x0  }
0x369: {  	s16 =	sadd.s32 $0x1, s16;
	[sflag:s23] =	ssyncadd.s32 $0xFFFFFE70  }
0x36a: {  	[tilespmem:s24], [sflag:$0x6] =	stream.indirect.gather [hbm4b:s7+s19], $0x40, s19, s19, $0xb8;
	[tilespmem:$0x196C0] =	vst v63  }
.LBB2_13:
0x36b: {  	_ =	sfence.sel $0x180000  }
0x36c: {  	[bflag:$0x0] =	sbarrier.arrive $0xFFFF  }
0x36d: {  	_ =	strace $0x90000047  }
0x36e: {  	s0 =	stileid.u32;
	[bflag:$0x2] =	sbarrier.arrive $0xFFFF  }
0x36f: {  	p0 =	sne.s32 s0, $0x0;
	s0 =	rddreg [dreg:$0x4]  }
0x370: {  	s0 =	sadd.s32 @!p0 $0x100000, s0  }
0x371: {  	[sflag:s0] =	ssyncadd.tile.s32 @!p0 $0x1;
	_ =	shalt  }
.Lfunc_end2:
_tile_overlayer_lowered:
.L_overlay_start_2:
0x372: {  	(tag) =	ssettag $0x2  }
0x373: {  	s0 =	rddreg [dreg:$0x0];
	s2 =	stileid.u32  }
0x374: {  	s1 =	rddreg [dreg:$0x1];
	p0 =	sne.s32 s2, $0x0  }
0x375: {  	s3 =	rddreg [dreg:$0x2];
	[bflag:$0x3] =	sbarrier.arrive $0xFFFF;
	s2 =	simm.s32 @!p0 $0x1C0D  }
0x376: {  	[timem:s3], [sflag:s2] =	dma.local @!p0 [hbm:s0], s1  }
0x377: {  	s0 =	simm.s32 @!p0 $0xD  }
0x378: {  	_ =	swait.ge @!p0 [sflag:s0], s1  }
0x379: {  	s1 =	ssub.s32 @!p0 $0x0, s1;
	[sflag:s0] =	ssyncset.done @!p0 $0x0  }
0x37a: {  	[sflag:s0] =	ssyncadd.s32 @!p0 s1  }
0x37b: {  	[bflag:$0x3] =	sbarrier.arrive $0xFFFF  }
0x37c: {  	_ =	shalt  }

// kernel: sparse-core-data-format-call.cloned.1.call-start
scs
called_computation_lowered:
.L_overlay_start_0:
0x0: {  	s2 =	sld [smem:$0x3FD9]  }
0x1: {  	s3 =	sld [smem:$0x3FFE];
	_ =	sdelay $0x1  }
0x2: {  	s1 =	srdreg.scid  }
0x3: {  	s0 =	sand.u32 $0x1, s1  }
0x4: {  	s18 =	sshll.u32 s0, $0xA;
	s2 =	sadd.s32 s3, s2  }
0x5: {  	s2 =	sadd.s32 s2, s18  }
0x6: {  	[smem:$0x3FC4] =	sst s2  }
0x7: {  	_ = 	snop  }
0x8: {  	s2 =	sld [smem:$0x3FD0];
	(tm) =	ssettm $0x1  }
0x9: {  	s19 =	sld [smem:$0x3FFB];
	_ =	sdelay $0x3  }
0xa: {  	_ =	strace s19  }
0xb: {  	s3 =	sld [smem:$0x3FFC];
	_ =	sdelay $0x3  }
0xc: {  	_ =	strace s3  }
0xd: {  	s3 =	sld [smem:$0x3FFD];
	_ =	sdelay $0x3  }
0xe: {  	_ =	strace s3  }
0xf: {  	_ =	strace $0x8FFFFFFF  }
0x10: {  	s20 =	sld [smem:$0x3FDB];
	_ =	sdelay $0x1  }
0x11: {  	s4 =	simm.s32 $_scs_section_size  }
0x12: {  	s5 =	simm.s32 $_size__tile_overlayer_lowered;
	s6 =	simm.s32 $_tile_overlayer_lowered  }
0x13: {  	s23 =	simm.s32 $0x1BFF;
	s22 =	sshll.u32 s6, $0x1;
	s3 =	sadd.s32 s4, s20  }
0x14: {  	s7 =	simm.s32 $0x0;
	s21 =	sshll.u32 s5, $0x1;
	s5 =	sadd.s32 s22, s3  }
0x15: {  	[timem:s7], [sflag:s23] =	dma.local [hbm:s5], s21  }
0x16: {  	_ =	swait.ge [sflag:s23], s21  }
0x17: {  	s4 =	ssub.s32 $0x0, s21;
	[sflag:s23] =	ssyncset.done $0x0  }
0x18: {  	[sflag:s23] =	ssyncadd.s32 s4;
	_ =	sdelay $0x1  }
0x19: {  	s24 =	simm.s32 $0x1B8B  }
0x1a: {  	_ =	swait.ge [sflag:s24], $0x1  }
0x1b: {  	[sflag:s24] =	ssyncset.done $0x0  }
0x1c: {  	s26 =	simm.s32 $0x1B8E;
	s25 =	sld [smem:$0x3FFE];
	[sflag:s24] =	ssyncadd.s32 $0xFFFFFFFF  }
0x1d: {  	s27 =	simm.s32 $execute0_lowered;
	[smem:$0x3FD2] =	sst s26  }
0x1e: {  	s5 =	sshll.u32 s27, $0x1;
	_ =	strace $0x80000049;
	[dreg:$0x1] =	wrdreg $0xFFFFFFFF  }
0x1f: {  	s28 =	simm.s32 $_size_execute0_lowered;
	s3 =	sadd.s32 s3, s5;
	[dreg:$0x0] =	wrdreg $0x0  }
0x20: {  	s5 =	sshll.u32 s28, $0x1;
	[dreg:$0x2] =	wrdreg s3  }
0x21: {  	[dreg:$0x3] =	wrdreg s5  }
0x22: {  	[dreg:$0x4] =	wrdreg $0xC0  }
0x23: {  	_ =	task [dreg:s7], $0x5FFFF  }
0x24: {  	[dreg:$0x1] =	wrdreg $0xFFFFFFFF  }
0x25: {  	[dreg:$0x0] =	wrdreg $0x60  }
0x26: {  	[dreg:$0x2] =	wrdreg s25  }
0x27: {  	[dreg:$0x3] =	wrdreg s2  }
0x28: {  	[dreg:$0x4] =	wrdreg $0x9  }
0x29: {  	_ =	task.clear_ibuf [dreg:s7], $0x5FFFF;
	_ =	strace $0x90000049  }
0x2a: {  	s29 =	simm.s32 $0x9;
	_ =	strace $0x8000004B  }
0x2b: {  	_ =	swait.ge [sflag:s29], $0x1  }
0x2c: {  	[sflag:s29] =	ssyncadd.s32 $0xFFFFFFFF  }
0x2d: {  	_ =	strace $0x9000004B  }
0x2e: {  	_ =	sfence  }
0x2f: {  	s30 =	sld [smem:$0x0];
	_ =	sdelay $0x2  }
0x30: {  	s31 =	sshll.u32 s1, $0xD;
	s1 =	sshrl.u32 s1, $0x2  }
0x31: {  	s3 =	sand.u32 $0x4000, s31;
	s1 =	sadd.s32 s1, s30  }
0x32: {  	s0 =	sor.u32 s3, s0;
	s1 =	sshll.u32 s1, $0x11  }
0x33: {  	s0 =	sor.u32 s1, s0  }
0x34: {  	s0 =	sadd.s32 $0x8F2B, s0  }
0x35: {  	[sflag:s0] =	ssyncadd.remote.s32 $0x1  }
0x36: {  	_ =	sfence.sel $0xFFFF  }
0x37: {  	[dreg:$0x0] =	wrdreg $0xFFFFFFFF;
	(pc) =	sbr.abs _section_cstart, $3  }
0x38: {  	[dreg:$0x1] =	wrdreg $0xFFFFFFFF  }
0x39: {  	_ =	task.clear_ibuf [dreg:s7], $0x2FFFF;
	_ =	strace $0x9FFFFFFF  }
0x3a: {  	(tm) =	ssettm $0x7FFFFFFF  }
0x3b: {  	_ =	shalt  }
tec
execute0_lowered:
.L_overlay_start_1:
0x0: {  	(tag) =	ssettag $0x1  }
0x1: {  	s0 =	srdreg.scid  }
0x2: {  	s1 =	sshll.u32 s0, $0x4  }
0x3: {  	s0 =	stileid.u32;
	s1 =	sand.u32 $0x10, s1  }
0x4: {  	s1 =	sor.u32 s0, s1  }
0x5: {  	s6 =	rddreg [dreg:$0x0];
	s4 =	simm.s32 $0x1;
	s2 =	sshll.u32 s1, $0x7  }
0x6: {  	s7 =	simm.s32 $0x2;
	s12 =	simm.s32 $0x0;
	s1 =	ssub.s32 $0x1000, s2  }
0x7: {  	s8 =	simm.s32 $0x8000;
	s13 =	simm.s32 $0x0;
	s3 =	sand.u32 $0xF80, s1  }
0x8: {  	s9 =	simm.s32 $0x0;
	s5 =	sshrl.u32 s1, $0xC;
	p0 =	sne.s32 s3, $0x0  }
.Ltmp0:
0x9: {  	s1 =	rddreg [dreg:$0x2];
	s4 =	simm.s32 @!p0 $0x0;
	(pc) =	sbr.rel .LBB1_1-.Ltmp0, $4  }
0xa: {  	s11 =	simm.s32 $0x0;
	s3 =	rddreg [dreg:$0x1];
	s5 =	sadd.s32 s4, s5  }
0xb: {  	_ =	strace $0x8000004A;
	s4 =	simm.s32 $0x1;
	s5 =	smul.u32 $0xC8, s5  }
0xc: {  	s6 =	sadd.s32 $0xA00, s6;
	s10 =	smov.u32 s2;
	[sflag:s4] =	ssyncpa.u1 $0x0  }
0xd: {  	p0 =	por $0x0, $0x0;
	[sflag:s7] =	ssyncpa.u1 $0x0;
	s7 =	sor.u32 $0x1, s5  }
.LBB1_4:
0xe: {  	s16 =	sshll.u32 s13, $0x3;
	s17 =	sand.u32 $0x78, s13  }
0xf: {  	s30 =	sand.u32 $0x7E00, s13;
	s12 =	sshll.u32 s12, $0xF;
	s16 =	sand.u32 $0xC00, s16  }
0x10: {  	[tilespmem:s15+$0x810 ss:$0x81] =	vst.msk $0xffff, v2;
	s31 =	sand.u32 $0x7, s13;
	s16 =	sor.u32 s17, s16;
	s17 =	sadd.s32 s3, s30  }
0x11: {  	[tilespmem:s15+$0x1020 ss:$0x81] =	vst.msk $0xffff, v0;
	s13 =	sshll.u32 s31, $0x12;
	s12 =	sadd.s32 s12, s17;
	s16 =	sshrl.u32 s16, $0x3  }
0x12: {  	[tilespmem:s15+$0x0 ss:$0x81] =	vst.msk $0xffff, v1;
	s13 =	sor.u32 $0x400, s13;
	s12 =	sadd.s32 s16, s12  }
0x13: {  	[hbm4b:s12+s13] =	stream.strided.scatter [tilespmem:s14], [sflag:$0x2], $0x2000, s8, s13, $0x20;
	[tilespmem:$0x8080] =	vst v63  }
.LBB1_5:
0x14: {  	s14 =	sadd.s32 $0x1, s9  }
0x15: {  	s12 =	sadd.s32 $0x1000, s10;
	s16 =	smov.u32 s10;
	p2 =	sgt.s32 s14, $0xC7  }
0x16: {  	s16 =	smov.u32 @p2 s12  }
0x17: {  	s14 =	simm.s32 @p2 $0x0;
	p2 =	sgt.s32 s16, $0xFFF  }
0x18: {  	s16 =	smov.u32 @p2 s2;
	p2 =	sne.s32 s11, s7  }
.Ltmp1:
0x19: {  	p1 =	slt.u32 s11, $0x2;
	(pc) =	sbr.rel @!p2 .LBB1_6-.Ltmp1, $4  }
0x1a: {  	s15 =	simm.s32 @!p1 $0x2  }
0x1b: {  	s13 =	smov.u32 s10;
	p0 =	por !p0, !p0;
	_ =	swait.ge @!p1 [sflag:s15], $0x2000  }
0x1c: {  	s12 =	smov.u32 s9;
	[sflag:s15] =	ssyncset.done @!p1 $0x0;
	s9 =	smov.u32 s14  }
0x1d: {  	s11 =	sadd.s32 $0x1, s11;
	[sflag:s15] =	ssyncadd.s32 @!p1 $0xFFFFE000;
	s10 =	smov.u32 s16  }
.LBB1_1:
0x1e: {  	p1 =	sge.u32 s11, s5  }
0x1f: {  	s14 =	sand.u32 @!p1 $0x1FFFFFF, s9  }
0x20: {  	s15 =	smulhi.u32 @!p1 $0x147AE15, s14;
	_ =	sdelay $0x1  }
0x21: {  	s15 =	smul.u32 @!p1 $0xC8, s15  }
0x22: {  	s16 =	sxor.u32 @!p1 $0xFFFFFFFF, s11;
	s17 =	smul.u32 @!p1 $0xC80, s10  }
0x23: {  	s31 =	sadd.s32 $0xFFFFFFFF, s11;
	s16 =	sshll.u32 @!p1 s16, $0xD;
	s14 =	ssub.s32 @!p1 s14, s15  }
0x24: {  	s15 =	sand.u32 @!p1 $0x2000, s16;
	s16 =	sadd.s32 @!p1 s6, s17;
	s14 =	sshll.u32 @!p1 s14, $0x4  }
0x25: {  	s17 =	simm.s32 @!p1 $0x6400;
	s14 =	sadd.s32 @!p1 s14, s16;
	s16 =	simm.s32 @!p1 $0x40  }
0x26: {  	[tilespmem:s15], [sflag:$0x1] =	stream.strided.gather @!p1 [hbm4b:s14+s16], $0x2000, s17, s16, $0x38;
	[tilespmem:$0x8080] =	vst v63  }
0x27: {  	p1 =	sge.u32 s31, s5  }
.Ltmp2:
0x28: {  	_ = 	snop;
	(pc) =	sbr.rel @p1 .LBB1_5-.Ltmp2, $1  }
0x29: {  	_ =	sdelay $0x3  }
0x2a: {  	s14 =	simm.s32 $0x1  }
0x2b: {  	_ =	swait.ge [sflag:s4], $0x2000;
	s14 =	simm.s32 @!p0 $0x0  }
0x2c: {  	[sflag:s4] =	ssyncset.done $0x0;
	s15 =	sshll.u32 s14, $0xD  }
0x2d: {  	[sflag:s4] =	ssyncadd.s32 $0xFFFFE000;
	s18 =	sor.u32 $0x20, s15  }
0x2e: {  	s14 =	smul.u32 $0x8100, s14;
	v3 =	vld [tilespmem:s18+$0x10]  }
0x2f: {  	s30 =	sand.u32 $0x1, s11;
	v2 =	vld [tilespmem:s18+$0xFFFFFFF0]  }
0x30: {  	s15 =	smul.u32 $0x8100, s30;
	s14 =	sshrl.u32 s14, $0x2;
	v0 =	vld [tilespmem:s18+$0x0]  }
0x31: {  	v1 =	vld [tilespmem:s18+$0xFFFFFFE0];
	s16 =	sor.u32 $0x4000, s14  }
0x32: {  	s31 =	sshrl.u32 s15, $0x2;
	s15 =	sadd.s32 $0x0, s16  }
0x33: {  	s17 =	simm.s32 $0x4;
	s18 =	sadd.s32 $0x40, s18;
	s14 =	sor.u32 $0x4000, s31;
	[tilespmem:s15+$0x1830 ss:$0x81] =	vst.msk $0xffff, v3  }
.LBB1_3:
0x34: {  	v3 =	vld [tilespmem:s18+$0x10];
	p1 =	sne.s32 s17, $0x1FC;
	[tilespmem:s15+$0x810 ss:$0x81] =	vst.msk $0xffff, v2;
	s19 =	smov.u32 s17;
	s17 =	sadd.s32 $0x4, s17  }
.Ltmp3:
0x35: {  	v2 =	vld [tilespmem:s18+$0xFFFFFFF0];
	[tilespmem:s15+$0x1020 ss:$0x81] =	vst.msk $0xffff, v0;
	(pc) =	sbr.rel @p1 .LBB1_3-.Ltmp3, $4  }
0x36: {  	v0 =	vld [tilespmem:s18+$0x0];
	[tilespmem:s15+$0x0 ss:$0x81] =	vst.msk $0xffff, v1  }
0x37: {  	s15 =	sshra.s32 s19, $0x2;
	v1 =	vld [tilespmem:s18+$0xFFFFFFE0]  }
0x38: {  	s15 =	sadd.s32 s15, s16  }
0x39: {  	s18 =	sadd.s32 $0x40, s18;
	[tilespmem:s15+$0x1830 ss:$0x81] =	vst.msk $0xffff, v3  }
.Ltmp4:
0x3a: {  	_ = 	snop;
	(pc) =	sbr.rel .LBB1_4-.Ltmp4, $1  }
0x3b: {  	_ =	sdelay $0x3  }
.LBB1_6:
0x3c: {  	_ =	sfence.sel $0x180000  }
0x3d: {  	s2 =	simm.s32 $0x1;
	[bflag:$0x0] =	sbarrier.arrive $0xFFFF  }
0x3e: {  	s31 =	simm.s32 $0x2;
	[sflag:s2] =	ssyncpa.u1 $0x1  }
0x3f: {  	[sflag:s31] =	ssyncpa.u1 $0x1  }
0x40: {  	p0 =	sne.s32 s0, $0x0;
	_ =	strace $0x9000004A  }
0x41: {  	s0 =	sadd.s32 @!p0 $0x100000, s1;
	[bflag:$0x2] =	sbarrier.arrive $0xFFFF  }
0x42: {  	[sflag:s0] =	ssyncadd.tile.s32 @!p0 $0x1;
	_ =	shalt  }
.Lfunc_end1:
_tile_overlayer_lowered:
.L_overlay_start_2:
0x43: {  	(tag) =	ssettag $0x2  }
0x44: {  	s0 =	rddreg [dreg:$0x0];
	s2 =	stileid.u32  }
0x45: {  	s1 =	rddreg [dreg:$0x1];
	p0 =	sne.s32 s2, $0x0  }
0x46: {  	s3 =	rddreg [dreg:$0x2];
	[bflag:$0x3] =	sbarrier.arrive $0xFFFF;
	s2 =	simm.s32 @!p0 $0x1C01  }
0x47: {  	[timem:s3], [sflag:s2] =	dma.local @!p0 [hbm:s0], s1  }
0x48: {  	s0 =	simm.s32 @!p0 $0x1  }
0x49: {  	_ =	swait.ge @!p0 [sflag:s0], s1  }
0x4a: {  	s1 =	ssub.s32 @!p0 $0x0, s1;
	[sflag:s0] =	ssyncset.done @!p0 $0x0  }
0x4b: {  	[sflag:s0] =	ssyncadd.s32 @!p0 s1  }
0x4c: {  	[bflag:$0x3] =	sbarrier.arrive $0xFFFF  }
0x4d: {  	_ =	shalt  }

</sc_bundles>
